<compile_context>
chip_gen: v7x
topology: tpu7x:2x2x1
jax: 0.10.2.dev20260603
libtpu: 0.0.44.dev20260713+nightly
codegen_flags: <defaults>
</compile_context>

<pallas_src>
import functools

import jax
import jax.numpy as jnp
from jax import lax
from jax.experimental import pallas as pl
from jax.experimental.pallas import tpu as pltpu
from jax.experimental.pallas import tpu_sc as plsc

N = 10000
E = 320000
D = 128

NC = 2
NS = 16
NW = NC * NS
EPW = E // NW
CH = 128
GCH = 8
NGRP = 10
NCHUNK = NGRP * GCH
EPW_PAD = NCHUNK * CH
PAD_E = EPW_PAD - EPW
NROWS = N + 112
RPT = NROWS // NS

BLK = 1000
GRID = N // BLK



def _sc_deg_body(dstp_hbm, z128_hbm, ones_hbm, deg_hbm,
                 dst_v, ones_v, acc_sh):
    cid = lax.axis_index("c")
    sid = lax.axis_index("s")
    wid = cid * NS + sid
    r0 = sid * RPT
    pltpu.sync_copy(z128_hbm.at[pl.ds(r0, RPT)], acc_sh.at[pl.ds(r0, RPT)])
    pltpu.sync_copy(ones_hbm, ones_v)
    plsc.subcore_barrier()

    def group(g, carry):
        pltpu.sync_copy(dstp_hbm.at[wid, pl.ds(g * GCH, GCH)], dst_v)

        def body(j, c):
            pltpu.sync_copy(ones_v, acc_sh.at[dst_v.at[j]], add=True)
            return c

        return lax.fori_loop(0, GCH, body, carry)

    lax.fori_loop(0, NGRP, group, 0)
    plsc.subcore_barrier()
    out0 = cid * NROWS + r0
    pltpu.sync_copy(acc_sh.at[pl.ds(r0, RPT)], deg_hbm.at[pl.ds(out0, RPT)])


def _sc_seg_body(feat_hbm, srcp_hbm, dstp_hbm, z128_hbm, sum_hbm,
                 src_v, dst_v, rows_v0, rows_v1, acc_sh, sem0, sem1):
    cid = lax.axis_index("c")
    sid = lax.axis_index("s")
    wid = cid * NS + sid
    r0 = sid * RPT
    pltpu.sync_copy(z128_hbm.at[pl.ds(r0, RPT)], acc_sh.at[pl.ds(r0, RPT)])
    plsc.subcore_barrier()

    rows = (rows_v0, rows_v1)
    sems = (sem0, sem1)

    def group(g, carry):
        pltpu.sync_copy(srcp_hbm.at[wid, pl.ds(g * GCH, GCH)], src_v)
        pltpu.sync_copy(dstp_hbm.at[wid, pl.ds(g * GCH, GCH)], dst_v)
        def start(k):
            b, s = rows[k % 2], sems[k % 2]
            pltpu.async_copy(feat_hbm.at[src_v.at[k, pl.ds(0, CH // 2)]],
                             b.at[pl.ds(0, CH // 2)], s)
            pltpu.async_copy(feat_hbm.at[src_v.at[k, pl.ds(CH // 2, CH // 2)]],
                             b.at[pl.ds(CH // 2, CH // 2)], s)

        def drain(k):
            b, s = rows[k % 2], sems[k % 2]
            pltpu.make_async_copy(feat_hbm.at[src_v.at[k, pl.ds(0, CH // 2)]],
                                  b.at[pl.ds(0, CH // 2)], s).wait()
            pltpu.make_async_copy(feat_hbm.at[src_v.at[k, pl.ds(CH // 2, CH // 2)]],
                                  b.at[pl.ds(CH // 2, CH // 2)], s).wait()

        start(0)
        for k in range(GCH):
            if k + 1 < GCH:
                start(k + 1)
            drain(k)
            pltpu.sync_copy(rows[k % 2], acc_sh.at[dst_v.at[k]], add=True)
        return carry

    lax.fori_loop(0, NGRP, group, 0)
    plsc.subcore_barrier()
    out0 = cid * NROWS + r0
    pltpu.sync_copy(acc_sh.at[pl.ds(r0, RPT)], sum_hbm.at[pl.ds(out0, RPT)])


@functools.cache
def _sc_calls():
    mesh = plsc.VectorSubcoreMesh(core_axis_name="c", subcore_axis_name="s")
    deg_call = pl.kernel(
        _sc_deg_body,
        out_type=jax.ShapeDtypeStruct((NC * NROWS, D), jnp.float32),
        mesh=mesh,
        scratch_types=[
            pltpu.VMEM((GCH, CH), jnp.int32),
            pltpu.VMEM((CH, D), jnp.float32),
            pltpu.VMEM_SHARED((NROWS, D), jnp.float32),
        ],
    )
    seg = pl.kernel(
        _sc_seg_body,
        out_type=jax.ShapeDtypeStruct((NC * NROWS, D), jnp.float32),
        mesh=mesh,
        scratch_types=[
            pltpu.VMEM((GCH, CH), jnp.int32),
            pltpu.VMEM((GCH, CH), jnp.int32),
            pltpu.VMEM((CH, D), jnp.float32),
            pltpu.VMEM((CH, D), jnp.float32),
            pltpu.VMEM_SHARED((NROWS, D), jnp.float32),
            pltpu.SemaphoreType.DMA,
            pltpu.SemaphoreType.DMA,
        ],
    )
    return deg_call, seg



def _enc_mlp_body(x_ref, w0_ref, g_ref, b_ref, w1_ref, b1_ref, o_ref):
    h = jnp.dot(x_ref[...], w0_ref[...], preferred_element_type=jnp.float32)
    h = jnp.maximum(h * g_ref[...] + b_ref[...], 0.0)
    o_ref[...] = (jnp.dot(h, w1_ref[...], preferred_element_type=jnp.float32)
                  + b1_ref[...])


def _mid_body(sum_ref, deg_ref, feat1_ref, eps_ref,
              wv_ref, wp_ref, bp_ref,
              w0e_ref, ge_ref, be_ref, w1e_ref, b1e_ref,
              w0d_ref, gd_ref, bd_ref, w1d_ref, b1d_ref,
              save_ref, featd_ref):
    s = sum_ref[0] + sum_ref[1]
    dsum = deg_ref[0, :, 0:1] + deg_ref[1, :, 0:1]
    keyf = jnp.where(dsum > 0.0, s / jnp.maximum(dsum, 1.0), 0.0)
    v = jnp.dot(keyf, wv_ref[...], preferred_element_type=jnp.float32)
    o = (jnp.dot(v, wp_ref[...], preferred_element_type=jnp.float32)
         + bp_ref[...] + feat1_ref[...])
    h = jnp.dot(o, w0e_ref[...], preferred_element_type=jnp.float32)
    h = jnp.maximum(h * ge_ref[...] + be_ref[...], 0.0)
    h = (jnp.dot(h, w1e_ref[...], preferred_element_type=jnp.float32)
         + b1e_ref[...])
    mean = h[:, :D]
    logvar = h[:, D:]
    fs = mean + jnp.exp(logvar) * 0.5 * eps_ref[...]
    save_ref[...] = fs
    hc = jnp.concatenate([fs, o], axis=1)
    hd = jnp.dot(hc, w0d_ref[...], preferred_element_type=jnp.float32)
    hd = jnp.maximum(hd * gd_ref[...] + bd_ref[...], 0.0)
    featd_ref[...] = (jnp.dot(hd, w1d_ref[...], preferred_element_type=jnp.float32)
                      + b1d_ref[...])


def _final_body(sum_ref, deg_ref, featd_ref, wv_ref, wp_ref, bp_ref, o_ref):
    s = sum_ref[0] + sum_ref[1]
    dsum = deg_ref[0, :, 0:1] + deg_ref[1, :, 0:1]
    keyf = jnp.where(dsum > 0.0, s / jnp.maximum(dsum, 1.0), 0.0)
    v = jnp.dot(keyf, wv_ref[...], preferred_element_type=jnp.float32)
    o_ref[...] = (jnp.dot(v, wp_ref[...], preferred_element_type=jnp.float32)
                  + bp_ref[...] + featd_ref[...])


def _full(shape):
    return pl.BlockSpec(shape, lambda i: tuple(0 for _ in shape))


def _rows(shape):
    if len(shape) == 2:
        return pl.BlockSpec(shape, lambda i: (i, 0))
    return pl.BlockSpec(shape, lambda i: (0, i, 0))


def _bn_scale(g):
    return (g / jnp.sqrt(1.0 + 1e-5)).reshape(1, -1)


def _mlp_branch_small(p, h):
    h1 = h @ p["W0"]
    h1 = jax.nn.relu((h1 / jnp.sqrt(1.0 + 1e-5)) * p["g"] + p["b"])
    return h1 @ p["W1"] + p["b1"]


def kernel(x, edge_index, params):
    src = edge_index[0].reshape(NW, EPW)
    dst = edge_index[1].reshape(NW, EPW)
    src_pad = jnp.zeros((NW, PAD_E), jnp.int32)
    dst_pad = jnp.broadcast_to(
        (N + (jnp.arange(PAD_E, dtype=jnp.int32) % 16))[None, :], (NW, PAD_E))
    srcp = jnp.concatenate([src, src_pad], axis=1).reshape(NW, NCHUNK, CH)
    dstp = jnp.concatenate([dst, dst_pad], axis=1).reshape(NW, NCHUNK, CH)

    z128 = jnp.zeros((NROWS, D), jnp.float32)
    ones = jnp.ones((CH, D), jnp.float32)

    emb1 = _mlp_branch_small(params["enc0"]["e"], params["e_emb"])
    embh = _mlp_branch_small(params["encmlp"]["e"], emb1)
    eps_e = jax.random.normal(jax.random.fold_in(jax.random.key(42), 1),
                              (1, D), jnp.float32)
    save_emb = embh[:, :D] + jnp.exp(embh[:, D:]) * 0.5 * eps_e
    emb2 = _mlp_branch_small(params["dec0"]["e"],
                             jnp.concatenate([save_emb, emb1], axis=-1))
    eps_f = jax.random.normal(jax.random.fold_in(jax.random.key(42), 0),
                              (N, D), jnp.float32)

    a0, a1 = params["attn0"], params["dattn0"]
    wv1 = emb1[0][:, None] * a0["Wv"]
    wv2 = emb2[0][:, None] * a1["Wv"]

    pn = params["enc0"]["nodes"]
    pe = params["encmlp"]["nodes"]
    pd = params["dec0"]["nodes"]

    feat1 = pl.pallas_call(
        _enc_mlp_body,
        grid=(GRID,),
        in_specs=[_rows((BLK, D)), _full((D, D)), _full((1, D)),
                  _full((1, D)), _full((D, D)), _full((1, D))],
        out_specs=_rows((BLK, D)),
        out_shape=jax.ShapeDtypeStruct((N, D), jnp.float32),
    )(x, pn["W0"], _bn_scale(pn["g"]), pn["b"].reshape(1, -1),
      pn["W1"], pn["b1"].reshape(1, -1))

    _deg_call, _seg_call = _sc_calls()
    deg = _deg_call(dstp, z128, ones).reshape(NC, NROWS, D)
    sum1 = _seg_call(feat1, srcp, dstp, z128).reshape(NC, NROWS, D)

    save_feat, featd = pl.pallas_call(
        _mid_body,
        grid=(GRID,),
        in_specs=[_rows((NC, BLK, D)), _rows((NC, BLK, D)),
                  _rows((BLK, D)), _rows((BLK, D)),
                  _full((D, 2 * D)), _full((2 * D, D)), _full((1, D)),
                  _full((D, 2 * D)), _full((1, 2 * D)), _full((1, 2 * D)),
                  _full((2 * D, 2 * D)), _full((1, 2 * D)),
                  _full((2 * D, D)), _full((1, D)), _full((1, D)),
                  _full((D, D)), _full((1, D))],
        out_specs=(_rows((BLK, D)), _rows((BLK, D))),
        out_shape=(jax.ShapeDtypeStruct((N, D), jnp.float32),
                   jax.ShapeDtypeStruct((N, D), jnp.float32)),
    )(sum1, deg, feat1, eps_f,
      wv1, a0["Wp"], a0["bp"].reshape(1, -1),
      pe["W0"], _bn_scale(pe["g"]), pe["b"].reshape(1, -1),
      pe["W1"], pe["b1"].reshape(1, -1),
      pd["W0"], _bn_scale(pd["g"]), pd["b"].reshape(1, -1),
      pd["W1"], pd["b1"].reshape(1, -1))

    sum2 = _seg_call(featd, srcp, dstp, z128).reshape(NC, NROWS, D)

    feat_out = pl.pallas_call(
        _final_body,
        grid=(GRID,),
        in_specs=[_rows((NC, BLK, D)), _rows((NC, BLK, D)), _rows((BLK, D)),
                  _full((D, 2 * D)), _full((2 * D, D)), _full((1, D))],
        out_specs=_rows((BLK, D)),
        out_shape=jax.ShapeDtypeStruct((N, D), jnp.float32),
    )(sum2, deg, featd, wv2, a1["Wp"], a1["bp"].reshape(1, -1))

    return x, params["e_emb"], save_feat, save_emb, feat_out, emb2

# --- scband reference (transcript-rebuilt; emitter-appended) ---
"""Pipeline reference for scband-vae-44083544326961 (READ-ONLY COPY).

The authoritative reference and input builder live on the scoring server;
editing this copy changes nothing except your own understanding.
"""

import jax, jax.numpy as jnp
import numpy as np

N_NODES = 10000
N_EDGES = 320000
IN_DIM = 128
D1 = 128


def _lin(key, din, dout):
    return jax.random.normal(key, (din, dout), dtype=jnp.float32) * 0.05


def _mlp_params(key, din, dout):
    ks = jax.random.split(key, 4)
    def branch(k1, k2):
        return {"W0": _lin(k1, din, dout),
                "g": jnp.ones((dout,), jnp.float32),
                "b": jnp.zeros((dout,), jnp.float32),
                "W1": _lin(k2, dout, dout),
                "b1": jnp.zeros((dout,), jnp.float32)}
    return {"nodes": branch(ks[0], ks[1]), "e": branch(ks[2], ks[3])}


def _attn_params(key, dim, hid):
    ks = jax.random.split(key, 5)
    return {"Wq": _lin(ks[0], dim, hid), "Wk": _lin(ks[1], dim, hid),
            "Wv": _lin(ks[2], dim, hid), "Wa": _lin(ks[3], hid, hid),
            "ba": jnp.zeros((hid,), jnp.float32),
            "Wp": _lin(ks[4], hid, dim), "bp": jnp.zeros((dim,), jnp.float32)}


def setup_inputs(seed: int = 0):
    key = jax.random.key(seed)
    ks = jax.random.split(key, 8)
    x = jax.random.normal(ks[0], (N_NODES, IN_DIM), dtype=jnp.float32)
    edge_index = jax.random.randint(ks[1], (2, N_EDGES), 0, N_NODES, dtype=jnp.int32)
    params = {
        "e_emb": jax.random.normal(ks[2], (1, IN_DIM), dtype=jnp.float32) * 0.05,
        "enc0": _mlp_params(ks[3], IN_DIM, D1),
        "attn0": _attn_params(ks[4], D1, 2 * D1),
        "encmlp": _mlp_params(ks[5], D1, 2 * D1),
        "dec0": _mlp_params(ks[6], 2 * D1, IN_DIM),
        "dattn0": _attn_params(ks[7], IN_DIM, 2 * IN_DIM),
    }
    return {"x": x, "edge_index": edge_index, "params": params}


def _bn(h, g, b):
    # BatchNorm1d in eval mode with running_mean=0, running_var=1
    return (h / jnp.sqrt(1.0 + 1e-5)) * g + b


def _mlp_branch(p, h):
    h = h @ p["W0"]
    h = jax.nn.relu(_bn(h, p["g"], p["b"]))
    return h @ p["W1"] + p["b1"]


def _mlp(p, feat, emb):
    return _mlp_branch(p["nodes"], feat), _mlp_branch(p["e"], emb)


def _gconv_attn(p, x, src, dst, emb_vec):
    # u_mul_e message: src feature * per-etype embedding vector, then mean over in-edges
    m = x[src] * emb_vec[None, :]
    s = jax.ops.segment_sum(m, dst, num_segments=N_NODES)
    deg = jax.ops.segment_sum(jnp.ones((m.shape[0],), jnp.float32), dst, num_segments=N_NODES)
    keyf = jnp.where(deg[:, None] > 0, s / jnp.maximum(deg, 1.0)[:, None], 0.0)
    k3 = keyf[:, None, :]  # stack over etypes (single etype -> size-1 axis)
    q = (x @ p["Wq"])[:, None, :]
    k = jnp.einsum('nsd,dh->nsh', k3, p["Wk"])
    v = jnp.einsum('nsd,dh->nsh', k3, p["Wv"])
    a = jax.nn.softmax((q - k) @ p["Wa"] + p["ba"], axis=1)
    o = jnp.sum(a * v, axis=1)
    return o @ p["Wp"] + p["bp"] + x


def _param_sample(h, key):
    mean, logvar = jnp.split(h, 2, axis=-1)
    eps = jax.random.normal(key, mean.shape, dtype=h.dtype)
    return mean + jnp.exp(logvar) * 0.5 * eps


def _forward(x, src, dst, params):
    # encoder: identity on node feat, learned per-etype embedding e_emb
    feat, emb = x, params["e_emb"]
    enc_feat, enc_emb = feat, emb
    # encoder stack (dims=[128])
    feat, emb = _mlp(params["enc0"], feat, emb)
    feat = _gconv_attn(params["attn0"], feat, src, dst, emb[0])
    skip_feat, skip_emb = feat, emb
    # enc_mlp to 2*dim then reparameterize
    feat, emb = _mlp(params["encmlp"], feat, emb)
    kk = jax.random.key(42)
    feat = _param_sample(feat, jax.random.fold_in(kk, 0))
    emb = _param_sample(emb, jax.random.fold_in(kk, 1))
    save_feat, save_emb = feat, emb
    # decoder with skip connections
    feat = jnp.concatenate([feat, skip_feat], axis=-1)
    emb = jnp.concatenate([emb, skip_emb], axis=-1)
    feat, emb = _mlp(params["dec0"], feat, emb)
    feat = _gconv_attn(params["dattn0"], feat, src, dst, emb[0])
    return enc_feat, enc_emb, save_feat, save_emb, feat, emb


def reference(x, edge_index, params):
    src = edge_index[0]
    dst = edge_index[1]
    return _forward(x, src, dst, params)

if __name__ == "__main__":
    import jax
    _d = setup_inputs()
    print(jax.jit(kernel)(*tuple(_d.values())))

</pallas_src>

<mosaic_0001>
#map = affine_map<(d0, d1) -> (0, 0)>
#map1 = affine_map<(d0, d1) -> (0, 0, 0)>
module attributes {stable_mosaic.version = 14 : i64} {
  func.func @_sc_seg_body(%arg0: i32, %arg1: i32, %arg2: memref<10000x128xf32, #tpu.memory_space<hbm>>, %arg3: memref<32x80x128xi32, #tpu.memory_space<hbm>>, %arg4: memref<32x80x128xi32, #tpu.memory_space<hbm>>, %arg5: memref<10112x128xf32, #tpu.memory_space<hbm>>, %arg6: memref<20224x128xf32, #tpu.memory_space<hbm>>, %arg7: memref<8x128xi32, #tpu.memory_space<vmem>>, %arg8: memref<8x128xi32, #tpu.memory_space<vmem>>, %arg9: memref<128x128xf32, #tpu.memory_space<vmem>>, %arg10: memref<128x128xf32, #tpu.memory_space<vmem>>, %arg11: memref<10112x128xf32, #tpu.memory_space<vmem_shared>>, %arg12: memref<!tpu.dma_semaphore, #tpu.memory_space<semaphore_mem>>, %arg13: memref<!tpu.dma_semaphore, #tpu.memory_space<semaphore_mem>>) attributes {dimension_semantics = [#tpu.dimension_semantics<core_parallel>, #tpu.dimension_semantics<subcore_parallel>], iteration_bounds = array<i64: 2, 16>, scalar_prefetch = 0 : i64, scratch_operands = 7 : i64, tpu.core_type = #tpu.core_type<sc_vector_subcore>, window_params = [{transform_indices = #map}, {transform_indices = #map1}, {transform_indices = #map1}, {transform_indices = #map}, {transform_indices = #map}]} {
    %mul3A = arith.constant 16 : i32
    %mul3A_0 = arith.muli %arg0, %mul3A : i32
    %add3A = arith.addi %mul3A_0, %arg1 : i32
    %mul3A_1 = arith.constant 632 : i32
    %mul3A_2 = arith.muli %arg1, %mul3A_1 : i32
    "tpu.region"() ({
      %run_scoped3A = tpu.sem_alloc : memref<!tpu.dma_semaphore, #tpu.memory_space<semaphore_mem>>
      %dma_start3A = arith.constant 0 : i32
      %dma_start3A_12 = tpu.memref_slice %arg11[%mul3A_2, %dma_start3A] : memref<10112x128xf32, #tpu.memory_space<vmem_shared>> -> memref<632x128xf32, #tpu.memory_space<vmem_shared>>
      %dma_start3A_13 = arith.constant 0 : i32
      %dma_start3A_14 = tpu.memref_slice %arg5[%mul3A_2, %dma_start3A_13] : memref<10112x128xf32, #tpu.memory_space<hbm>> -> memref<632x128xf32, #tpu.memory_space<hbm>>
      tpu.enqueue_dma source(%dma_start3A_14 : memref<632x128xf32, #tpu.memory_space<hbm>>) target(%dma_start3A_12 : memref<632x128xf32, #tpu.memory_space<vmem_shared>>) target_semaphore(%run_scoped3A : memref<!tpu.dma_semaphore, #tpu.memory_space<semaphore_mem>>)
      %dma_wait3A = arith.constant 0 : i32
      %dma_wait3A_15 = tpu.memref_slice %arg11[%mul3A_2, %dma_wait3A] : memref<10112x128xf32, #tpu.memory_space<vmem_shared>> -> memref<632x128xf32, #tpu.memory_space<vmem_shared>>
      %dma_wait3A_16 = arith.constant 0 : i32
      %dma_wait3A_17 = tpu.memref_slice %arg5[%mul3A_2, %dma_wait3A_16] : memref<10112x128xf32, #tpu.memory_space<hbm>> -> memref<632x128xf32, #tpu.memory_space<hbm>>
      tpu.wait_dma2 semaphore(%run_scoped3A : memref<!tpu.dma_semaphore, #tpu.memory_space<semaphore_mem>>) src(%dma_wait3A_17 : memref<632x128xf32, #tpu.memory_space<hbm>>) dst(%dma_wait3A_15 : memref<632x128xf32, #tpu.memory_space<vmem_shared>>)
      tpu.yield
    }) : () -> ()
    %barrier3A = arith.constant 0 : index
    tpu.barrier barrier_id(%barrier3A)
    %scan3A = arith.constant 0 : i32
    %scan3A_3 = arith.constant 0 : i32
    %scan3A_4 = arith.constant 10 : i32
    %scan3A_5 = arith.addi %scan3A_3, %scan3A_4 : i32
    %scan3A_6 = arith.constant 1 : i32
    scf.for %scan3A_12 = %scan3A_3 to %scan3A_5 step %scan3A_6  : i32 {
      %mul3A_13 = arith.constant 8 : i32
      %mul3A_14 = arith.muli %scan3A_12, %mul3A_13 : i32
      "tpu.region"() ({
        %run_scoped3A_342 = tpu.sem_alloc : memref<!tpu.dma_semaphore, #tpu.memory_space<semaphore_mem>>
        %dma_start3A_343 = arith.constant 0 : i32
        %dma_start3A_344 = tpu.memref_slice %arg3[%add3A, %mul3A_14, %dma_start3A_343] : memref<32x80x128xi32, #tpu.memory_space<hbm>> -> memref<1x8x128xi32, #tpu.memory_space<hbm>>
        %dma_start3A_345 = tpu.memref_squeeze %dma_start3A_344 : memref<1x8x128xi32, #tpu.memory_space<hbm>> -> memref<8x128xi32, #tpu.memory_space<hbm>>
        %dma_start3A_346 = arith.constant 0 : i32
        %dma_start3A_347 = tpu.memref_slice %arg3[%add3A, %mul3A_14, %dma_start3A_346] : memref<32x80x128xi32, #tpu.memory_space<hbm>> -> memref<1x8x128xi32, #tpu.memory_space<hbm>>
        %dma_start3A_348 = tpu.memref_squeeze %dma_start3A_347 : memref<1x8x128xi32, #tpu.memory_space<hbm>> -> memref<8x128xi32, #tpu.memory_space<hbm>>
        tpu.enqueue_dma source(%dma_start3A_348 : memref<8x128xi32, #tpu.memory_space<hbm>>) target(%arg7 : memref<8x128xi32, #tpu.memory_space<vmem>>) target_semaphore(%run_scoped3A_342 : memref<!tpu.dma_semaphore, #tpu.memory_space<semaphore_mem>>)
        %dma_wait3A_349 = arith.constant 0 : i32
        %dma_wait3A_350 = tpu.memref_slice %arg3[%add3A, %mul3A_14, %dma_wait3A_349] : memref<32x80x128xi32, #tpu.memory_space<hbm>> -> memref<1x8x128xi32, #tpu.memory_space<hbm>>
        %dma_wait3A_351 = tpu.memref_squeeze %dma_wait3A_350 : memref<1x8x128xi32, #tpu.memory_space<hbm>> -> memref<8x128xi32, #tpu.memory_space<hbm>>
        %dma_wait3A_352 = arith.constant 0 : i32
        %dma_wait3A_353 = tpu.memref_slice %arg3[%add3A, %mul3A_14, %dma_wait3A_352] : memref<32x80x128xi32, #tpu.memory_space<hbm>> -> memref<1x8x128xi32, #tpu.memory_space<hbm>>
        %dma_wait3A_354 = tpu.memref_squeeze %dma_wait3A_353 : memref<1x8x128xi32, #tpu.memory_space<hbm>> -> memref<8x128xi32, #tpu.memory_space<hbm>>
        tpu.wait_dma2 semaphore(%run_scoped3A_342 : memref<!tpu.dma_semaphore, #tpu.memory_space<semaphore_mem>>) src(%dma_wait3A_354 : memref<8x128xi32, #tpu.memory_space<hbm>>) dst(%arg7 : memref<8x128xi32, #tpu.memory_space<vmem>>)
        tpu.yield
      }) : () -> ()
      %mul3A_15 = arith.constant 8 : i32
      %mul3A_16 = arith.muli %scan3A_12, %mul3A_15 : i32
      "tpu.region"() ({
        %run_scoped3A_342 = tpu.sem_alloc : memref<!tpu.dma_semaphore, #tpu.memory_space<semaphore_mem>>
        %dma_start3A_343 = arith.constant 0 : i32
        %dma_start3A_344 = tpu.memref_slice %arg4[%add3A, %mul3A_16, %dma_start3A_343] : memref<32x80x128xi32, #tpu.memory_space<hbm>> -> memref<1x8x128xi32, #tpu.memory_space<hbm>>
        %dma_start3A_345 = tpu.memref_squeeze %dma_start3A_344 : memref<1x8x128xi32, #tpu.memory_space<hbm>> -> memref<8x128xi32, #tpu.memory_space<hbm>>
        %dma_start3A_346 = arith.constant 0 : i32
        %dma_start3A_347 = tpu.memref_slice %arg4[%add3A, %mul3A_16, %dma_start3A_346] : memref<32x80x128xi32, #tpu.memory_space<hbm>> -> memref<1x8x128xi32, #tpu.memory_space<hbm>>
        %dma_start3A_348 = tpu.memref_squeeze %dma_start3A_347 : memref<1x8x128xi32, #tpu.memory_space<hbm>> -> memref<8x128xi32, #tpu.memory_space<hbm>>
        tpu.enqueue_dma source(%dma_start3A_348 : memref<8x128xi32, #tpu.memory_space<hbm>>) target(%arg8 : memref<8x128xi32, #tpu.memory_space<vmem>>) target_semaphore(%run_scoped3A_342 : memref<!tpu.dma_semaphore, #tpu.memory_space<semaphore_mem>>)
        %dma_wait3A_349 = arith.constant 0 : i32
        %dma_wait3A_350 = tpu.memref_slice %arg4[%add3A, %mul3A_16, %dma_wait3A_349] : memref<32x80x128xi32, #tpu.memory_space<hbm>> -> memref<1x8x128xi32, #tpu.memory_space<hbm>>
        %dma_wait3A_351 = tpu.memref_squeeze %dma_wait3A_350 : memref<1x8x128xi32, #tpu.memory_space<hbm>> -> memref<8x128xi32, #tpu.memory_space<hbm>>
        %dma_wait3A_352 = arith.constant 0 : i32
        %dma_wait3A_353 = tpu.memref_slice %arg4[%add3A, %mul3A_16, %dma_wait3A_352] : memref<32x80x128xi32, #tpu.memory_space<hbm>> -> memref<1x8x128xi32, #tpu.memory_space<hbm>>
        %dma_wait3A_354 = tpu.memref_squeeze %dma_wait3A_353 : memref<1x8x128xi32, #tpu.memory_space<hbm>> -> memref<8x128xi32, #tpu.memory_space<hbm>>
        tpu.wait_dma2 semaphore(%run_scoped3A_342 : memref<!tpu.dma_semaphore, #tpu.memory_space<semaphore_mem>>) src(%dma_wait3A_354 : memref<8x128xi32, #tpu.memory_space<hbm>>) dst(%arg8 : memref<8x128xi32, #tpu.memory_space<vmem>>)
        tpu.yield
      }) : () -> ()
      %dma_start3A = arith.constant 0 : i32
      %dma_start3A_17 = arith.constant 0 : i32
      %dma_start3A_18 = arith.constant 0 : i32
      %dma_start3A_19 = tpu.memref_slice %arg9[%dma_start3A_17, %dma_start3A_18] : memref<128x128xf32, #tpu.memory_space<vmem>> -> memref<64x128xf32, #tpu.memory_space<vmem>>
      %dma_start3A_20 = arith.constant 0 : i32
      %dma_start3A_21 = tpu.memref_slice %arg7[%dma_start3A, %dma_start3A_20] : memref<8x128xi32, #tpu.memory_space<vmem>> -> memref<1x64xi32, #tpu.memory_space<vmem>>
      %dma_start3A_22 = tpu.memref_squeeze %dma_start3A_21 : memref<1x64xi32, #tpu.memory_space<vmem>> -> memref<64xi32, #tpu.memory_space<vmem>>
      %dma_start3A_23 = arith.constant 0 : i32
      %dma_start3A_24 = arith.constant 0 : i32
      %dma_start3A_25 = tpu.memref_slice %arg2[%dma_start3A_23, %dma_start3A_24] : memref<10000x128xf32, #tpu.memory_space<hbm>> -> memref<10000x128xf32, #tpu.memory_space<hbm>>
      tpu.enqueue_indirect_dma source(%dma_start3A_25 : memref<10000x128xf32, #tpu.memory_space<hbm>>) target(%dma_start3A_19 : memref<64x128xf32, #tpu.memory_space<vmem>>) offsets(%dma_start3A_22 : memref<64xi32, #tpu.memory_space<vmem>>) semaphore(%arg12 : memref<!tpu.dma_semaphore, #tpu.memory_space<semaphore_mem>>)
      %dma_start3A_26 = arith.constant 0 : i32
      %dma_start3A_27 = arith.constant 64 : i32
      %dma_start3A_28 = arith.constant 0 : i32
      %dma_start3A_29 = tpu.memref_slice %arg9[%dma_start3A_27, %dma_start3A_28] : memref<128x128xf32, #tpu.memory_space<vmem>> -> memref<64x128xf32, #tpu.memory_space<vmem>>
      %dma_start3A_30 = arith.constant 64 : i32
      %dma_start3A_31 = tpu.memref_slice %arg7[%dma_start3A_26, %dma_start3A_30] : memref<8x128xi32, #tpu.memory_space<vmem>> -> memref<1x64xi32, #tpu.memory_space<vmem>>
      %dma_start3A_32 = tpu.memref_squeeze %dma_start3A_31 : memref<1x64xi32, #tpu.memory_space<vmem>> -> memref<64xi32, #tpu.memory_space<vmem>>
      %dma_start3A_33 = arith.constant 0 : i32
      %dma_start3A_34 = arith.constant 0 : i32
      %dma_start3A_35 = tpu.memref_slice %arg2[%dma_start3A_33, %dma_start3A_34] : memref<10000x128xf32, #tpu.memory_space<hbm>> -> memref<10000x128xf32, #tpu.memory_space<hbm>>
      tpu.enqueue_indirect_dma source(%dma_start3A_35 : memref<10000x128xf32, #tpu.memory_space<hbm>>) target(%dma_start3A_29 : memref<64x128xf32, #tpu.memory_space<vmem>>) offsets(%dma_start3A_32 : memref<64xi32, #tpu.memory_space<vmem>>) semaphore(%arg12 : memref<!tpu.dma_semaphore, #tpu.memory_space<semaphore_mem>>)
      %dma_start3A_36 = arith.constant 1 : i32
      %dma_start3A_37 = arith.constant 0 : i32
      %dma_start3A_38 = arith.constant 0 : i32
      %dma_start3A_39 = tpu.memref_slice %arg10[%dma_start3A_37, %dma_start3A_38] : memref<128x128xf32, #tpu.memory_space<vmem>> -> memref<64x128xf32, #tpu.memory_space<vmem>>
      %dma_start3A_40 = arith.constant 0 : i32
      %dma_start3A_41 = tpu.memref_slice %arg7[%dma_start3A_36, %dma_start3A_40] : memref<8x128xi32, #tpu.memory_space<vmem>> -> memref<1x64xi32, #tpu.memory_space<vmem>>
      %dma_start3A_42 = tpu.memref_squeeze %dma_start3A_41 : memref<1x64xi32, #tpu.memory_space<vmem>> -> memref<64xi32, #tpu.memory_space<vmem>>
      %dma_start3A_43 = arith.constant 0 : i32
      %dma_start3A_44 = arith.constant 0 : i32
      %dma_start3A_45 = tpu.memref_slice %arg2[%dma_start3A_43, %dma_start3A_44] : memref<10000x128xf32, #tpu.memory_space<hbm>> -> memref<10000x128xf32, #tpu.memory_space<hbm>>
      tpu.enqueue_indirect_dma source(%dma_start3A_45 : memref<10000x128xf32, #tpu.memory_space<hbm>>) target(%dma_start3A_39 : memref<64x128xf32, #tpu.memory_space<vmem>>) offsets(%dma_start3A_42 : memref<64xi32, #tpu.memory_space<vmem>>) semaphore(%arg13 : memref<!tpu.dma_semaphore, #tpu.memory_space<semaphore_mem>>)
      %dma_start3A_46 = arith.constant 1 : i32
      %dma_start3A_47 = arith.constant 64 : i32
      %dma_start3A_48 = arith.constant 0 : i32
      %dma_start3A_49 = tpu.memref_slice %arg10[%dma_start3A_47, %dma_start3A_48] : memref<128x128xf32, #tpu.memory_space<vmem>> -> memref<64x128xf32, #tpu.memory_space<vmem>>
      %dma_start3A_50 = arith.constant 64 : i32
      %dma_start3A_51 = tpu.memref_slice %arg7[%dma_start3A_46, %dma_start3A_50] : memref<8x128xi32, #tpu.memory_space<vmem>> -> memref<1x64xi32, #tpu.memory_space<vmem>>
      %dma_start3A_52 = tpu.memref_squeeze %dma_start3A_51 : memref<1x64xi32, #tpu.memory_space<vmem>> -> memref<64xi32, #tpu.memory_space<vmem>>
      %dma_start3A_53 = arith.constant 0 : i32
      %dma_start3A_54 = arith.constant 0 : i32
      %dma_start3A_55 = tpu.memref_slice %arg2[%dma_start3A_53, %dma_start3A_54] : memref<10000x128xf32, #tpu.memory_space<hbm>> -> memref<10000x128xf32, #tpu.memory_space<hbm>>
      tpu.enqueue_indirect_dma source(%dma_start3A_55 : memref<10000x128xf32, #tpu.memory_space<hbm>>) target(%dma_start3A_49 : memref<64x128xf32, #tpu.memory_space<vmem>>) offsets(%dma_start3A_52 : memref<64xi32, #tpu.memory_space<vmem>>) semaphore(%arg13 : memref<!tpu.dma_semaphore, #tpu.memory_space<semaphore_mem>>)
      %dma_wait3A = arith.constant 0 : i32
      %dma_wait3A_56 = arith.constant 0 : i32
      %dma_wait3A_57 = arith.constant 0 : i32
      %dma_wait3A_58 = tpu.memref_slice %arg9[%dma_wait3A_56, %dma_wait3A_57] : memref<128x128xf32, #tpu.memory_space<vmem>> -> memref<64x128xf32, #tpu.memory_space<vmem>>
      %dma_wait3A_59 = arith.constant 0 : i32
      %dma_wait3A_60 = tpu.memref_slice %arg7[%dma_wait3A, %dma_wait3A_59] : memref<8x128xi32, #tpu.memory_space<vmem>> -> memref<1x64xi32, #tpu.memory_space<vmem>>
      %dma_wait3A_61 = tpu.memref_squeeze %dma_wait3A_60 : memref<1x64xi32, #tpu.memory_space<vmem>> -> memref<64xi32, #tpu.memory_space<vmem>>
      %dma_wait3A_62 = arith.constant 0 : i32
      %dma_wait3A_63 = arith.constant 0 : i32
      %dma_wait3A_64 = tpu.memref_slice %arg2[%dma_wait3A_62, %dma_wait3A_63] : memref<10000x128xf32, #tpu.memory_space<hbm>> -> memref<10000x128xf32, #tpu.memory_space<hbm>>
      tpu.wait_indirect_dma semaphore(%arg12 : memref<!tpu.dma_semaphore, #tpu.memory_space<semaphore_mem>>) src(%dma_wait3A_64 : memref<10000x128xf32, #tpu.memory_space<hbm>>) dst(%dma_wait3A_58 : memref<64x128xf32, #tpu.memory_space<vmem>>)
      %dma_wait3A_65 = arith.constant 0 : i32
      %dma_wait3A_66 = arith.constant 64 : i32
      %dma_wait3A_67 = arith.constant 0 : i32
      %dma_wait3A_68 = tpu.memref_slice %arg9[%dma_wait3A_66, %dma_wait3A_67] : memref<128x128xf32, #tpu.memory_space<vmem>> -> memref<64x128xf32, #tpu.memory_space<vmem>>
      %dma_wait3A_69 = arith.constant 64 : i32
      %dma_wait3A_70 = tpu.memref_slice %arg7[%dma_wait3A_65, %dma_wait3A_69] : memref<8x128xi32, #tpu.memory_space<vmem>> -> memref<1x64xi32, #tpu.memory_space<vmem>>
      %dma_wait3A_71 = tpu.memref_squeeze %dma_wait3A_70 : memref<1x64xi32, #tpu.memory_space<vmem>> -> memref<64xi32, #tpu.memory_space<vmem>>
      %dma_wait3A_72 = arith.constant 0 : i32
      %dma_wait3A_73 = arith.constant 0 : i32
      %dma_wait3A_74 = tpu.memref_slice %arg2[%dma_wait3A_72, %dma_wait3A_73] : memref<10000x128xf32, #tpu.memory_space<hbm>> -> memref<10000x128xf32, #tpu.memory_space<hbm>>
      tpu.wait_indirect_dma semaphore(%arg12 : memref<!tpu.dma_semaphore, #tpu.memory_space<semaphore_mem>>) src(%dma_wait3A_74 : memref<10000x128xf32, #tpu.memory_space<hbm>>) dst(%dma_wait3A_68 : memref<64x128xf32, #tpu.memory_space<vmem>>)
      %run_scoped3A = arith.constant 0 : i32
      "tpu.region"() ({
        %run_scoped3A_342 = tpu.sem_alloc : memref<!tpu.dma_semaphore, #tpu.memory_space<semaphore_mem>>
        %dma_start3A_343 = arith.constant 0 : i32
        %dma_start3A_344 = tpu.memref_slice %arg8[%run_scoped3A, %dma_start3A_343] : memref<8x128xi32, #tpu.memory_space<vmem>> -> memref<1x128xi32, #tpu.memory_space<vmem>>
        %dma_start3A_345 = tpu.memref_squeeze %dma_start3A_344 : memref<1x128xi32, #tpu.memory_space<vmem>> -> memref<128xi32, #tpu.memory_space<vmem>>
        %dma_start3A_346 = arith.constant 0 : i32
        %dma_start3A_347 = arith.constant 0 : i32
        %dma_start3A_348 = tpu.memref_slice %arg11[%dma_start3A_346, %dma_start3A_347] : memref<10112x128xf32, #tpu.memory_space<vmem_shared>> -> memref<10112x128xf32, #tpu.memory_space<vmem_shared>>
        tpu.enqueue_indirect_dma source(%arg9 : memref<128x128xf32, #tpu.memory_space<vmem>>) target(%dma_start3A_348 : memref<10112x128xf32, #tpu.memory_space<vmem_shared>>) offsets(%dma_start3A_345 : memref<128xi32, #tpu.memory_space<vmem>>) semaphore(%run_scoped3A_342 : memref<!tpu.dma_semaphore, #tpu.memory_space<semaphore_mem>>) {add = true}
        %dma_wait3A_349 = arith.constant 0 : i32
        %dma_wait3A_350 = tpu.memref_slice %arg8[%run_scoped3A, %dma_wait3A_349] : memref<8x128xi32, #tpu.memory_space<vmem>> -> memref<1x128xi32, #tpu.memory_space<vmem>>
        %dma_wait3A_351 = tpu.memref_squeeze %dma_wait3A_350 : memref<1x128xi32, #tpu.memory_space<vmem>> -> memref<128xi32, #tpu.memory_space<vmem>>
        %dma_wait3A_352 = arith.constant 0 : i32
        %dma_wait3A_353 = arith.constant 0 : i32
        %dma_wait3A_354 = tpu.memref_slice %arg11[%dma_wait3A_352, %dma_wait3A_353] : memref<10112x128xf32, #tpu.memory_space<vmem_shared>> -> memref<10112x128xf32, #tpu.memory_space<vmem_shared>>
        tpu.wait_indirect_dma semaphore(%run_scoped3A_342 : memref<!tpu.dma_semaphore, #tpu.memory_space<semaphore_mem>>) src(%arg9 : memref<128x128xf32, #tpu.memory_space<vmem>>) dst(%dma_wait3A_354 : memref<10112x128xf32, #tpu.memory_space<vmem_shared>>)
        tpu.yield
      }) : () -> ()
      %dma_start3A_75 = arith.constant 2 : i32
      %dma_start3A_76 = arith.constant 0 : i32
      %dma_start3A_77 = arith.constant 0 : i32
      %dma_start3A_78 = tpu.memref_slice %arg9[%dma_start3A_76, %dma_start3A_77] : memref<128x128xf32, #tpu.memory_space<vmem>> -> memref<64x128xf32, #tpu.memory_space<vmem>>
      %dma_start3A_79 = arith.constant 0 : i32
      %dma_start3A_80 = tpu.memref_slice %arg7[%dma_start3A_75, %dma_start3A_79] : memref<8x128xi32, #tpu.memory_space<vmem>> -> memref<1x64xi32, #tpu.memory_space<vmem>>
      %dma_start3A_81 = tpu.memref_squeeze %dma_start3A_80 : memref<1x64xi32, #tpu.memory_space<vmem>> -> memref<64xi32, #tpu.memory_space<vmem>>
      %dma_start3A_82 = arith.constant 0 : i32
      %dma_start3A_83 = arith.constant 0 : i32
      %dma_start3A_84 = tpu.memref_slice %arg2[%dma_start3A_82, %dma_start3A_83] : memref<10000x128xf32, #tpu.memory_space<hbm>> -> memref<10000x128xf32, #tpu.memory_space<hbm>>
      tpu.enqueue_indirect_dma source(%dma_start3A_84 : memref<10000x128xf32, #tpu.memory_space<hbm>>) target(%dma_start3A_78 : memref<64x128xf32, #tpu.memory_space<vmem>>) offsets(%dma_start3A_81 : memref<64xi32, #tpu.memory_space<vmem>>) semaphore(%arg12 : memref<!tpu.dma_semaphore, #tpu.memory_space<semaphore_mem>>)
      %dma_start3A_85 = arith.constant 2 : i32
      %dma_start3A_86 = arith.constant 64 : i32
      %dma_start3A_87 = arith.constant 0 : i32
      %dma_start3A_88 = tpu.memref_slice %arg9[%dma_start3A_86, %dma_start3A_87] : memref<128x128xf32, #tpu.memory_space<vmem>> -> memref<64x128xf32, #tpu.memory_space<vmem>>
      %dma_start3A_89 = arith.constant 64 : i32
      %dma_start3A_90 = tpu.memref_slice %arg7[%dma_start3A_85, %dma_start3A_89] : memref<8x128xi32, #tpu.memory_space<vmem>> -> memref<1x64xi32, #tpu.memory_space<vmem>>
      %dma_start3A_91 = tpu.memref_squeeze %dma_start3A_90 : memref<1x64xi32, #tpu.memory_space<vmem>> -> memref<64xi32, #tpu.memory_space<vmem>>
      %dma_start3A_92 = arith.constant 0 : i32
      %dma_start3A_93 = arith.constant 0 : i32
      %dma_start3A_94 = tpu.memref_slice %arg2[%dma_start3A_92, %dma_start3A_93] : memref<10000x128xf32, #tpu.memory_space<hbm>> -> memref<10000x128xf32, #tpu.memory_space<hbm>>
      tpu.enqueue_indirect_dma source(%dma_start3A_94 : memref<10000x128xf32, #tpu.memory_space<hbm>>) target(%dma_start3A_88 : memref<64x128xf32, #tpu.memory_space<vmem>>) offsets(%dma_start3A_91 : memref<64xi32, #tpu.memory_space<vmem>>) semaphore(%arg12 : memref<!tpu.dma_semaphore, #tpu.memory_space<semaphore_mem>>)
      %dma_wait3A_95 = arith.constant 1 : i32
      %dma_wait3A_96 = arith.constant 0 : i32
      %dma_wait3A_97 = arith.constant 0 : i32
      %dma_wait3A_98 = tpu.memref_slice %arg10[%dma_wait3A_96, %dma_wait3A_97] : memref<128x128xf32, #tpu.memory_space<vmem>> -> memref<64x128xf32, #tpu.memory_space<vmem>>
      %dma_wait3A_99 = arith.constant 0 : i32
      %dma_wait3A_100 = tpu.memref_slice %arg7[%dma_wait3A_95, %dma_wait3A_99] : memref<8x128xi32, #tpu.memory_space<vmem>> -> memref<1x64xi32, #tpu.memory_space<vmem>>
      %dma_wait3A_101 = tpu.memref_squeeze %dma_wait3A_100 : memref<1x64xi32, #tpu.memory_space<vmem>> -> memref<64xi32, #tpu.memory_space<vmem>>
      %dma_wait3A_102 = arith.constant 0 : i32
      %dma_wait3A_103 = arith.constant 0 : i32
      %dma_wait3A_104 = tpu.memref_slice %arg2[%dma_wait3A_102, %dma_wait3A_103] : memref<10000x128xf32, #tpu.memory_space<hbm>> -> memref<10000x128xf32, #tpu.memory_space<hbm>>
      tpu.wait_indirect_dma semaphore(%arg13 : memref<!tpu.dma_semaphore, #tpu.memory_space<semaphore_mem>>) src(%dma_wait3A_104 : memref<10000x128xf32, #tpu.memory_space<hbm>>) dst(%dma_wait3A_98 : memref<64x128xf32, #tpu.memory_space<vmem>>)
      %dma_wait3A_105 = arith.constant 1 : i32
      %dma_wait3A_106 = arith.constant 64 : i32
      %dma_wait3A_107 = arith.constant 0 : i32
      %dma_wait3A_108 = tpu.memref_slice %arg10[%dma_wait3A_106, %dma_wait3A_107] : memref<128x128xf32, #tpu.memory_space<vmem>> -> memref<64x128xf32, #tpu.memory_space<vmem>>
      %dma_wait3A_109 = arith.constant 64 : i32
      %dma_wait3A_110 = tpu.memref_slice %arg7[%dma_wait3A_105, %dma_wait3A_109] : memref<8x128xi32, #tpu.memory_space<vmem>> -> memref<1x64xi32, #tpu.memory_space<vmem>>
      %dma_wait3A_111 = tpu.memref_squeeze %dma_wait3A_110 : memref<1x64xi32, #tpu.memory_space<vmem>> -> memref<64xi32, #tpu.memory_space<vmem>>
      %dma_wait3A_112 = arith.constant 0 : i32
      %dma_wait3A_113 = arith.constant 0 : i32
      %dma_wait3A_114 = tpu.memref_slice %arg2[%dma_wait3A_112, %dma_wait3A_113] : memref<10000x128xf32, #tpu.memory_space<hbm>> -> memref<10000x128xf32, #tpu.memory_space<hbm>>
      tpu.wait_indirect_dma semaphore(%arg13 : memref<!tpu.dma_semaphore, #tpu.memory_space<semaphore_mem>>) src(%dma_wait3A_114 : memref<10000x128xf32, #tpu.memory_space<hbm>>) dst(%dma_wait3A_108 : memref<64x128xf32, #tpu.memory_space<vmem>>)
      %run_scoped3A_115 = arith.constant 1 : i32
      "tpu.region"() ({
        %run_scoped3A_342 = tpu.sem_alloc : memref<!tpu.dma_semaphore, #tpu.memory_space<semaphore_mem>>
        %dma_start3A_343 = arith.constant 0 : i32
        %dma_start3A_344 = tpu.memref_slice %arg8[%run_scoped3A_115, %dma_start3A_343] : memref<8x128xi32, #tpu.memory_space<vmem>> -> memref<1x128xi32, #tpu.memory_space<vmem>>
        %dma_start3A_345 = tpu.memref_squeeze %dma_start3A_344 : memref<1x128xi32, #tpu.memory_space<vmem>> -> memref<128xi32, #tpu.memory_space<vmem>>
        %dma_start3A_346 = arith.constant 0 : i32
        %dma_start3A_347 = arith.constant 0 : i32
        %dma_start3A_348 = tpu.memref_slice %arg11[%dma_start3A_346, %dma_start3A_347] : memref<10112x128xf32, #tpu.memory_space<vmem_shared>> -> memref<10112x128xf32, #tpu.memory_space<vmem_shared>>
        tpu.enqueue_indirect_dma source(%arg10 : memref<128x128xf32, #tpu.memory_space<vmem>>) target(%dma_start3A_348 : memref<10112x128xf32, #tpu.memory_space<vmem_shared>>) offsets(%dma_start3A_345 : memref<128xi32, #tpu.memory_space<vmem>>) semaphore(%run_scoped3A_342 : memref<!tpu.dma_semaphore, #tpu.memory_space<semaphore_mem>>) {add = true}
        %dma_wait3A_349 = arith.constant 0 : i32
        %dma_wait3A_350 = tpu.memref_slice %arg8[%run_scoped3A_115, %dma_wait3A_349] : memref<8x128xi32, #tpu.memory_space<vmem>> -> memref<1x128xi32, #tpu.memory_space<vmem>>
        %dma_wait3A_351 = tpu.memref_squeeze %dma_wait3A_350 : memref<1x128xi32, #tpu.memory_space<vmem>> -> memref<128xi32, #tpu.memory_space<vmem>>
        %dma_wait3A_352 = arith.constant 0 : i32
        %dma_wait3A_353 = arith.constant 0 : i32
        %dma_wait3A_354 = tpu.memref_slice %arg11[%dma_wait3A_352, %dma_wait3A_353] : memref<10112x128xf32, #tpu.memory_space<vmem_shared>> -> memref<10112x128xf32, #tpu.memory_space<vmem_shared>>
        tpu.wait_indirect_dma semaphore(%run_scoped3A_342 : memref<!tpu.dma_semaphore, #tpu.memory_space<semaphore_mem>>) src(%arg10 : memref<128x128xf32, #tpu.memory_space<vmem>>) dst(%dma_wait3A_354 : memref<10112x128xf32, #tpu.memory_space<vmem_shared>>)
        tpu.yield
      }) : () -> ()
      %dma_start3A_116 = arith.constant 3 : i32
      %dma_start3A_117 = arith.constant 0 : i32
      %dma_start3A_118 = arith.constant 0 : i32
      %dma_start3A_119 = tpu.memref_slice %arg10[%dma_start3A_117, %dma_start3A_118] : memref<128x128xf32, #tpu.memory_space<vmem>> -> memref<64x128xf32, #tpu.memory_space<vmem>>
      %dma_start3A_120 = arith.constant 0 : i32
      %dma_start3A_121 = tpu.memref_slice %arg7[%dma_start3A_116, %dma_start3A_120] : memref<8x128xi32, #tpu.memory_space<vmem>> -> memref<1x64xi32, #tpu.memory_space<vmem>>
      %dma_start3A_122 = tpu.memref_squeeze %dma_start3A_121 : memref<1x64xi32, #tpu.memory_space<vmem>> -> memref<64xi32, #tpu.memory_space<vmem>>
      %dma_start3A_123 = arith.constant 0 : i32
      %dma_start3A_124 = arith.constant 0 : i32
      %dma_start3A_125 = tpu.memref_slice %arg2[%dma_start3A_123, %dma_start3A_124] : memref<10000x128xf32, #tpu.memory_space<hbm>> -> memref<10000x128xf32, #tpu.memory_space<hbm>>
      tpu.enqueue_indirect_dma source(%dma_start3A_125 : memref<10000x128xf32, #tpu.memory_space<hbm>>) target(%dma_start3A_119 : memref<64x128xf32, #tpu.memory_space<vmem>>) offsets(%dma_start3A_122 : memref<64xi32, #tpu.memory_space<vmem>>) semaphore(%arg13 : memref<!tpu.dma_semaphore, #tpu.memory_space<semaphore_mem>>)
      %dma_start3A_126 = arith.constant 3 : i32
      %dma_start3A_127 = arith.constant 64 : i32
      %dma_start3A_128 = arith.constant 0 : i32
      %dma_start3A_129 = tpu.memref_slice %arg10[%dma_start3A_127, %dma_start3A_128] : memref<128x128xf32, #tpu.memory_space<vmem>> -> memref<64x128xf32, #tpu.memory_space<vmem>>
      %dma_start3A_130 = arith.constant 64 : i32
      %dma_start3A_131 = tpu.memref_slice %arg7[%dma_start3A_126, %dma_start3A_130] : memref<8x128xi32, #tpu.memory_space<vmem>> -> memref<1x64xi32, #tpu.memory_space<vmem>>
      %dma_start3A_132 = tpu.memref_squeeze %dma_start3A_131 : memref<1x64xi32, #tpu.memory_space<vmem>> -> memref<64xi32, #tpu.memory_space<vmem>>
      %dma_start3A_133 = arith.constant 0 : i32
      %dma_start3A_134 = arith.constant 0 : i32
      %dma_start3A_135 = tpu.memref_slice %arg2[%dma_start3A_133, %dma_start3A_134] : memref<10000x128xf32, #tpu.memory_space<hbm>> -> memref<10000x128xf32, #tpu.memory_space<hbm>>
      tpu.enqueue_indirect_dma source(%dma_start3A_135 : memref<10000x128xf32, #tpu.memory_space<hbm>>) target(%dma_start3A_129 : memref<64x128xf32, #tpu.memory_space<vmem>>) offsets(%dma_start3A_132 : memref<64xi32, #tpu.memory_space<vmem>>) semaphore(%arg13 : memref<!tpu.dma_semaphore, #tpu.memory_space<semaphore_mem>>)
      %dma_wait3A_136 = arith.constant 2 : i32
      %dma_wait3A_137 = arith.constant 0 : i32
      %dma_wait3A_138 = arith.constant 0 : i32
      %dma_wait3A_139 = tpu.memref_slice %arg9[%dma_wait3A_137, %dma_wait3A_138] : memref<128x128xf32, #tpu.memory_space<vmem>> -> memref<64x128xf32, #tpu.memory_space<vmem>>
      %dma_wait3A_140 = arith.constant 0 : i32
      %dma_wait3A_141 = tpu.memref_slice %arg7[%dma_wait3A_136, %dma_wait3A_140] : memref<8x128xi32, #tpu.memory_space<vmem>> -> memref<1x64xi32, #tpu.memory_space<vmem>>
      %dma_wait3A_142 = tpu.memref_squeeze %dma_wait3A_141 : memref<1x64xi32, #tpu.memory_space<vmem>> -> memref<64xi32, #tpu.memory_space<vmem>>
      %dma_wait3A_143 = arith.constant 0 : i32
      %dma_wait3A_144 = arith.constant 0 : i32
      %dma_wait3A_145 = tpu.memref_slice %arg2[%dma_wait3A_143, %dma_wait3A_144] : memref<10000x128xf32, #tpu.memory_space<hbm>> -> memref<10000x128xf32, #tpu.memory_space<hbm>>
      tpu.wait_indirect_dma semaphore(%arg12 : memref<!tpu.dma_semaphore, #tpu.memory_space<semaphore_mem>>) src(%dma_wait3A_145 : memref<10000x128xf32, #tpu.memory_space<hbm>>) dst(%dma_wait3A_139 : memref<64x128xf32, #tpu.memory_space<vmem>>)
      %dma_wait3A_146 = arith.constant 2 : i32
      %dma_wait3A_147 = arith.constant 64 : i32
      %dma_wait3A_148 = arith.constant 0 : i32
      %dma_wait3A_149 = tpu.memref_slice %arg9[%dma_wait3A_147, %dma_wait3A_148] : memref<128x128xf32, #tpu.memory_space<vmem>> -> memref<64x128xf32, #tpu.memory_space<vmem>>
      %dma_wait3A_150 = arith.constant 64 : i32
      %dma_wait3A_151 = tpu.memref_slice %arg7[%dma_wait3A_146, %dma_wait3A_150] : memref<8x128xi32, #tpu.memory_space<vmem>> -> memref<1x64xi32, #tpu.memory_space<vmem>>
      %dma_wait3A_152 = tpu.memref_squeeze %dma_wait3A_151 : memref<1x64xi32, #tpu.memory_space<vmem>> -> memref<64xi32, #tpu.memory_space<vmem>>
      %dma_wait3A_153 = arith.constant 0 : i32
      %dma_wait3A_154 = arith.constant 0 : i32
      %dma_wait3A_155 = tpu.memref_slice %arg2[%dma_wait3A_153, %dma_wait3A_154] : memref<10000x128xf32, #tpu.memory_space<hbm>> -> memref<10000x128xf32, #tpu.memory_space<hbm>>
      tpu.wait_indirect_dma semaphore(%arg12 : memref<!tpu.dma_semaphore, #tpu.memory_space<semaphore_mem>>) src(%dma_wait3A_155 : memref<10000x128xf32, #tpu.memory_space<hbm>>) dst(%dma_wait3A_149 : memref<64x128xf32, #tpu.memory_space<vmem>>)
      %run_scoped3A_156 = arith.constant 2 : i32
      "tpu.region"() ({
        %run_scoped3A_342 = tpu.sem_alloc : memref<!tpu.dma_semaphore, #tpu.memory_space<semaphore_mem>>
        %dma_start3A_343 = arith.constant 0 : i32
        %dma_start3A_344 = tpu.memref_slice %arg8[%run_scoped3A_156, %dma_start3A_343] : memref<8x128xi32, #tpu.memory_space<vmem>> -> memref<1x128xi32, #tpu.memory_space<vmem>>
        %dma_start3A_345 = tpu.memref_squeeze %dma_start3A_344 : memref<1x128xi32, #tpu.memory_space<vmem>> -> memref<128xi32, #tpu.memory_space<vmem>>
        %dma_start3A_346 = arith.constant 0 : i32
        %dma_start3A_347 = arith.constant 0 : i32
        %dma_start3A_348 = tpu.memref_slice %arg11[%dma_start3A_346, %dma_start3A_347] : memref<10112x128xf32, #tpu.memory_space<vmem_shared>> -> memref<10112x128xf32, #tpu.memory_space<vmem_shared>>
        tpu.enqueue_indirect_dma source(%arg9 : memref<128x128xf32, #tpu.memory_space<vmem>>) target(%dma_start3A_348 : memref<10112x128xf32, #tpu.memory_space<vmem_shared>>) offsets(%dma_start3A_345 : memref<128xi32, #tpu.memory_space<vmem>>) semaphore(%run_scoped3A_342 : memref<!tpu.dma_semaphore, #tpu.memory_space<semaphore_mem>>) {add = true}
        %dma_wait3A_349 = arith.constant 0 : i32
        %dma_wait3A_350 = tpu.memref_slice %arg8[%run_scoped3A_156, %dma_wait3A_349] : memref<8x128xi32, #tpu.memory_space<vmem>> -> memref<1x128xi32, #tpu.memory_space<vmem>>
        %dma_wait3A_351 = tpu.memref_squeeze %dma_wait3A_350 : memref<1x128xi32, #tpu.memory_space<vmem>> -> memref<128xi32, #tpu.memory_space<vmem>>
        %dma_wait3A_352 = arith.constant 0 : i32
        %dma_wait3A_353 = arith.constant 0 : i32
        %dma_wait3A_354 = tpu.memref_slice %arg11[%dma_wait3A_352, %dma_wait3A_353] : memref<10112x128xf32, #tpu.memory_space<vmem_shared>> -> memref<10112x128xf32, #tpu.memory_space<vmem_shared>>
        tpu.wait_indirect_dma semaphore(%run_scoped3A_342 : memref<!tpu.dma_semaphore, #tpu.memory_space<semaphore_mem>>) src(%arg9 : memref<128x128xf32, #tpu.memory_space<vmem>>) dst(%dma_wait3A_354 : memref<10112x128xf32, #tpu.memory_space<vmem_shared>>)
        tpu.yield
      }) : () -> ()
      %dma_start3A_157 = arith.constant 4 : i32
      %dma_start3A_158 = arith.constant 0 : i32
      %dma_start3A_159 = arith.constant 0 : i32
      %dma_start3A_160 = tpu.memref_slice %arg9[%dma_start3A_158, %dma_start3A_159] : memref<128x128xf32, #tpu.memory_space<vmem>> -> memref<64x128xf32, #tpu.memory_space<vmem>>
      %dma_start3A_161 = arith.constant 0 : i32
      %dma_start3A_162 = tpu.memref_slice %arg7[%dma_start3A_157, %dma_start3A_161] : memref<8x128xi32, #tpu.memory_space<vmem>> -> memref<1x64xi32, #tpu.memory_space<vmem>>
      %dma_start3A_163 = tpu.memref_squeeze %dma_start3A_162 : memref<1x64xi32, #tpu.memory_space<vmem>> -> memref<64xi32, #tpu.memory_space<vmem>>
      %dma_start3A_164 = arith.constant 0 : i32
      %dma_start3A_165 = arith.constant 0 : i32
      %dma_start3A_166 = tpu.memref_slice %arg2[%dma_start3A_164, %dma_start3A_165] : memref<10000x128xf32, #tpu.memory_space<hbm>> -> memref<10000x128xf32, #tpu.memory_space<hbm>>
      tpu.enqueue_indirect_dma source(%dma_start3A_166 : memref<10000x128xf32, #tpu.memory_space<hbm>>) target(%dma_start3A_160 : memref<64x128xf32, #tpu.memory_space<vmem>>) offsets(%dma_start3A_163 : memref<64xi32, #tpu.memory_space<vmem>>) semaphore(%arg12 : memref<!tpu.dma_semaphore, #tpu.memory_space<semaphore_mem>>)
      %dma_start3A_167 = arith.constant 4 : i32
      %dma_start3A_168 = arith.constant 64 : i32
      %dma_start3A_169 = arith.constant 0 : i32
      %dma_start3A_170 = tpu.memref_slice %arg9[%dma_start3A_168, %dma_start3A_169] : memref<128x128xf32, #tpu.memory_space<vmem>> -> memref<64x128xf32, #tpu.memory_space<vmem>>
      %dma_start3A_171 = arith.constant 64 : i32
      %dma_start3A_172 = tpu.memref_slice %arg7[%dma_start3A_167, %dma_start3A_171] : memref<8x128xi32, #tpu.memory_space<vmem>> -> memref<1x64xi32, #tpu.memory_space<vmem>>
      %dma_start3A_173 = tpu.memref_squeeze %dma_start3A_172 : memref<1x64xi32, #tpu.memory_space<vmem>> -> memref<64xi32, #tpu.memory_space<vmem>>
      %dma_start3A_174 = arith.constant 0 : i32
      %dma_start3A_175 = arith.constant 0 : i32
      %dma_start3A_176 = tpu.memref_slice %arg2[%dma_start3A_174, %dma_start3A_175] : memref<10000x128xf32, #tpu.memory_space<hbm>> -> memref<10000x128xf32, #tpu.memory_space<hbm>>
      tpu.enqueue_indirect_dma source(%dma_start3A_176 : memref<10000x128xf32, #tpu.memory_space<hbm>>) target(%dma_start3A_170 : memref<64x128xf32, #tpu.memory_space<vmem>>) offsets(%dma_start3A_173 : memref<64xi32, #tpu.memory_space<vmem>>) semaphore(%arg12 : memref<!tpu.dma_semaphore, #tpu.memory_space<semaphore_mem>>)
      %dma_wait3A_177 = arith.constant 3 : i32
      %dma_wait3A_178 = arith.constant 0 : i32
      %dma_wait3A_179 = arith.constant 0 : i32
      %dma_wait3A_180 = tpu.memref_slice %arg10[%dma_wait3A_178, %dma_wait3A_179] : memref<128x128xf32, #tpu.memory_space<vmem>> -> memref<64x128xf32, #tpu.memory_space<vmem>>
      %dma_wait3A_181 = arith.constant 0 : i32
      %dma_wait3A_182 = tpu.memref_slice %arg7[%dma_wait3A_177, %dma_wait3A_181] : memref<8x128xi32, #tpu.memory_space<vmem>> -> memref<1x64xi32, #tpu.memory_space<vmem>>
      %dma_wait3A_183 = tpu.memref_squeeze %dma_wait3A_182 : memref<1x64xi32, #tpu.memory_space<vmem>> -> memref<64xi32, #tpu.memory_space<vmem>>
      %dma_wait3A_184 = arith.constant 0 : i32
      %dma_wait3A_185 = arith.constant 0 : i32
      %dma_wait3A_186 = tpu.memref_slice %arg2[%dma_wait3A_184, %dma_wait3A_185] : memref<10000x128xf32, #tpu.memory_space<hbm>> -> memref<10000x128xf32, #tpu.memory_space<hbm>>
      tpu.wait_indirect_dma semaphore(%arg13 : memref<!tpu.dma_semaphore, #tpu.memory_space<semaphore_mem>>) src(%dma_wait3A_186 : memref<10000x128xf32, #tpu.memory_space<hbm>>) dst(%dma_wait3A_180 : memref<64x128xf32, #tpu.memory_space<vmem>>)
      %dma_wait3A_187 = arith.constant 3 : i32
      %dma_wait3A_188 = arith.constant 64 : i32
      %dma_wait3A_189 = arith.constant 0 : i32
      %dma_wait3A_190 = tpu.memref_slice %arg10[%dma_wait3A_188, %dma_wait3A_189] : memref<128x128xf32, #tpu.memory_space<vmem>> -> memref<64x128xf32, #tpu.memory_space<vmem>>
      %dma_wait3A_191 = arith.constant 64 : i32
      %dma_wait3A_192 = tpu.memref_slice %arg7[%dma_wait3A_187, %dma_wait3A_191] : memref<8x128xi32, #tpu.memory_space<vmem>> -> memref<1x64xi32, #tpu.memory_space<vmem>>
      %dma_wait3A_193 = tpu.memref_squeeze %dma_wait3A_192 : memref<1x64xi32, #tpu.memory_space<vmem>> -> memref<64xi32, #tpu.memory_space<vmem>>
      %dma_wait3A_194 = arith.constant 0 : i32
      %dma_wait3A_195 = arith.constant 0 : i32
      %dma_wait3A_196 = tpu.memref_slice %arg2[%dma_wait3A_194, %dma_wait3A_195] : memref<10000x128xf32, #tpu.memory_space<hbm>> -> memref<10000x128xf32, #tpu.memory_space<hbm>>
      tpu.wait_indirect_dma semaphore(%arg13 : memref<!tpu.dma_semaphore, #tpu.memory_space<semaphore_mem>>) src(%dma_wait3A_196 : memref<10000x128xf32, #tpu.memory_space<hbm>>) dst(%dma_wait3A_190 : memref<64x128xf32, #tpu.memory_space<vmem>>)
      %run_scoped3A_197 = arith.constant 3 : i32
      "tpu.region"() ({
        %run_scoped3A_342 = tpu.sem_alloc : memref<!tpu.dma_semaphore, #tpu.memory_space<semaphore_mem>>
        %dma_start3A_343 = arith.constant 0 : i32
        %dma_start3A_344 = tpu.memref_slice %arg8[%run_scoped3A_197, %dma_start3A_343] : memref<8x128xi32, #tpu.memory_space<vmem>> -> memref<1x128xi32, #tpu.memory_space<vmem>>
        %dma_start3A_345 = tpu.memref_squeeze %dma_start3A_344 : memref<1x128xi32, #tpu.memory_space<vmem>> -> memref<128xi32, #tpu.memory_space<vmem>>
        %dma_start3A_346 = arith.constant 0 : i32
        %dma_start3A_347 = arith.constant 0 : i32
        %dma_start3A_348 = tpu.memref_slice %arg11[%dma_start3A_346, %dma_start3A_347] : memref<10112x128xf32, #tpu.memory_space<vmem_shared>> -> memref<10112x128xf32, #tpu.memory_space<vmem_shared>>
        tpu.enqueue_indirect_dma source(%arg10 : memref<128x128xf32, #tpu.memory_space<vmem>>) target(%dma_start3A_348 : memref<10112x128xf32, #tpu.memory_space<vmem_shared>>) offsets(%dma_start3A_345 : memref<128xi32, #tpu.memory_space<vmem>>) semaphore(%run_scoped3A_342 : memref<!tpu.dma_semaphore, #tpu.memory_space<semaphore_mem>>) {add = true}
        %dma_wait3A_349 = arith.constant 0 : i32
        %dma_wait3A_350 = tpu.memref_slice %arg8[%run_scoped3A_197, %dma_wait3A_349] : memref<8x128xi32, #tpu.memory_space<vmem>> -> memref<1x128xi32, #tpu.memory_space<vmem>>
        %dma_wait3A_351 = tpu.memref_squeeze %dma_wait3A_350 : memref<1x128xi32, #tpu.memory_space<vmem>> -> memref<128xi32, #tpu.memory_space<vmem>>
        %dma_wait3A_352 = arith.constant 0 : i32
        %dma_wait3A_353 = arith.constant 0 : i32
        %dma_wait3A_354 = tpu.memref_slice %arg11[%dma_wait3A_352, %dma_wait3A_353] : memref<10112x128xf32, #tpu.memory_space<vmem_shared>> -> memref<10112x128xf32, #tpu.memory_space<vmem_shared>>
        tpu.wait_indirect_dma semaphore(%run_scoped3A_342 : memref<!tpu.dma_semaphore, #tpu.memory_space<semaphore_mem>>) src(%arg10 : memref<128x128xf32, #tpu.memory_space<vmem>>) dst(%dma_wait3A_354 : memref<10112x128xf32, #tpu.memory_space<vmem_shared>>)
        tpu.yield
      }) : () -> ()
      %dma_start3A_198 = arith.constant 5 : i32
      %dma_start3A_199 = arith.constant 0 : i32
      %dma_start3A_200 = arith.constant 0 : i32
      %dma_start3A_201 = tpu.memref_slice %arg10[%dma_start3A_199, %dma_start3A_200] : memref<128x128xf32, #tpu.memory_space<vmem>> -> memref<64x128xf32, #tpu.memory_space<vmem>>
      %dma_start3A_202 = arith.constant 0 : i32
      %dma_start3A_203 = tpu.memref_slice %arg7[%dma_start3A_198, %dma_start3A_202] : memref<8x128xi32, #tpu.memory_space<vmem>> -> memref<1x64xi32, #tpu.memory_space<vmem>>
      %dma_start3A_204 = tpu.memref_squeeze %dma_start3A_203 : memref<1x64xi32, #tpu.memory_space<vmem>> -> memref<64xi32, #tpu.memory_space<vmem>>
      %dma_start3A_205 = arith.constant 0 : i32
      %dma_start3A_206 = arith.constant 0 : i32
      %dma_start3A_207 = tpu.memref_slice %arg2[%dma_start3A_205, %dma_start3A_206] : memref<10000x128xf32, #tpu.memory_space<hbm>> -> memref<10000x128xf32, #tpu.memory_space<hbm>>
      tpu.enqueue_indirect_dma source(%dma_start3A_207 : memref<10000x128xf32, #tpu.memory_space<hbm>>) target(%dma_start3A_201 : memref<64x128xf32, #tpu.memory_space<vmem>>) offsets(%dma_start3A_204 : memref<64xi32, #tpu.memory_space<vmem>>) semaphore(%arg13 : memref<!tpu.dma_semaphore, #tpu.memory_space<semaphore_mem>>)
      %dma_start3A_208 = arith.constant 5 : i32
      %dma_start3A_209 = arith.constant 64 : i32
      %dma_start3A_210 = arith.constant 0 : i32
      %dma_start3A_211 = tpu.memref_slice %arg10[%dma_start3A_209, %dma_start3A_210] : memref<128x128xf32, #tpu.memory_space<vmem>> -> memref<64x128xf32, #tpu.memory_space<vmem>>
      %dma_start3A_212 = arith.constant 64 : i32
      %dma_start3A_213 = tpu.memref_slice %arg7[%dma_start3A_208, %dma_start3A_212] : memref<8x128xi32, #tpu.memory_space<vmem>> -> memref<1x64xi32, #tpu.memory_space<vmem>>
      %dma_start3A_214 = tpu.memref_squeeze %dma_start3A_213 : memref<1x64xi32, #tpu.memory_space<vmem>> -> memref<64xi32, #tpu.memory_space<vmem>>
      %dma_start3A_215 = arith.constant 0 : i32
      %dma_start3A_216 = arith.constant 0 : i32
      %dma_start3A_217 = tpu.memref_slice %arg2[%dma_start3A_215, %dma_start3A_216] : memref<10000x128xf32, #tpu.memory_space<hbm>> -> memref<10000x128xf32, #tpu.memory_space<hbm>>
      tpu.enqueue_indirect_dma source(%dma_start3A_217 : memref<10000x128xf32, #tpu.memory_space<hbm>>) target(%dma_start3A_211 : memref<64x128xf32, #tpu.memory_space<vmem>>) offsets(%dma_start3A_214 : memref<64xi32, #tpu.memory_space<vmem>>) semaphore(%arg13 : memref<!tpu.dma_semaphore, #tpu.memory_space<semaphore_mem>>)
      %dma_wait3A_218 = arith.constant 4 : i32
      %dma_wait3A_219 = arith.constant 0 : i32
      %dma_wait3A_220 = arith.constant 0 : i32
      %dma_wait3A_221 = tpu.memref_slice %arg9[%dma_wait3A_219, %dma_wait3A_220] : memref<128x128xf32, #tpu.memory_space<vmem>> -> memref<64x128xf32, #tpu.memory_space<vmem>>
      %dma_wait3A_222 = arith.constant 0 : i32
      %dma_wait3A_223 = tpu.memref_slice %arg7[%dma_wait3A_218, %dma_wait3A_222] : memref<8x128xi32, #tpu.memory_space<vmem>> -> memref<1x64xi32, #tpu.memory_space<vmem>>
      %dma_wait3A_224 = tpu.memref_squeeze %dma_wait3A_223 : memref<1x64xi32, #tpu.memory_space<vmem>> -> memref<64xi32, #tpu.memory_space<vmem>>
      %dma_wait3A_225 = arith.constant 0 : i32
      %dma_wait3A_226 = arith.constant 0 : i32
      %dma_wait3A_227 = tpu.memref_slice %arg2[%dma_wait3A_225, %dma_wait3A_226] : memref<10000x128xf32, #tpu.memory_space<hbm>> -> memref<10000x128xf32, #tpu.memory_space<hbm>>
      tpu.wait_indirect_dma semaphore(%arg12 : memref<!tpu.dma_semaphore, #tpu.memory_space<semaphore_mem>>) src(%dma_wait3A_227 : memref<10000x128xf32, #tpu.memory_space<hbm>>) dst(%dma_wait3A_221 : memref<64x128xf32, #tpu.memory_space<vmem>>)
      %dma_wait3A_228 = arith.constant 4 : i32
      %dma_wait3A_229 = arith.constant 64 : i32
      %dma_wait3A_230 = arith.constant 0 : i32
      %dma_wait3A_231 = tpu.memref_slice %arg9[%dma_wait3A_229, %dma_wait3A_230] : memref<128x128xf32, #tpu.memory_space<vmem>> -> memref<64x128xf32, #tpu.memory_space<vmem>>
      %dma_wait3A_232 = arith.constant 64 : i32
      %dma_wait3A_233 = tpu.memref_slice %arg7[%dma_wait3A_228, %dma_wait3A_232] : memref<8x128xi32, #tpu.memory_space<vmem>> -> memref<1x64xi32, #tpu.memory_space<vmem>>
      %dma_wait3A_234 = tpu.memref_squeeze %dma_wait3A_233 : memref<1x64xi32, #tpu.memory_space<vmem>> -> memref<64xi32, #tpu.memory_space<vmem>>
      %dma_wait3A_235 = arith.constant 0 : i32
      %dma_wait3A_236 = arith.constant 0 : i32
      %dma_wait3A_237 = tpu.memref_slice %arg2[%dma_wait3A_235, %dma_wait3A_236] : memref<10000x128xf32, #tpu.memory_space<hbm>> -> memref<10000x128xf32, #tpu.memory_space<hbm>>
      tpu.wait_indirect_dma semaphore(%arg12 : memref<!tpu.dma_semaphore, #tpu.memory_space<semaphore_mem>>) src(%dma_wait3A_237 : memref<10000x128xf32, #tpu.memory_space<hbm>>) dst(%dma_wait3A_231 : memref<64x128xf32, #tpu.memory_space<vmem>>)
      %run_scoped3A_238 = arith.constant 4 : i32
      "tpu.region"() ({
        %run_scoped3A_342 = tpu.sem_alloc : memref<!tpu.dma_semaphore, #tpu.memory_space<semaphore_mem>>
        %dma_start3A_343 = arith.constant 0 : i32
        %dma_start3A_344 = tpu.memref_slice %arg8[%run_scoped3A_238, %dma_start3A_343] : memref<8x128xi32, #tpu.memory_space<vmem>> -> memref<1x128xi32, #tpu.memory_space<vmem>>
        %dma_start3A_345 = tpu.memref_squeeze %dma_start3A_344 : memref<1x128xi32, #tpu.memory_space<vmem>> -> memref<128xi32, #tpu.memory_space<vmem>>
        %dma_start3A_346 = arith.constant 0 : i32
        %dma_start3A_347 = arith.constant 0 : i32
        %dma_start3A_348 = tpu.memref_slice %arg11[%dma_start3A_346, %dma_start3A_347] : memref<10112x128xf32, #tpu.memory_space<vmem_shared>> -> memref<10112x128xf32, #tpu.memory_space<vmem_shared>>
        tpu.enqueue_indirect_dma source(%arg9 : memref<128x128xf32, #tpu.memory_space<vmem>>) target(%dma_start3A_348 : memref<10112x128xf32, #tpu.memory_space<vmem_shared>>) offsets(%dma_start3A_345 : memref<128xi32, #tpu.memory_space<vmem>>) semaphore(%run_scoped3A_342 : memref<!tpu.dma_semaphore, #tpu.memory_space<semaphore_mem>>) {add = true}
        %dma_wait3A_349 = arith.constant 0 : i32
        %dma_wait3A_350 = tpu.memref_slice %arg8[%run_scoped3A_238, %dma_wait3A_349] : memref<8x128xi32, #tpu.memory_space<vmem>> -> memref<1x128xi32, #tpu.memory_space<vmem>>
        %dma_wait3A_351 = tpu.memref_squeeze %dma_wait3A_350 : memref<1x128xi32, #tpu.memory_space<vmem>> -> memref<128xi32, #tpu.memory_space<vmem>>
        %dma_wait3A_352 = arith.constant 0 : i32
        %dma_wait3A_353 = arith.constant 0 : i32
        %dma_wait3A_354 = tpu.memref_slice %arg11[%dma_wait3A_352, %dma_wait3A_353] : memref<10112x128xf32, #tpu.memory_space<vmem_shared>> -> memref<10112x128xf32, #tpu.memory_space<vmem_shared>>
        tpu.wait_indirect_dma semaphore(%run_scoped3A_342 : memref<!tpu.dma_semaphore, #tpu.memory_space<semaphore_mem>>) src(%arg9 : memref<128x128xf32, #tpu.memory_space<vmem>>) dst(%dma_wait3A_354 : memref<10112x128xf32, #tpu.memory_space<vmem_shared>>)
        tpu.yield
      }) : () -> ()
      %dma_start3A_239 = arith.constant 6 : i32
      %dma_start3A_240 = arith.constant 0 : i32
      %dma_start3A_241 = arith.constant 0 : i32
      %dma_start3A_242 = tpu.memref_slice %arg9[%dma_start3A_240, %dma_start3A_241] : memref<128x128xf32, #tpu.memory_space<vmem>> -> memref<64x128xf32, #tpu.memory_space<vmem>>
      %dma_start3A_243 = arith.constant 0 : i32
      %dma_start3A_244 = tpu.memref_slice %arg7[%dma_start3A_239, %dma_start3A_243] : memref<8x128xi32, #tpu.memory_space<vmem>> -> memref<1x64xi32, #tpu.memory_space<vmem>>
      %dma_start3A_245 = tpu.memref_squeeze %dma_start3A_244 : memref<1x64xi32, #tpu.memory_space<vmem>> -> memref<64xi32, #tpu.memory_space<vmem>>
      %dma_start3A_246 = arith.constant 0 : i32
      %dma_start3A_247 = arith.constant 0 : i32
      %dma_start3A_248 = tpu.memref_slice %arg2[%dma_start3A_246, %dma_start3A_247] : memref<10000x128xf32, #tpu.memory_space<hbm>> -> memref<10000x128xf32, #tpu.memory_space<hbm>>
      tpu.enqueue_indirect_dma source(%dma_start3A_248 : memref<10000x128xf32, #tpu.memory_space<hbm>>) target(%dma_start3A_242 : memref<64x128xf32, #tpu.memory_space<vmem>>) offsets(%dma_start3A_245 : memref<64xi32, #tpu.memory_space<vmem>>) semaphore(%arg12 : memref<!tpu.dma_semaphore, #tpu.memory_space<semaphore_mem>>)
      %dma_start3A_249 = arith.constant 6 : i32
      %dma_start3A_250 = arith.constant 64 : i32
      %dma_start3A_251 = arith.constant 0 : i32
      %dma_start3A_252 = tpu.memref_slice %arg9[%dma_start3A_250, %dma_start3A_251] : memref<128x128xf32, #tpu.memory_space<vmem>> -> memref<64x128xf32, #tpu.memory_space<vmem>>
      %dma_start3A_253 = arith.constant 64 : i32
      %dma_start3A_254 = tpu.memref_slice %arg7[%dma_start3A_249, %dma_start3A_253] : memref<8x128xi32, #tpu.memory_space<vmem>> -> memref<1x64xi32, #tpu.memory_space<vmem>>
      %dma_start3A_255 = tpu.memref_squeeze %dma_start3A_254 : memref<1x64xi32, #tpu.memory_space<vmem>> -> memref<64xi32, #tpu.memory_space<vmem>>
      %dma_start3A_256 = arith.constant 0 : i32
      %dma_start3A_257 = arith.constant 0 : i32
      %dma_start3A_258 = tpu.memref_slice %arg2[%dma_start3A_256, %dma_start3A_257] : memref<10000x128xf32, #tpu.memory_space<hbm>> -> memref<10000x128xf32, #tpu.memory_space<hbm>>
      tpu.enqueue_indirect_dma source(%dma_start3A_258 : memref<10000x128xf32, #tpu.memory_space<hbm>>) target(%dma_start3A_252 : memref<64x128xf32, #tpu.memory_space<vmem>>) offsets(%dma_start3A_255 : memref<64xi32, #tpu.memory_space<vmem>>) semaphore(%arg12 : memref<!tpu.dma_semaphore, #tpu.memory_space<semaphore_mem>>)
      %dma_wait3A_259 = arith.constant 5 : i32
      %dma_wait3A_260 = arith.constant 0 : i32
      %dma_wait3A_261 = arith.constant 0 : i32
      %dma_wait3A_262 = tpu.memref_slice %arg10[%dma_wait3A_260, %dma_wait3A_261] : memref<128x128xf32, #tpu.memory_space<vmem>> -> memref<64x128xf32, #tpu.memory_space<vmem>>
      %dma_wait3A_263 = arith.constant 0 : i32
      %dma_wait3A_264 = tpu.memref_slice %arg7[%dma_wait3A_259, %dma_wait3A_263] : memref<8x128xi32, #tpu.memory_space<vmem>> -> memref<1x64xi32, #tpu.memory_space<vmem>>
      %dma_wait3A_265 = tpu.memref_squeeze %dma_wait3A_264 : memref<1x64xi32, #tpu.memory_space<vmem>> -> memref<64xi32, #tpu.memory_space<vmem>>
      %dma_wait3A_266 = arith.constant 0 : i32
      %dma_wait3A_267 = arith.constant 0 : i32
      %dma_wait3A_268 = tpu.memref_slice %arg2[%dma_wait3A_266, %dma_wait3A_267] : memref<10000x128xf32, #tpu.memory_space<hbm>> -> memref<10000x128xf32, #tpu.memory_space<hbm>>
      tpu.wait_indirect_dma semaphore(%arg13 : memref<!tpu.dma_semaphore, #tpu.memory_space<semaphore_mem>>) src(%dma_wait3A_268 : memref<10000x128xf32, #tpu.memory_space<hbm>>) dst(%dma_wait3A_262 : memref<64x128xf32, #tpu.memory_space<vmem>>)
      %dma_wait3A_269 = arith.constant 5 : i32
      %dma_wait3A_270 = arith.constant 64 : i32
      %dma_wait3A_271 = arith.constant 0 : i32
      %dma_wait3A_272 = tpu.memref_slice %arg10[%dma_wait3A_270, %dma_wait3A_271] : memref<128x128xf32, #tpu.memory_space<vmem>> -> memref<64x128xf32, #tpu.memory_space<vmem>>
      %dma_wait3A_273 = arith.constant 64 : i32
      %dma_wait3A_274 = tpu.memref_slice %arg7[%dma_wait3A_269, %dma_wait3A_273] : memref<8x128xi32, #tpu.memory_space<vmem>> -> memref<1x64xi32, #tpu.memory_space<vmem>>
      %dma_wait3A_275 = tpu.memref_squeeze %dma_wait3A_274 : memref<1x64xi32, #tpu.memory_space<vmem>> -> memref<64xi32, #tpu.memory_space<vmem>>
      %dma_wait3A_276 = arith.constant 0 : i32
      %dma_wait3A_277 = arith.constant 0 : i32
      %dma_wait3A_278 = tpu.memref_slice %arg2[%dma_wait3A_276, %dma_wait3A_277] : memref<10000x128xf32, #tpu.memory_space<hbm>> -> memref<10000x128xf32, #tpu.memory_space<hbm>>
      tpu.wait_indirect_dma semaphore(%arg13 : memref<!tpu.dma_semaphore, #tpu.memory_space<semaphore_mem>>) src(%dma_wait3A_278 : memref<10000x128xf32, #tpu.memory_space<hbm>>) dst(%dma_wait3A_272 : memref<64x128xf32, #tpu.memory_space<vmem>>)
      %run_scoped3A_279 = arith.constant 5 : i32
      "tpu.region"() ({
        %run_scoped3A_342 = tpu.sem_alloc : memref<!tpu.dma_semaphore, #tpu.memory_space<semaphore_mem>>
        %dma_start3A_343 = arith.constant 0 : i32
        %dma_start3A_344 = tpu.memref_slice %arg8[%run_scoped3A_279, %dma_start3A_343] : memref<8x128xi32, #tpu.memory_space<vmem>> -> memref<1x128xi32, #tpu.memory_space<vmem>>
        %dma_start3A_345 = tpu.memref_squeeze %dma_start3A_344 : memref<1x128xi32, #tpu.memory_space<vmem>> -> memref<128xi32, #tpu.memory_space<vmem>>
        %dma_start3A_346 = arith.constant 0 : i32
        %dma_start3A_347 = arith.constant 0 : i32
        %dma_start3A_348 = tpu.memref_slice %arg11[%dma_start3A_346, %dma_start3A_347] : memref<10112x128xf32, #tpu.memory_space<vmem_shared>> -> memref<10112x128xf32, #tpu.memory_space<vmem_shared>>
        tpu.enqueue_indirect_dma source(%arg10 : memref<128x128xf32, #tpu.memory_space<vmem>>) target(%dma_start3A_348 : memref<10112x128xf32, #tpu.memory_space<vmem_shared>>) offsets(%dma_start3A_345 : memref<128xi32, #tpu.memory_space<vmem>>) semaphore(%run_scoped3A_342 : memref<!tpu.dma_semaphore, #tpu.memory_space<semaphore_mem>>) {add = true}
        %dma_wait3A_349 = arith.constant 0 : i32
        %dma_wait3A_350 = tpu.memref_slice %arg8[%run_scoped3A_279, %dma_wait3A_349] : memref<8x128xi32, #tpu.memory_space<vmem>> -> memref<1x128xi32, #tpu.memory_space<vmem>>
        %dma_wait3A_351 = tpu.memref_squeeze %dma_wait3A_350 : memref<1x128xi32, #tpu.memory_space<vmem>> -> memref<128xi32, #tpu.memory_space<vmem>>
        %dma_wait3A_352 = arith.constant 0 : i32
        %dma_wait3A_353 = arith.constant 0 : i32
        %dma_wait3A_354 = tpu.memref_slice %arg11[%dma_wait3A_352, %dma_wait3A_353] : memref<10112x128xf32, #tpu.memory_space<vmem_shared>> -> memref<10112x128xf32, #tpu.memory_space<vmem_shared>>
        tpu.wait_indirect_dma semaphore(%run_scoped3A_342 : memref<!tpu.dma_semaphore, #tpu.memory_space<semaphore_mem>>) src(%arg10 : memref<128x128xf32, #tpu.memory_space<vmem>>) dst(%dma_wait3A_354 : memref<10112x128xf32, #tpu.memory_space<vmem_shared>>)
        tpu.yield
      }) : () -> ()
      %dma_start3A_280 = arith.constant 7 : i32
      %dma_start3A_281 = arith.constant 0 : i32
      %dma_start3A_282 = arith.constant 0 : i32
      %dma_start3A_283 = tpu.memref_slice %arg10[%dma_start3A_281, %dma_start3A_282] : memref<128x128xf32, #tpu.memory_space<vmem>> -> memref<64x128xf32, #tpu.memory_space<vmem>>
      %dma_start3A_284 = arith.constant 0 : i32
      %dma_start3A_285 = tpu.memref_slice %arg7[%dma_start3A_280, %dma_start3A_284] : memref<8x128xi32, #tpu.memory_space<vmem>> -> memref<1x64xi32, #tpu.memory_space<vmem>>
      %dma_start3A_286 = tpu.memref_squeeze %dma_start3A_285 : memref<1x64xi32, #tpu.memory_space<vmem>> -> memref<64xi32, #tpu.memory_space<vmem>>
      %dma_start3A_287 = arith.constant 0 : i32
      %dma_start3A_288 = arith.constant 0 : i32
      %dma_start3A_289 = tpu.memref_slice %arg2[%dma_start3A_287, %dma_start3A_288] : memref<10000x128xf32, #tpu.memory_space<hbm>> -> memref<10000x128xf32, #tpu.memory_space<hbm>>
      tpu.enqueue_indirect_dma source(%dma_start3A_289 : memref<10000x128xf32, #tpu.memory_space<hbm>>) target(%dma_start3A_283 : memref<64x128xf32, #tpu.memory_space<vmem>>) offsets(%dma_start3A_286 : memref<64xi32, #tpu.memory_space<vmem>>) semaphore(%arg13 : memref<!tpu.dma_semaphore, #tpu.memory_space<semaphore_mem>>)
      %dma_start3A_290 = arith.constant 7 : i32
      %dma_start3A_291 = arith.constant 64 : i32
      %dma_start3A_292 = arith.constant 0 : i32
      %dma_start3A_293 = tpu.memref_slice %arg10[%dma_start3A_291, %dma_start3A_292] : memref<128x128xf32, #tpu.memory_space<vmem>> -> memref<64x128xf32, #tpu.memory_space<vmem>>
      %dma_start3A_294 = arith.constant 64 : i32
      %dma_start3A_295 = tpu.memref_slice %arg7[%dma_start3A_290, %dma_start3A_294] : memref<8x128xi32, #tpu.memory_space<vmem>> -> memref<1x64xi32, #tpu.memory_space<vmem>>
      %dma_start3A_296 = tpu.memref_squeeze %dma_start3A_295 : memref<1x64xi32, #tpu.memory_space<vmem>> -> memref<64xi32, #tpu.memory_space<vmem>>
      %dma_start3A_297 = arith.constant 0 : i32
      %dma_start3A_298 = arith.constant 0 : i32
      %dma_start3A_299 = tpu.memref_slice %arg2[%dma_start3A_297, %dma_start3A_298] : memref<10000x128xf32, #tpu.memory_space<hbm>> -> memref<10000x128xf32, #tpu.memory_space<hbm>>
      tpu.enqueue_indirect_dma source(%dma_start3A_299 : memref<10000x128xf32, #tpu.memory_space<hbm>>) target(%dma_start3A_293 : memref<64x128xf32, #tpu.memory_space<vmem>>) offsets(%dma_start3A_296 : memref<64xi32, #tpu.memory_space<vmem>>) semaphore(%arg13 : memref<!tpu.dma_semaphore, #tpu.memory_space<semaphore_mem>>)
      %dma_wait3A_300 = arith.constant 6 : i32
      %dma_wait3A_301 = arith.constant 0 : i32
      %dma_wait3A_302 = arith.constant 0 : i32
      %dma_wait3A_303 = tpu.memref_slice %arg9[%dma_wait3A_301, %dma_wait3A_302] : memref<128x128xf32, #tpu.memory_space<vmem>> -> memref<64x128xf32, #tpu.memory_space<vmem>>
      %dma_wait3A_304 = arith.constant 0 : i32
      %dma_wait3A_305 = tpu.memref_slice %arg7[%dma_wait3A_300, %dma_wait3A_304] : memref<8x128xi32, #tpu.memory_space<vmem>> -> memref<1x64xi32, #tpu.memory_space<vmem>>
      %dma_wait3A_306 = tpu.memref_squeeze %dma_wait3A_305 : memref<1x64xi32, #tpu.memory_space<vmem>> -> memref<64xi32, #tpu.memory_space<vmem>>
      %dma_wait3A_307 = arith.constant 0 : i32
      %dma_wait3A_308 = arith.constant 0 : i32
      %dma_wait3A_309 = tpu.memref_slice %arg2[%dma_wait3A_307, %dma_wait3A_308] : memref<10000x128xf32, #tpu.memory_space<hbm>> -> memref<10000x128xf32, #tpu.memory_space<hbm>>
      tpu.wait_indirect_dma semaphore(%arg12 : memref<!tpu.dma_semaphore, #tpu.memory_space<semaphore_mem>>) src(%dma_wait3A_309 : memref<10000x128xf32, #tpu.memory_space<hbm>>) dst(%dma_wait3A_303 : memref<64x128xf32, #tpu.memory_space<vmem>>)
      %dma_wait3A_310 = arith.constant 6 : i32
      %dma_wait3A_311 = arith.constant 64 : i32
      %dma_wait3A_312 = arith.constant 0 : i32
      %dma_wait3A_313 = tpu.memref_slice %arg9[%dma_wait3A_311, %dma_wait3A_312] : memref<128x128xf32, #tpu.memory_space<vmem>> -> memref<64x128xf32, #tpu.memory_space<vmem>>
      %dma_wait3A_314 = arith.constant 64 : i32
      %dma_wait3A_315 = tpu.memref_slice %arg7[%dma_wait3A_310, %dma_wait3A_314] : memref<8x128xi32, #tpu.memory_space<vmem>> -> memref<1x64xi32, #tpu.memory_space<vmem>>
      %dma_wait3A_316 = tpu.memref_squeeze %dma_wait3A_315 : memref<1x64xi32, #tpu.memory_space<vmem>> -> memref<64xi32, #tpu.memory_space<vmem>>
      %dma_wait3A_317 = arith.constant 0 : i32
      %dma_wait3A_318 = arith.constant 0 : i32
      %dma_wait3A_319 = tpu.memref_slice %arg2[%dma_wait3A_317, %dma_wait3A_318] : memref<10000x128xf32, #tpu.memory_space<hbm>> -> memref<10000x128xf32, #tpu.memory_space<hbm>>
      tpu.wait_indirect_dma semaphore(%arg12 : memref<!tpu.dma_semaphore, #tpu.memory_space<semaphore_mem>>) src(%dma_wait3A_319 : memref<10000x128xf32, #tpu.memory_space<hbm>>) dst(%dma_wait3A_313 : memref<64x128xf32, #tpu.memory_space<vmem>>)
      %run_scoped3A_320 = arith.constant 6 : i32
      "tpu.region"() ({
        %run_scoped3A_342 = tpu.sem_alloc : memref<!tpu.dma_semaphore, #tpu.memory_space<semaphore_mem>>
        %dma_start3A_343 = arith.constant 0 : i32
        %dma_start3A_344 = tpu.memref_slice %arg8[%run_scoped3A_320, %dma_start3A_343] : memref<8x128xi32, #tpu.memory_space<vmem>> -> memref<1x128xi32, #tpu.memory_space<vmem>>
        %dma_start3A_345 = tpu.memref_squeeze %dma_start3A_344 : memref<1x128xi32, #tpu.memory_space<vmem>> -> memref<128xi32, #tpu.memory_space<vmem>>
        %dma_start3A_346 = arith.constant 0 : i32
        %dma_start3A_347 = arith.constant 0 : i32
        %dma_start3A_348 = tpu.memref_slice %arg11[%dma_start3A_346, %dma_start3A_347] : memref<10112x128xf32, #tpu.memory_space<vmem_shared>> -> memref<10112x128xf32, #tpu.memory_space<vmem_shared>>
        tpu.enqueue_indirect_dma source(%arg9 : memref<128x128xf32, #tpu.memory_space<vmem>>) target(%dma_start3A_348 : memref<10112x128xf32, #tpu.memory_space<vmem_shared>>) offsets(%dma_start3A_345 : memref<128xi32, #tpu.memory_space<vmem>>) semaphore(%run_scoped3A_342 : memref<!tpu.dma_semaphore, #tpu.memory_space<semaphore_mem>>) {add = true}
        %dma_wait3A_349 = arith.constant 0 : i32
        %dma_wait3A_350 = tpu.memref_slice %arg8[%run_scoped3A_320, %dma_wait3A_349] : memref<8x128xi32, #tpu.memory_space<vmem>> -> memref<1x128xi32, #tpu.memory_space<vmem>>
        %dma_wait3A_351 = tpu.memref_squeeze %dma_wait3A_350 : memref<1x128xi32, #tpu.memory_space<vmem>> -> memref<128xi32, #tpu.memory_space<vmem>>
        %dma_wait3A_352 = arith.constant 0 : i32
        %dma_wait3A_353 = arith.constant 0 : i32
        %dma_wait3A_354 = tpu.memref_slice %arg11[%dma_wait3A_352, %dma_wait3A_353] : memref<10112x128xf32, #tpu.memory_space<vmem_shared>> -> memref<10112x128xf32, #tpu.memory_space<vmem_shared>>
        tpu.wait_indirect_dma semaphore(%run_scoped3A_342 : memref<!tpu.dma_semaphore, #tpu.memory_space<semaphore_mem>>) src(%arg9 : memref<128x128xf32, #tpu.memory_space<vmem>>) dst(%dma_wait3A_354 : memref<10112x128xf32, #tpu.memory_space<vmem_shared>>)
        tpu.yield
      }) : () -> ()
      %dma_wait3A_321 = arith.constant 7 : i32
      %dma_wait3A_322 = arith.constant 0 : i32
      %dma_wait3A_323 = arith.constant 0 : i32
      %dma_wait3A_324 = tpu.memref_slice %arg10[%dma_wait3A_322, %dma_wait3A_323] : memref<128x128xf32, #tpu.memory_space<vmem>> -> memref<64x128xf32, #tpu.memory_space<vmem>>
      %dma_wait3A_325 = arith.constant 0 : i32
      %dma_wait3A_326 = tpu.memref_slice %arg7[%dma_wait3A_321, %dma_wait3A_325] : memref<8x128xi32, #tpu.memory_space<vmem>> -> memref<1x64xi32, #tpu.memory_space<vmem>>
      %dma_wait3A_327 = tpu.memref_squeeze %dma_wait3A_326 : memref<1x64xi32, #tpu.memory_space<vmem>> -> memref<64xi32, #tpu.memory_space<vmem>>
      %dma_wait3A_328 = arith.constant 0 : i32
      %dma_wait3A_329 = arith.constant 0 : i32
      %dma_wait3A_330 = tpu.memref_slice %arg2[%dma_wait3A_328, %dma_wait3A_329] : memref<10000x128xf32, #tpu.memory_space<hbm>> -> memref<10000x128xf32, #tpu.memory_space<hbm>>
      tpu.wait_indirect_dma semaphore(%arg13 : memref<!tpu.dma_semaphore, #tpu.memory_space<semaphore_mem>>) src(%dma_wait3A_330 : memref<10000x128xf32, #tpu.memory_space<hbm>>) dst(%dma_wait3A_324 : memref<64x128xf32, #tpu.memory_space<vmem>>)
      %dma_wait3A_331 = arith.constant 7 : i32
      %dma_wait3A_332 = arith.constant 64 : i32
      %dma_wait3A_333 = arith.constant 0 : i32
      %dma_wait3A_334 = tpu.memref_slice %arg10[%dma_wait3A_332, %dma_wait3A_333] : memref<128x128xf32, #tpu.memory_space<vmem>> -> memref<64x128xf32, #tpu.memory_space<vmem>>
      %dma_wait3A_335 = arith.constant 64 : i32
      %dma_wait3A_336 = tpu.memref_slice %arg7[%dma_wait3A_331, %dma_wait3A_335] : memref<8x128xi32, #tpu.memory_space<vmem>> -> memref<1x64xi32, #tpu.memory_space<vmem>>
      %dma_wait3A_337 = tpu.memref_squeeze %dma_wait3A_336 : memref<1x64xi32, #tpu.memory_space<vmem>> -> memref<64xi32, #tpu.memory_space<vmem>>
      %dma_wait3A_338 = arith.constant 0 : i32
      %dma_wait3A_339 = arith.constant 0 : i32
      %dma_wait3A_340 = tpu.memref_slice %arg2[%dma_wait3A_338, %dma_wait3A_339] : memref<10000x128xf32, #tpu.memory_space<hbm>> -> memref<10000x128xf32, #tpu.memory_space<hbm>>
      tpu.wait_indirect_dma semaphore(%arg13 : memref<!tpu.dma_semaphore, #tpu.memory_space<semaphore_mem>>) src(%dma_wait3A_340 : memref<10000x128xf32, #tpu.memory_space<hbm>>) dst(%dma_wait3A_334 : memref<64x128xf32, #tpu.memory_space<vmem>>)
      %run_scoped3A_341 = arith.constant 7 : i32
      "tpu.region"() ({
        %run_scoped3A_342 = tpu.sem_alloc : memref<!tpu.dma_semaphore, #tpu.memory_space<semaphore_mem>>
        %dma_start3A_343 = arith.constant 0 : i32
        %dma_start3A_344 = tpu.memref_slice %arg8[%run_scoped3A_341, %dma_start3A_343] : memref<8x128xi32, #tpu.memory_space<vmem>> -> memref<1x128xi32, #tpu.memory_space<vmem>>
        %dma_start3A_345 = tpu.memref_squeeze %dma_start3A_344 : memref<1x128xi32, #tpu.memory_space<vmem>> -> memref<128xi32, #tpu.memory_space<vmem>>
        %dma_start3A_346 = arith.constant 0 : i32
        %dma_start3A_347 = arith.constant 0 : i32
        %dma_start3A_348 = tpu.memref_slice %arg11[%dma_start3A_346, %dma_start3A_347] : memref<10112x128xf32, #tpu.memory_space<vmem_shared>> -> memref<10112x128xf32, #tpu.memory_space<vmem_shared>>
        tpu.enqueue_indirect_dma source(%arg10 : memref<128x128xf32, #tpu.memory_space<vmem>>) target(%dma_start3A_348 : memref<10112x128xf32, #tpu.memory_space<vmem_shared>>) offsets(%dma_start3A_345 : memref<128xi32, #tpu.memory_space<vmem>>) semaphore(%run_scoped3A_342 : memref<!tpu.dma_semaphore, #tpu.memory_space<semaphore_mem>>) {add = true}
        %dma_wait3A_349 = arith.constant 0 : i32
        %dma_wait3A_350 = tpu.memref_slice %arg8[%run_scoped3A_341, %dma_wait3A_349] : memref<8x128xi32, #tpu.memory_space<vmem>> -> memref<1x128xi32, #tpu.memory_space<vmem>>
        %dma_wait3A_351 = tpu.memref_squeeze %dma_wait3A_350 : memref<1x128xi32, #tpu.memory_space<vmem>> -> memref<128xi32, #tpu.memory_space<vmem>>
        %dma_wait3A_352 = arith.constant 0 : i32
        %dma_wait3A_353 = arith.constant 0 : i32
        %dma_wait3A_354 = tpu.memref_slice %arg11[%dma_wait3A_352, %dma_wait3A_353] : memref<10112x128xf32, #tpu.memory_space<vmem_shared>> -> memref<10112x128xf32, #tpu.memory_space<vmem_shared>>
        tpu.wait_indirect_dma semaphore(%run_scoped3A_342 : memref<!tpu.dma_semaphore, #tpu.memory_space<semaphore_mem>>) src(%arg10 : memref<128x128xf32, #tpu.memory_space<vmem>>) dst(%dma_wait3A_354 : memref<10112x128xf32, #tpu.memory_space<vmem_shared>>)
        tpu.yield
      }) : () -> ()
    }
    %scan3A_7 = arith.constant 10 : i32
    %barrier3A_8 = arith.constant 0 : index
    tpu.barrier barrier_id(%barrier3A_8)
    %mul3A_9 = arith.constant 10112 : i32
    %mul3A_10 = arith.muli %arg0, %mul3A_9 : i32
    %add3A_11 = arith.addi %mul3A_10, %mul3A_2 : i32
    "tpu.region"() ({
      %run_scoped3A = tpu.sem_alloc : memref<!tpu.dma_semaphore, #tpu.memory_space<semaphore_mem>>
      %dma_start3A = arith.constant 0 : i32
      %dma_start3A_12 = tpu.memref_slice %arg6[%add3A_11, %dma_start3A] : memref<20224x128xf32, #tpu.memory_space<hbm>> -> memref<632x128xf32, #tpu.memory_space<hbm>>
      %dma_start3A_13 = arith.constant 0 : i32
      %dma_start3A_14 = tpu.memref_slice %arg11[%mul3A_2, %dma_start3A_13] : memref<10112x128xf32, #tpu.memory_space<vmem_shared>> -> memref<632x128xf32, #tpu.memory_space<vmem_shared>>
      tpu.enqueue_dma source(%dma_start3A_14 : memref<632x128xf32, #tpu.memory_space<vmem_shared>>) target(%dma_start3A_12 : memref<632x128xf32, #tpu.memory_space<hbm>>) target_semaphore(%run_scoped3A : memref<!tpu.dma_semaphore, #tpu.memory_space<semaphore_mem>>)
      %dma_wait3A = arith.constant 0 : i32
      %dma_wait3A_15 = tpu.memref_slice %arg6[%add3A_11, %dma_wait3A] : memref<20224x128xf32, #tpu.memory_space<hbm>> -> memref<632x128xf32, #tpu.memory_space<hbm>>
      %dma_wait3A_16 = arith.constant 0 : i32
      %dma_wait3A_17 = tpu.memref_slice %arg11[%mul3A_2, %dma_wait3A_16] : memref<10112x128xf32, #tpu.memory_space<vmem_shared>> -> memref<632x128xf32, #tpu.memory_space<vmem_shared>>
      tpu.wait_dma2 semaphore(%run_scoped3A : memref<!tpu.dma_semaphore, #tpu.memory_space<semaphore_mem>>) src(%dma_wait3A_17 : memref<632x128xf32, #tpu.memory_space<vmem_shared>>) dst(%dma_wait3A_15 : memref<632x128xf32, #tpu.memory_space<hbm>>)
      tpu.yield
    }) : () -> ()
    return
  }
}

#map = affine_map<(d0, d1) -> (0, 0)>
#map1 = affine_map<(d0, d1) -> (0, 0, 0)>
module attributes {stable_mosaic.version = 14 : i64} {
  func.func @_sc_seg_body(%arg0: i32, %arg1: i32, %arg2: memref<10000x128xf32, #tpu.memory_space<hbm>>, %arg3: memref<32x80x128xi32, #tpu.memory_space<hbm>>, %arg4: memref<32x80x128xi32, #tpu.memory_space<hbm>>, %arg5: memref<10112x128xf32, #tpu.memory_space<hbm>>, %arg6: memref<20224x128xf32, #tpu.memory_space<hbm>>, %arg7: memref<8x128xi32, #tpu.memory_space<vmem>>, %arg8: memref<8x128xi32, #tpu.memory_space<vmem>>, %arg9: memref<128x128xf32, #tpu.memory_space<vmem>>, %arg10: memref<128x128xf32, #tpu.memory_space<vmem>>, %arg11: memref<10112x128xf32, #tpu.memory_space<vmem_shared>>, %arg12: memref<!tpu.dma_semaphore, #tpu.memory_space<semaphore_mem>>, %arg13: memref<!tpu.dma_semaphore, #tpu.memory_space<semaphore_mem>>) attributes {dimension_semantics = [#tpu.dimension_semantics<core_parallel>, #tpu.dimension_semantics<subcore_parallel>], iteration_bounds = array<i64: 2, 16>, scalar_prefetch = 0 : i64, scratch_operands = 7 : i64, tpu.core_type = #tpu.core_type<sc_vector_subcore>, window_params = [{transform_indices = #map}, {transform_indices = #map1}, {transform_indices = #map1}, {transform_indices = #map}, {transform_indices = #map}]} {
    %mul3A = arith.constant 16 : i32
    %mul3A_0 = arith.muli %arg0, %mul3A : i32
    %add3A = arith.addi %mul3A_0, %arg1 : i32
    %mul3A_1 = arith.constant 632 : i32
    %mul3A_2 = arith.muli %arg1, %mul3A_1 : i32
    "tpu.region"() ({
      %run_scoped3A = tpu.sem_alloc : memref<!tpu.dma_semaphore, #tpu.memory_space<semaphore_mem>>
      %dma_start3A = arith.constant 0 : i32
      %dma_start3A_12 = tpu.memref_slice %arg11[%mul3A_2, %dma_start3A] : memref<10112x128xf32, #tpu.memory_space<vmem_shared>> -> memref<632x128xf32, #tpu.memory_space<vmem_shared>>
      %dma_start3A_13 = arith.constant 0 : i32
      %dma_start3A_14 = tpu.memref_slice %arg5[%mul3A_2, %dma_start3A_13] : memref<10112x128xf32, #tpu.memory_space<hbm>> -> memref<632x128xf32, #tpu.memory_space<hbm>>
      tpu.enqueue_dma source(%dma_start3A_14 : memref<632x128xf32, #tpu.memory_space<hbm>>) target(%dma_start3A_12 : memref<632x128xf32, #tpu.memory_space<vmem_shared>>) target_semaphore(%run_scoped3A : memref<!tpu.dma_semaphore, #tpu.memory_space<semaphore_mem>>)
      %dma_wait3A = arith.constant 0 : i32
      %dma_wait3A_15 = tpu.memref_slice %arg11[%mul3A_2, %dma_wait3A] : memref<10112x128xf32, #tpu.memory_space<vmem_shared>> -> memref<632x128xf32, #tpu.memory_space<vmem_shared>>
      %dma_wait3A_16 = arith.constant 0 : i32
      %dma_wait3A_17 = tpu.memref_slice %arg5[%mul3A_2, %dma_wait3A_16] : memref<10112x128xf32, #tpu.memory_space<hbm>> -> memref<632x128xf32, #tpu.memory_space<hbm>>
      tpu.wait_dma2 semaphore(%run_scoped3A : memref<!tpu.dma_semaphore, #tpu.memory_space<semaphore_mem>>) src(%dma_wait3A_17 : memref<632x128xf32, #tpu.memory_space<hbm>>) dst(%dma_wait3A_15 : memref<632x128xf32, #tpu.memory_space<vmem_shared>>)
      tpu.yield
    }) : () -> ()
    %barrier3A = arith.constant 0 : index
    tpu.barrier barrier_id(%barrier3A)
    %scan3A = arith.constant 0 : i32
    %scan3A_3 = arith.constant 0 : i32
    %scan3A_4 = arith.constant 10 : i32
    %scan3A_5 = arith.addi %scan3A_3, %scan3A_4 : i32
    %scan3A_6 = arith.constant 1 : i32
    scf.for %scan3A_12 = %scan3A_3 to %scan3A_5 step %scan3A_6  : i32 {
      %mul3A_13 = arith.constant 8 : i32
      %mul3A_14 = arith.muli %scan3A_12, %mul3A_13 : i32
      "tpu.region"() ({
        %run_scoped3A_342 = tpu.sem_alloc : memref<!tpu.dma_semaphore, #tpu.memory_space<semaphore_mem>>
        %dma_start3A_343 = arith.constant 0 : i32
        %dma_start3A_344 = tpu.memref_slice %arg3[%add3A, %mul3A_14, %dma_start3A_343] : memref<32x80x128xi32, #tpu.memory_space<hbm>> -> memref<1x8x128xi32, #tpu.memory_space<hbm>>
        %dma_start3A_345 = tpu.memref_squeeze %dma_start3A_344 : memref<1x8x128xi32, #tpu.memory_space<hbm>> -> memref<8x128xi32, #tpu.memory_space<hbm>>
        %dma_start3A_346 = arith.constant 0 : i32
        %dma_start3A_347 = tpu.memref_slice %arg3[%add3A, %mul3A_14, %dma_start3A_346] : memref<32x80x128xi32, #tpu.memory_space<hbm>> -> memref<1x8x128xi32, #tpu.memory_space<hbm>>
        %dma_start3A_348 = tpu.memref_squeeze %dma_start3A_347 : memref<1x8x128xi32, #tpu.memory_space<hbm>> -> memref<8x128xi32, #tpu.memory_space<hbm>>
        tpu.enqueue_dma source(%dma_start3A_348 : memref<8x128xi32, #tpu.memory_space<hbm>>) target(%arg7 : memref<8x128xi32, #tpu.memory_space<vmem>>) target_semaphore(%run_scoped3A_342 : memref<!tpu.dma_semaphore, #tpu.memory_space<semaphore_mem>>)
        %dma_wait3A_349 = arith.constant 0 : i32
        %dma_wait3A_350 = tpu.memref_slice %arg3[%add3A, %mul3A_14, %dma_wait3A_349] : memref<32x80x128xi32, #tpu.memory_space<hbm>> -> memref<1x8x128xi32, #tpu.memory_space<hbm>>
        %dma_wait3A_351 = tpu.memref_squeeze %dma_wait3A_350 : memref<1x8x128xi32, #tpu.memory_space<hbm>> -> memref<8x128xi32, #tpu.memory_space<hbm>>
        %dma_wait3A_352 = arith.constant 0 : i32
        %dma_wait3A_353 = tpu.memref_slice %arg3[%add3A, %mul3A_14, %dma_wait3A_352] : memref<32x80x128xi32, #tpu.memory_space<hbm>> -> memref<1x8x128xi32, #tpu.memory_space<hbm>>
        %dma_wait3A_354 = tpu.memref_squeeze %dma_wait3A_353 : memref<1x8x128xi32, #tpu.memory_space<hbm>> -> memref<8x128xi32, #tpu.memory_space<hbm>>
        tpu.wait_dma2 semaphore(%run_scoped3A_342 : memref<!tpu.dma_semaphore, #tpu.memory_space<semaphore_mem>>) src(%dma_wait3A_354 : memref<8x128xi32, #tpu.memory_space<hbm>>) dst(%arg7 : memref<8x128xi32, #tpu.memory_space<vmem>>)
        tpu.yield
      }) : () -> ()
      %mul3A_15 = arith.constant 8 : i32
      %mul3A_16 = arith.muli %scan3A_12, %mul3A_15 : i32
      "tpu.region"() ({
        %run_scoped3A_342 = tpu.sem_alloc : memref<!tpu.dma_semaphore, #tpu.memory_space<semaphore_mem>>
        %dma_start3A_343 = arith.constant 0 : i32
        %dma_start3A_344 = tpu.memref_slice %arg4[%add3A, %mul3A_16, %dma_start3A_343] : memref<32x80x128xi32, #tpu.memory_space<hbm>> -> memref<1x8x128xi32, #tpu.memory_space<hbm>>
        %dma_start3A_345 = tpu.memref_squeeze %dma_start3A_344 : memref<1x8x128xi32, #tpu.memory_space<hbm>> -> memref<8x128xi32, #tpu.memory_space<hbm>>
        %dma_start3A_346 = arith.constant 0 : i32
        %dma_start3A_347 = tpu.memref_slice %arg4[%add3A, %mul3A_16, %dma_start3A_346] : memref<32x80x128xi32, #tpu.memory_space<hbm>> -> memref<1x8x128xi32, #tpu.memory_space<hbm>>
        %dma_start3A_348 = tpu.memref_squeeze %dma_start3A_347 : memref<1x8x128xi32, #tpu.memory_space<hbm>> -> memref<8x128xi32, #tpu.memory_space<hbm>>
        tpu.enqueue_dma source(%dma_start3A_348 : memref<8x128xi32, #tpu.memory_space<hbm>>) target(%arg8 : memref<8x128xi32, #tpu.memory_space<vmem>>) target_semaphore(%run_scoped3A_342 : memref<!tpu.dma_semaphore, #tpu.memory_space<semaphore_mem>>)
        %dma_wait3A_349 = arith.constant 0 : i32
        %dma_wait3A_350 = tpu.memref_slice %arg4[%add3A, %mul3A_16, %dma_wait3A_349] : memref<32x80x128xi32, #tpu.memory_space<hbm>> -> memref<1x8x128xi32, #tpu.memory_space<hbm>>
        %dma_wait3A_351 = tpu.memref_squeeze %dma_wait3A_350 : memref<1x8x128xi32, #tpu.memory_space<hbm>> -> memref<8x128xi32, #tpu.memory_space<hbm>>
        %dma_wait3A_352 = arith.constant 0 : i32
        %dma_wait3A_353 = tpu.memref_slice %arg4[%add3A, %mul3A_16, %dma_wait3A_352] : memref<32x80x128xi32, #tpu.memory_space<hbm>> -> memref<1x8x128xi32, #tpu.memory_space<hbm>>
        %dma_wait3A_354 = tpu.memref_squeeze %dma_wait3A_353 : memref<1x8x128xi32, #tpu.memory_space<hbm>> -> memref<8x128xi32, #tpu.memory_space<hbm>>
        tpu.wait_dma2 semaphore(%run_scoped3A_342 : memref<!tpu.dma_semaphore, #tpu.memory_space<semaphore_mem>>) src(%dma_wait3A_354 : memref<8x128xi32, #tpu.memory_space<hbm>>) dst(%arg8 : memref<8x128xi32, #tpu.memory_space<vmem>>)
        tpu.yield
      }) : () -> ()
      %dma_start3A = arith.constant 0 : i32
      %dma_start3A_17 = arith.constant 0 : i32
      %dma_start3A_18 = arith.constant 0 : i32
      %dma_start3A_19 = tpu.memref_slice %arg9[%dma_start3A_17, %dma_start3A_18] : memref<128x128xf32, #tpu.memory_space<vmem>> -> memref<64x128xf32, #tpu.memory_space<vmem>>
      %dma_start3A_20 = arith.constant 0 : i32
      %dma_start3A_21 = tpu.memref_slice %arg7[%dma_start3A, %dma_start3A_20] : memref<8x128xi32, #tpu.memory_space<vmem>> -> memref<1x64xi32, #tpu.memory_space<vmem>>
      %dma_start3A_22 = tpu.memref_squeeze %dma_start3A_21 : memref<1x64xi32, #tpu.memory_space<vmem>> -> memref<64xi32, #tpu.memory_space<vmem>>
      %dma_start3A_23 = arith.constant 0 : i32
      %dma_start3A_24 = arith.constant 0 : i32
      %dma_start3A_25 = tpu.memref_slice %arg2[%dma_start3A_23, %dma_start3A_24] : memref<10000x128xf32, #tpu.memory_space<hbm>> -> memref<10000x128xf32, #tpu.memory_space<hbm>>
      tpu.enqueue_indirect_dma source(%dma_start3A_25 : memref<10000x128xf32, #tpu.memory_space<hbm>>) target(%dma_start3A_19 : memref<64x128xf32, #tpu.memory_space<vmem>>) offsets(%dma_start3A_22 : memref<64xi32, #tpu.memory_space<vmem>>) semaphore(%arg12 : memref<!tpu.dma_semaphore, #tpu.memory_space<semaphore_mem>>)
      %dma_start3A_26 = arith.constant 0 : i32
      %dma_start3A_27 = arith.constant 64 : i32
      %dma_start3A_28 = arith.constant 0 : i32
      %dma_start3A_29 = tpu.memref_slice %arg9[%dma_start3A_27, %dma_start3A_28] : memref<128x128xf32, #tpu.memory_space<vmem>> -> memref<64x128xf32, #tpu.memory_space<vmem>>
      %dma_start3A_30 = arith.constant 64 : i32
      %dma_start3A_31 = tpu.memref_slice %arg7[%dma_start3A_26, %dma_start3A_30] : memref<8x128xi32, #tpu.memory_space<vmem>> -> memref<1x64xi32, #tpu.memory_space<vmem>>
      %dma_start3A_32 = tpu.memref_squeeze %dma_start3A_31 : memref<1x64xi32, #tpu.memory_space<vmem>> -> memref<64xi32, #tpu.memory_space<vmem>>
      %dma_start3A_33 = arith.constant 0 : i32
      %dma_start3A_34 = arith.constant 0 : i32
      %dma_start3A_35 = tpu.memref_slice %arg2[%dma_start3A_33, %dma_start3A_34] : memref<10000x128xf32, #tpu.memory_space<hbm>> -> memref<10000x128xf32, #tpu.memory_space<hbm>>
      tpu.enqueue_indirect_dma source(%dma_start3A_35 : memref<10000x128xf32, #tpu.memory_space<hbm>>) target(%dma_start3A_29 : memref<64x128xf32, #tpu.memory_space<vmem>>) offsets(%dma_start3A_32 : memref<64xi32, #tpu.memory_space<vmem>>) semaphore(%arg12 : memref<!tpu.dma_semaphore, #tpu.memory_space<semaphore_mem>>)
      %dma_start3A_36 = arith.constant 1 : i32
      %dma_start3A_37 = arith.constant 0 : i32
      %dma_start3A_38 = arith.constant 0 : i32
      %dma_start3A_39 = tpu.memref_slice %arg10[%dma_start3A_37, %dma_start3A_38] : memref<128x128xf32, #tpu.memory_space<vmem>> -> memref<64x128xf32, #tpu.memory_space<vmem>>
      %dma_start3A_40 = arith.constant 0 : i32
      %dma_start3A_41 = tpu.memref_slice %arg7[%dma_start3A_36, %dma_start3A_40] : memref<8x128xi32, #tpu.memory_space<vmem>> -> memref<1x64xi32, #tpu.memory_space<vmem>>
      %dma_start3A_42 = tpu.memref_squeeze %dma_start3A_41 : memref<1x64xi32, #tpu.memory_space<vmem>> -> memref<64xi32, #tpu.memory_space<vmem>>
      %dma_start3A_43 = arith.constant 0 : i32
      %dma_start3A_44 = arith.constant 0 : i32
      %dma_start3A_45 = tpu.memref_slice %arg2[%dma_start3A_43, %dma_start3A_44] : memref<10000x128xf32, #tpu.memory_space<hbm>> -> memref<10000x128xf32, #tpu.memory_space<hbm>>
      tpu.enqueue_indirect_dma source(%dma_start3A_45 : memref<10000x128xf32, #tpu.memory_space<hbm>>) target(%dma_start3A_39 : memref<64x128xf32, #tpu.memory_space<vmem>>) offsets(%dma_start3A_42 : memref<64xi32, #tpu.memory_space<vmem>>) semaphore(%arg13 : memref<!tpu.dma_semaphore, #tpu.memory_space<semaphore_mem>>)
      %dma_start3A_46 = arith.constant 1 : i32
      %dma_start3A_47 = arith.constant 64 : i32
      %dma_start3A_48 = arith.constant 0 : i32
      %dma_start3A_49 = tpu.memref_slice %arg10[%dma_start3A_47, %dma_start3A_48] : memref<128x128xf32, #tpu.memory_space<vmem>> -> memref<64x128xf32, #tpu.memory_space<vmem>>
      %dma_start3A_50 = arith.constant 64 : i32
      %dma_start3A_51 = tpu.memref_slice %arg7[%dma_start3A_46, %dma_start3A_50] : memref<8x128xi32, #tpu.memory_space<vmem>> -> memref<1x64xi32, #tpu.memory_space<vmem>>
      %dma_start3A_52 = tpu.memref_squeeze %dma_start3A_51 : memref<1x64xi32, #tpu.memory_space<vmem>> -> memref<64xi32, #tpu.memory_space<vmem>>
      %dma_start3A_53 = arith.constant 0 : i32
      %dma_start3A_54 = arith.constant 0 : i32
      %dma_start3A_55 = tpu.memref_slice %arg2[%dma_start3A_53, %dma_start3A_54] : memref<10000x128xf32, #tpu.memory_space<hbm>> -> memref<10000x128xf32, #tpu.memory_space<hbm>>
      tpu.enqueue_indirect_dma source(%dma_start3A_55 : memref<10000x128xf32, #tpu.memory_space<hbm>>) target(%dma_start3A_49 : memref<64x128xf32, #tpu.memory_space<vmem>>) offsets(%dma_start3A_52 : memref<64xi32, #tpu.memory_space<vmem>>) semaphore(%arg13 : memref<!tpu.dma_semaphore, #tpu.memory_space<semaphore_mem>>)
      %dma_wait3A = arith.constant 0 : i32
      %dma_wait3A_56 = arith.constant 0 : i32
      %dma_wait3A_57 = arith.constant 0 : i32
      %dma_wait3A_58 = tpu.memref_slice %arg9[%dma_wait3A_56, %dma_wait3A_57] : memref<128x128xf32, #tpu.memory_space<vmem>> -> memref<64x128xf32, #tpu.memory_space<vmem>>
      %dma_wait3A_59 = arith.constant 0 : i32
      %dma_wait3A_60 = tpu.memref_slice %arg7[%dma_wait3A, %dma_wait3A_59] : memref<8x128xi32, #tpu.memory_space<vmem>> -> memref<1x64xi32, #tpu.memory_space<vmem>>
      %dma_wait3A_61 = tpu.memref_squeeze %dma_wait3A_60 : memref<1x64xi32, #tpu.memory_space<vmem>> -> memref<64xi32, #tpu.memory_space<vmem>>
      %dma_wait3A_62 = arith.constant 0 : i32
      %dma_wait3A_63 = arith.constant 0 : i32
      %dma_wait3A_64 = tpu.memref_slice %arg2[%dma_wait3A_62, %dma_wait3A_63] : memref<10000x128xf32, #tpu.memory_space<hbm>> -> memref<10000x128xf32, #tpu.memory_space<hbm>>
      tpu.wait_indirect_dma semaphore(%arg12 : memref<!tpu.dma_semaphore, #tpu.memory_space<semaphore_mem>>) src(%dma_wait3A_64 : memref<10000x128xf32, #tpu.memory_space<hbm>>) dst(%dma_wait3A_58 : memref<64x128xf32, #tpu.memory_space<vmem>>)
      %dma_wait3A_65 = arith.constant 0 : i32
      %dma_wait3A_66 = arith.constant 64 : i32
      %dma_wait3A_67 = arith.constant 0 : i32
      %dma_wait3A_68 = tpu.memref_slice %arg9[%dma_wait3A_66, %dma_wait3A_67] : memref<128x128xf32, #tpu.memory_space<vmem>> -> memref<64x128xf32, #tpu.memory_space<vmem>>
      %dma_wait3A_69 = arith.constant 64 : i32
      %dma_wait3A_70 = tpu.memref_slice %arg7[%dma_wait3A_65, %dma_wait3A_69] : memref<8x128xi32, #tpu.memory_space<vmem>> -> memref<1x64xi32, #tpu.memory_space<vmem>>
      %dma_wait3A_71 = tpu.memref_squeeze %dma_wait3A_70 : memref<1x64xi32, #tpu.memory_space<vmem>> -> memref<64xi32, #tpu.memory_space<vmem>>
      %dma_wait3A_72 = arith.constant 0 : i32
      %dma_wait3A_73 = arith.constant 0 : i32
      %dma_wait3A_74 = tpu.memref_slice %arg2[%dma_wait3A_72, %dma_wait3A_73] : memref<10000x128xf32, #tpu.memory_space<hbm>> -> memref<10000x128xf32, #tpu.memory_space<hbm>>
      tpu.wait_indirect_dma semaphore(%arg12 : memref<!tpu.dma_semaphore, #tpu.memory_space<semaphore_mem>>) src(%dma_wait3A_74 : memref<10000x128xf32, #tpu.memory_space<hbm>>) dst(%dma_wait3A_68 : memref<64x128xf32, #tpu.memory_space<vmem>>)
      %run_scoped3A = arith.constant 0 : i32
      "tpu.region"() ({
        %run_scoped3A_342 = tpu.sem_alloc : memref<!tpu.dma_semaphore, #tpu.memory_space<semaphore_mem>>
        %dma_start3A_343 = arith.constant 0 : i32
        %dma_start3A_344 = tpu.memref_slice %arg8[%run_scoped3A, %dma_start3A_343] : memref<8x128xi32, #tpu.memory_space<vmem>> -> memref<1x128xi32, #tpu.memory_space<vmem>>
        %dma_start3A_345 = tpu.memref_squeeze %dma_start3A_344 : memref<1x128xi32, #tpu.memory_space<vmem>> -> memref<128xi32, #tpu.memory_space<vmem>>
        %dma_start3A_346 = arith.constant 0 : i32
        %dma_start3A_347 = arith.constant 0 : i32
        %dma_start3A_348 = tpu.memref_slice %arg11[%dma_start3A_346, %dma_start3A_347] : memref<10112x128xf32, #tpu.memory_space<vmem_shared>> -> memref<10112x128xf32, #tpu.memory_space<vmem_shared>>
        tpu.enqueue_indirect_dma source(%arg9 : memref<128x128xf32, #tpu.memory_space<vmem>>) target(%dma_start3A_348 : memref<10112x128xf32, #tpu.memory_space<vmem_shared>>) offsets(%dma_start3A_345 : memref<128xi32, #tpu.memory_space<vmem>>) semaphore(%run_scoped3A_342 : memref<!tpu.dma_semaphore, #tpu.memory_space<semaphore_mem>>) {add = true}
        %dma_wait3A_349 = arith.constant 0 : i32
        %dma_wait3A_350 = tpu.memref_slice %arg8[%run_scoped3A, %dma_wait3A_349] : memref<8x128xi32, #tpu.memory_space<vmem>> -> memref<1x128xi32, #tpu.memory_space<vmem>>
        %dma_wait3A_351 = tpu.memref_squeeze %dma_wait3A_350 : memref<1x128xi32, #tpu.memory_space<vmem>> -> memref<128xi32, #tpu.memory_space<vmem>>
        %dma_wait3A_352 = arith.constant 0 : i32
        %dma_wait3A_353 = arith.constant 0 : i32
        %dma_wait3A_354 = tpu.memref_slice %arg11[%dma_wait3A_352, %dma_wait3A_353] : memref<10112x128xf32, #tpu.memory_space<vmem_shared>> -> memref<10112x128xf32, #tpu.memory_space<vmem_shared>>
        tpu.wait_indirect_dma semaphore(%run_scoped3A_342 : memref<!tpu.dma_semaphore, #tpu.memory_space<semaphore_mem>>) src(%arg9 : memref<128x128xf32, #tpu.memory_space<vmem>>) dst(%dma_wait3A_354 : memref<10112x128xf32, #tpu.memory_space<vmem_shared>>)
        tpu.yield
      }) : () -> ()
      %dma_start3A_75 = arith.constant 2 : i32
      %dma_start3A_76 = arith.constant 0 : i32
      %dma_start3A_77 = arith.constant 0 : i32
      %dma_start3A_78 = tpu.memref_slice %arg9[%dma_start3A_76, %dma_start3A_77] : memref<128x128xf32, #tpu.memory_space<vmem>> -> memref<64x128xf32, #tpu.memory_space<vmem>>
      %dma_start3A_79 = arith.constant 0 : i32
      %dma_start3A_80 = tpu.memref_slice %arg7[%dma_start3A_75, %dma_start3A_79] : memref<8x128xi32, #tpu.memory_space<vmem>> -> memref<1x64xi32, #tpu.memory_space<vmem>>
      %dma_start3A_81 = tpu.memref_squeeze %dma_start3A_80 : memref<1x64xi32, #tpu.memory_space<vmem>> -> memref<64xi32, #tpu.memory_space<vmem>>
      %dma_start3A_82 = arith.constant 0 : i32
      %dma_start3A_83 = arith.constant 0 : i32
      %dma_start3A_84 = tpu.memref_slice %arg2[%dma_start3A_82, %dma_start3A_83] : memref<10000x128xf32, #tpu.memory_space<hbm>> -> memref<10000x128xf32, #tpu.memory_space<hbm>>
      tpu.enqueue_indirect_dma source(%dma_start3A_84 : memref<10000x128xf32, #tpu.memory_space<hbm>>) target(%dma_start3A_78 : memref<64x128xf32, #tpu.memory_space<vmem>>) offsets(%dma_start3A_81 : memref<64xi32, #tpu.memory_space<vmem>>) semaphore(%arg12 : memref<!tpu.dma_semaphore, #tpu.memory_space<semaphore_mem>>)
      %dma_start3A_85 = arith.constant 2 : i32
      %dma_start3A_86 = arith.constant 64 : i32
      %dma_start3A_87 = arith.constant 0 : i32
      %dma_start3A_88 = tpu.memref_slice %arg9[%dma_start3A_86, %dma_start3A_87] : memref<128x128xf32, #tpu.memory_space<vmem>> -> memref<64x128xf32, #tpu.memory_space<vmem>>
      %dma_start3A_89 = arith.constant 64 : i32
      %dma_start3A_90 = tpu.memref_slice %arg7[%dma_start3A_85, %dma_start3A_89] : memref<8x128xi32, #tpu.memory_space<vmem>> -> memref<1x64xi32, #tpu.memory_space<vmem>>
      %dma_start3A_91 = tpu.memref_squeeze %dma_start3A_90 : memref<1x64xi32, #tpu.memory_space<vmem>> -> memref<64xi32, #tpu.memory_space<vmem>>
      %dma_start3A_92 = arith.constant 0 : i32
      %dma_start3A_93 = arith.constant 0 : i32
      %dma_start3A_94 = tpu.memref_slice %arg2[%dma_start3A_92, %dma_start3A_93] : memref<10000x128xf32, #tpu.memory_space<hbm>> -> memref<10000x128xf32, #tpu.memory_space<hbm>>
      tpu.enqueue_indirect_dma source(%dma_start3A_94 : memref<10000x128xf32, #tpu.memory_space<hbm>>) target(%dma_start3A_88 : memref<64x128xf32, #tpu.memory_space<vmem>>) offsets(%dma_start3A_91 : memref<64xi32, #tpu.memory_space<vmem>>) semaphore(%arg12 : memref<!tpu.dma_semaphore, #tpu.memory_space<semaphore_mem>>)
      %dma_wait3A_95 = arith.constant 1 : i32
      %dma_wait3A_96 = arith.constant 0 : i32
      %dma_wait3A_97 = arith.constant 0 : i32
      %dma_wait3A_98 = tpu.memref_slice %arg10[%dma_wait3A_96, %dma_wait3A_97] : memref<128x128xf32, #tpu.memory_space<vmem>> -> memref<64x128xf32, #tpu.memory_space<vmem>>
      %dma_wait3A_99 = arith.constant 0 : i32
      %dma_wait3A_100 = tpu.memref_slice %arg7[%dma_wait3A_95, %dma_wait3A_99] : memref<8x128xi32, #tpu.memory_space<vmem>> -> memref<1x64xi32, #tpu.memory_space<vmem>>
      %dma_wait3A_101 = tpu.memref_squeeze %dma_wait3A_100 : memref<1x64xi32, #tpu.memory_space<vmem>> -> memref<64xi32, #tpu.memory_space<vmem>>
      %dma_wait3A_102 = arith.constant 0 : i32
      %dma_wait3A_103 = arith.constant 0 : i32
      %dma_wait3A_104 = tpu.memref_slice %arg2[%dma_wait3A_102, %dma_wait3A_103] : memref<10000x128xf32, #tpu.memory_space<hbm>> -> memref<10000x128xf32, #tpu.memory_space<hbm>>
      tpu.wait_indirect_dma semaphore(%arg13 : memref<!tpu.dma_semaphore, #tpu.memory_space<semaphore_mem>>) src(%dma_wait3A_104 : memref<10000x128xf32, #tpu.memory_space<hbm>>) dst(%dma_wait3A_98 : memref<64x128xf32, #tpu.memory_space<vmem>>)
      %dma_wait3A_105 = arith.constant 1 : i32
      %dma_wait3A_106 = arith.constant 64 : i32
      %dma_wait3A_107 = arith.constant 0 : i32
      %dma_wait3A_108 = tpu.memref_slice %arg10[%dma_wait3A_106, %dma_wait3A_107] : memref<128x128xf32, #tpu.memory_space<vmem>> -> memref<64x128xf32, #tpu.memory_space<vmem>>
      %dma_wait3A_109 = arith.constant 64 : i32
      %dma_wait3A_110 = tpu.memref_slice %arg7[%dma_wait3A_105, %dma_wait3A_109] : memref<8x128xi32, #tpu.memory_space<vmem>> -> memref<1x64xi32, #tpu.memory_space<vmem>>
      %dma_wait3A_111 = tpu.memref_squeeze %dma_wait3A_110 : memref<1x64xi32, #tpu.memory_space<vmem>> -> memref<64xi32, #tpu.memory_space<vmem>>
      %dma_wait3A_112 = arith.constant 0 : i32
      %dma_wait3A_113 = arith.constant 0 : i32
      %dma_wait3A_114 = tpu.memref_slice %arg2[%dma_wait3A_112, %dma_wait3A_113] : memref<10000x128xf32, #tpu.memory_space<hbm>> -> memref<10000x128xf32, #tpu.memory_space<hbm>>
      tpu.wait_indirect_dma semaphore(%arg13 : memref<!tpu.dma_semaphore, #tpu.memory_space<semaphore_mem>>) src(%dma_wait3A_114 : memref<10000x128xf32, #tpu.memory_space<hbm>>) dst(%dma_wait3A_108 : memref<64x128xf32, #tpu.memory_space<vmem>>)
      %run_scoped3A_115 = arith.constant 1 : i32
      "tpu.region"() ({
        %run_scoped3A_342 = tpu.sem_alloc : memref<!tpu.dma_semaphore, #tpu.memory_space<semaphore_mem>>
        %dma_start3A_343 = arith.constant 0 : i32
        %dma_start3A_344 = tpu.memref_slice %arg8[%run_scoped3A_115, %dma_start3A_343] : memref<8x128xi32, #tpu.memory_space<vmem>> -> memref<1x128xi32, #tpu.memory_space<vmem>>
        %dma_start3A_345 = tpu.memref_squeeze %dma_start3A_344 : memref<1x128xi32, #tpu.memory_space<vmem>> -> memref<128xi32, #tpu.memory_space<vmem>>
        %dma_start3A_346 = arith.constant 0 : i32
        %dma_start3A_347 = arith.constant 0 : i32
        %dma_start3A_348 = tpu.memref_slice %arg11[%dma_start3A_346, %dma_start3A_347] : memref<10112x128xf32, #tpu.memory_space<vmem_shared>> -> memref<10112x128xf32, #tpu.memory_space<vmem_shared>>
        tpu.enqueue_indirect_dma source(%arg10 : memref<128x128xf32, #tpu.memory_space<vmem>>) target(%dma_start3A_348 : memref<10112x128xf32, #tpu.memory_space<vmem_shared>>) offsets(%dma_start3A_345 : memref<128xi32, #tpu.memory_space<vmem>>) semaphore(%run_scoped3A_342 : memref<!tpu.dma_semaphore, #tpu.memory_space<semaphore_mem>>) {add = true}
        %dma_wait3A_349 = arith.constant 0 : i32
        %dma_wait3A_350 = tpu.memref_slice %arg8[%run_scoped3A_115, %dma_wait3A_349] : memref<8x128xi32, #tpu.memory_space<vmem>> -> memref<1x128xi32, #tpu.memory_space<vmem>>
        %dma_wait3A_351 = tpu.memref_squeeze %dma_wait3A_350 : memref<1x128xi32, #tpu.memory_space<vmem>> -> memref<128xi32, #tpu.memory_space<vmem>>
        %dma_wait3A_352 = arith.constant 0 : i32
        %dma_wait3A_353 = arith.constant 0 : i32
        %dma_wait3A_354 = tpu.memref_slice %arg11[%dma_wait3A_352, %dma_wait3A_353] : memref<10112x128xf32, #tpu.memory_space<vmem_shared>> -> memref<10112x128xf32, #tpu.memory_space<vmem_shared>>
        tpu.wait_indirect_dma semaphore(%run_scoped3A_342 : memref<!tpu.dma_semaphore, #tpu.memory_space<semaphore_mem>>) src(%arg10 : memref<128x128xf32, #tpu.memory_space<vmem>>) dst(%dma_wait3A_354 : memref<10112x128xf32, #tpu.memory_space<vmem_shared>>)
        tpu.yield
      }) : () -> ()
      %dma_start3A_116 = arith.constant 3 : i32
      %dma_start3A_117 = arith.constant 0 : i32
      %dma_start3A_118 = arith.constant 0 : i32
      %dma_start3A_119 = tpu.memref_slice %arg10[%dma_start3A_117, %dma_start3A_118] : memref<128x128xf32, #tpu.memory_space<vmem>> -> memref<64x128xf32, #tpu.memory_space<vmem>>
      %dma_start3A_120 = arith.constant 0 : i32
      %dma_start3A_121 = tpu.memref_slice %arg7[%dma_start3A_116, %dma_start3A_120] : memref<8x128xi32, #tpu.memory_space<vmem>> -> memref<1x64xi32, #tpu.memory_space<vmem>>
      %dma_start3A_122 = tpu.memref_squeeze %dma_start3A_121 : memref<1x64xi32, #tpu.memory_space<vmem>> -> memref<64xi32, #tpu.memory_space<vmem>>
      %dma_start3A_123 = arith.constant 0 : i32
      %dma_start3A_124 = arith.constant 0 : i32
      %dma_start3A_125 = tpu.memref_slice %arg2[%dma_start3A_123, %dma_start3A_124] : memref<10000x128xf32, #tpu.memory_space<hbm>> -> memref<10000x128xf32, #tpu.memory_space<hbm>>
      tpu.enqueue_indirect_dma source(%dma_start3A_125 : memref<10000x128xf32, #tpu.memory_space<hbm>>) target(%dma_start3A_119 : memref<64x128xf32, #tpu.memory_space<vmem>>) offsets(%dma_start3A_122 : memref<64xi32, #tpu.memory_space<vmem>>) semaphore(%arg13 : memref<!tpu.dma_semaphore, #tpu.memory_space<semaphore_mem>>)
      %dma_start3A_126 = arith.constant 3 : i32
      %dma_start3A_127 = arith.constant 64 : i32
      %dma_start3A_128 = arith.constant 0 : i32
      %dma_start3A_129 = tpu.memref_slice %arg10[%dma_start3A_127, %dma_start3A_128] : memref<128x128xf32, #tpu.memory_space<vmem>> -> memref<64x128xf32, #tpu.memory_space<vmem>>
      %dma_start3A_130 = arith.constant 64 : i32
      %dma_start3A_131 = tpu.memref_slice %arg7[%dma_start3A_126, %dma_start3A_130] : memref<8x128xi32, #tpu.memory_space<vmem>> -> memref<1x64xi32, #tpu.memory_space<vmem>>
      %dma_start3A_132 = tpu.memref_squeeze %dma_start3A_131 : memref<1x64xi32, #tpu.memory_space<vmem>> -> memref<64xi32, #tpu.memory_space<vmem>>
      %dma_start3A_133 = arith.constant 0 : i32
      %dma_start3A_134 = arith.constant 0 : i32
      %dma_start3A_135 = tpu.memref_slice %arg2[%dma_start3A_133, %dma_start3A_134] : memref<10000x128xf32, #tpu.memory_space<hbm>> -> memref<10000x128xf32, #tpu.memory_space<hbm>>
      tpu.enqueue_indirect_dma source(%dma_start3A_135 : memref<10000x128xf32, #tpu.memory_space<hbm>>) target(%dma_start3A_129 : memref<64x128xf32, #tpu.memory_space<vmem>>) offsets(%dma_start3A_132 : memref<64xi32, #tpu.memory_space<vmem>>) semaphore(%arg13 : memref<!tpu.dma_semaphore, #tpu.memory_space<semaphore_mem>>)
      %dma_wait3A_136 = arith.constant 2 : i32
      %dma_wait3A_137 = arith.constant 0 : i32
      %dma_wait3A_138 = arith.constant 0 : i32
      %dma_wait3A_139 = tpu.memref_slice %arg9[%dma_wait3A_137, %dma_wait3A_138] : memref<128x128xf32, #tpu.memory_space<vmem>> -> memref<64x128xf32, #tpu.memory_space<vmem>>
      %dma_wait3A_140 = arith.constant 0 : i32
      %dma_wait3A_141 = tpu.memref_slice %arg7[%dma_wait3A_136, %dma_wait3A_140] : memref<8x128xi32, #tpu.memory_space<vmem>> -> memref<1x64xi32, #tpu.memory_space<vmem>>
      %dma_wait3A_142 = tpu.memref_squeeze %dma_wait3A_141 : memref<1x64xi32, #tpu.memory_space<vmem>> -> memref<64xi32, #tpu.memory_space<vmem>>
      %dma_wait3A_143 = arith.constant 0 : i32
      %dma_wait3A_144 = arith.constant 0 : i32
      %dma_wait3A_145 = tpu.memref_slice %arg2[%dma_wait3A_143, %dma_wait3A_144] : memref<10000x128xf32, #tpu.memory_space<hbm>> -> memref<10000x128xf32, #tpu.memory_space<hbm>>
      tpu.wait_indirect_dma semaphore(%arg12 : memref<!tpu.dma_semaphore, #tpu.memory_space<semaphore_mem>>) src(%dma_wait3A_145 : memref<10000x128xf32, #tpu.memory_space<hbm>>) dst(%dma_wait3A_139 : memref<64x128xf32, #tpu.memory_space<vmem>>)
      %dma_wait3A_146 = arith.constant 2 : i32
      %dma_wait3A_147 = arith.constant 64 : i32
      %dma_wait3A_148 = arith.constant 0 : i32
      %dma_wait3A_149 = tpu.memref_slice %arg9[%dma_wait3A_147, %dma_wait3A_148] : memref<128x128xf32, #tpu.memory_space<vmem>> -> memref<64x128xf32, #tpu.memory_space<vmem>>
      %dma_wait3A_150 = arith.constant 64 : i32
      %dma_wait3A_151 = tpu.memref_slice %arg7[%dma_wait3A_146, %dma_wait3A_150] : memref<8x128xi32, #tpu.memory_space<vmem>> -> memref<1x64xi32, #tpu.memory_space<vmem>>
      %dma_wait3A_152 = tpu.memref_squeeze %dma_wait3A_151 : memref<1x64xi32, #tpu.memory_space<vmem>> -> memref<64xi32, #tpu.memory_space<vmem>>
      %dma_wait3A_153 = arith.constant 0 : i32
      %dma_wait3A_154 = arith.constant 0 : i32
      %dma_wait3A_155 = tpu.memref_slice %arg2[%dma_wait3A_153, %dma_wait3A_154] : memref<10000x128xf32, #tpu.memory_space<hbm>> -> memref<10000x128xf32, #tpu.memory_space<hbm>>
      tpu.wait_indirect_dma semaphore(%arg12 : memref<!tpu.dma_semaphore, #tpu.memory_space<semaphore_mem>>) src(%dma_wait3A_155 : memref<10000x128xf32, #tpu.memory_space<hbm>>) dst(%dma_wait3A_149 : memref<64x128xf32, #tpu.memory_space<vmem>>)
      %run_scoped3A_156 = arith.constant 2 : i32
      "tpu.region"() ({
        %run_scoped3A_342 = tpu.sem_alloc : memref<!tpu.dma_semaphore, #tpu.memory_space<semaphore_mem>>
        %dma_start3A_343 = arith.constant 0 : i32
        %dma_start3A_344 = tpu.memref_slice %arg8[%run_scoped3A_156, %dma_start3A_343] : memref<8x128xi32, #tpu.memory_space<vmem>> -> memref<1x128xi32, #tpu.memory_space<vmem>>
        %dma_start3A_345 = tpu.memref_squeeze %dma_start3A_344 : memref<1x128xi32, #tpu.memory_space<vmem>> -> memref<128xi32, #tpu.memory_space<vmem>>
        %dma_start3A_346 = arith.constant 0 : i32
        %dma_start3A_347 = arith.constant 0 : i32
        %dma_start3A_348 = tpu.memref_slice %arg11[%dma_start3A_346, %dma_start3A_347] : memref<10112x128xf32, #tpu.memory_space<vmem_shared>> -> memref<10112x128xf32, #tpu.memory_space<vmem_shared>>
        tpu.enqueue_indirect_dma source(%arg9 : memref<128x128xf32, #tpu.memory_space<vmem>>) target(%dma_start3A_348 : memref<10112x128xf32, #tpu.memory_space<vmem_shared>>) offsets(%dma_start3A_345 : memref<128xi32, #tpu.memory_space<vmem>>) semaphore(%run_scoped3A_342 : memref<!tpu.dma_semaphore, #tpu.memory_space<semaphore_mem>>) {add = true}
        %dma_wait3A_349 = arith.constant 0 : i32
        %dma_wait3A_350 = tpu.memref_slice %arg8[%run_scoped3A_156, %dma_wait3A_349] : memref<8x128xi32, #tpu.memory_space<vmem>> -> memref<1x128xi32, #tpu.memory_space<vmem>>
        %dma_wait3A_351 = tpu.memref_squeeze %dma_wait3A_350 : memref<1x128xi32, #tpu.memory_space<vmem>> -> memref<128xi32, #tpu.memory_space<vmem>>
        %dma_wait3A_352 = arith.constant 0 : i32
        %dma_wait3A_353 = arith.constant 0 : i32
        %dma_wait3A_354 = tpu.memref_slice %arg11[%dma_wait3A_352, %dma_wait3A_353] : memref<10112x128xf32, #tpu.memory_space<vmem_shared>> -> memref<10112x128xf32, #tpu.memory_space<vmem_shared>>
        tpu.wait_indirect_dma semaphore(%run_scoped3A_342 : memref<!tpu.dma_semaphore, #tpu.memory_space<semaphore_mem>>) src(%arg9 : memref<128x128xf32, #tpu.memory_space<vmem>>) dst(%dma_wait3A_354 : memref<10112x128xf32, #tpu.memory_space<vmem_shared>>)
        tpu.yield
      }) : () -> ()
      %dma_start3A_157 = arith.constant 4 : i32
      %dma_start3A_158 = arith.constant 0 : i32
      %dma_start3A_159 = arith.constant 0 : i32
      %dma_start3A_160 = tpu.memref_slice %arg9[%dma_start3A_158, %dma_start3A_159] : memref<128x128xf32, #tpu.memory_space<vmem>> -> memref<64x128xf32, #tpu.memory_space<vmem>>
      %dma_start3A_161 = arith.constant 0 : i32
      %dma_start3A_162 = tpu.memref_slice %arg7[%dma_start3A_157, %dma_start3A_161] : memref<8x128xi32, #tpu.memory_space<vmem>> -> memref<1x64xi32, #tpu.memory_space<vmem>>
      %dma_start3A_163 = tpu.memref_squeeze %dma_start3A_162 : memref<1x64xi32, #tpu.memory_space<vmem>> -> memref<64xi32, #tpu.memory_space<vmem>>
      %dma_start3A_164 = arith.constant 0 : i32
      %dma_start3A_165 = arith.constant 0 : i32
      %dma_start3A_166 = tpu.memref_slice %arg2[%dma_start3A_164, %dma_start3A_165] : memref<10000x128xf32, #tpu.memory_space<hbm>> -> memref<10000x128xf32, #tpu.memory_space<hbm>>
      tpu.enqueue_indirect_dma source(%dma_start3A_166 : memref<10000x128xf32, #tpu.memory_space<hbm>>) target(%dma_start3A_160 : memref<64x128xf32, #tpu.memory_space<vmem>>) offsets(%dma_start3A_163 : memref<64xi32, #tpu.memory_space<vmem>>) semaphore(%arg12 : memref<!tpu.dma_semaphore, #tpu.memory_space<semaphore_mem>>)
      %dma_start3A_167 = arith.constant 4 : i32
      %dma_start3A_168 = arith.constant 64 : i32
      %dma_start3A_169 = arith.constant 0 : i32
      %dma_start3A_170 = tpu.memref_slice %arg9[%dma_start3A_168, %dma_start3A_169] : memref<128x128xf32, #tpu.memory_space<vmem>> -> memref<64x128xf32, #tpu.memory_space<vmem>>
      %dma_start3A_171 = arith.constant 64 : i32
      %dma_start3A_172 = tpu.memref_slice %arg7[%dma_start3A_167, %dma_start3A_171] : memref<8x128xi32, #tpu.memory_space<vmem>> -> memref<1x64xi32, #tpu.memory_space<vmem>>
      %dma_start3A_173 = tpu.memref_squeeze %dma_start3A_172 : memref<1x64xi32, #tpu.memory_space<vmem>> -> memref<64xi32, #tpu.memory_space<vmem>>
      %dma_start3A_174 = arith.constant 0 : i32
      %dma_start3A_175 = arith.constant 0 : i32
      %dma_start3A_176 = tpu.memref_slice %arg2[%dma_start3A_174, %dma_start3A_175] : memref<10000x128xf32, #tpu.memory_space<hbm>> -> memref<10000x128xf32, #tpu.memory_space<hbm>>
      tpu.enqueue_indirect_dma source(%dma_start3A_176 : memref<10000x128xf32, #tpu.memory_space<hbm>>) target(%dma_start3A_170 : memref<64x128xf32, #tpu.memory_space<vmem>>) offsets(%dma_start3A_173 : memref<64xi32, #tpu.memory_space<vmem>>) semaphore(%arg12 : memref<!tpu.dma_semaphore, #tpu.memory_space<semaphore_mem>>)
      %dma_wait3A_177 = arith.constant 3 : i32
      %dma_wait3A_178 = arith.constant 0 : i32
      %dma_wait3A_179 = arith.constant 0 : i32
      %dma_wait3A_180 = tpu.memref_slice %arg10[%dma_wait3A_178, %dma_wait3A_179] : memref<128x128xf32, #tpu.memory_space<vmem>> -> memref<64x128xf32, #tpu.memory_space<vmem>>
      %dma_wait3A_181 = arith.constant 0 : i32
      %dma_wait3A_182 = tpu.memref_slice %arg7[%dma_wait3A_177, %dma_wait3A_181] : memref<8x128xi32, #tpu.memory_space<vmem>> -> memref<1x64xi32, #tpu.memory_space<vmem>>
      %dma_wait3A_183 = tpu.memref_squeeze %dma_wait3A_182 : memref<1x64xi32, #tpu.memory_space<vmem>> -> memref<64xi32, #tpu.memory_space<vmem>>
      %dma_wait3A_184 = arith.constant 0 : i32
      %dma_wait3A_185 = arith.constant 0 : i32
      %dma_wait3A_186 = tpu.memref_slice %arg2[%dma_wait3A_184, %dma_wait3A_185] : memref<10000x128xf32, #tpu.memory_space<hbm>> -> memref<10000x128xf32, #tpu.memory_space<hbm>>
      tpu.wait_indirect_dma semaphore(%arg13 : memref<!tpu.dma_semaphore, #tpu.memory_space<semaphore_mem>>) src(%dma_wait3A_186 : memref<10000x128xf32, #tpu.memory_space<hbm>>) dst(%dma_wait3A_180 : memref<64x128xf32, #tpu.memory_space<vmem>>)
      %dma_wait3A_187 = arith.constant 3 : i32
      %dma_wait3A_188 = arith.constant 64 : i32
      %dma_wait3A_189 = arith.constant 0 : i32
      %dma_wait3A_190 = tpu.memref_slice %arg10[%dma_wait3A_188, %dma_wait3A_189] : memref<128x128xf32, #tpu.memory_space<vmem>> -> memref<64x128xf32, #tpu.memory_space<vmem>>
      %dma_wait3A_191 = arith.constant 64 : i32
      %dma_wait3A_192 = tpu.memref_slice %arg7[%dma_wait3A_187, %dma_wait3A_191] : memref<8x128xi32, #tpu.memory_space<vmem>> -> memref<1x64xi32, #tpu.memory_space<vmem>>
      %dma_wait3A_193 = tpu.memref_squeeze %dma_wait3A_192 : memref<1x64xi32, #tpu.memory_space<vmem>> -> memref<64xi32, #tpu.memory_space<vmem>>
      %dma_wait3A_194 = arith.constant 0 : i32
      %dma_wait3A_195 = arith.constant 0 : i32
      %dma_wait3A_196 = tpu.memref_slice %arg2[%dma_wait3A_194, %dma_wait3A_195] : memref<10000x128xf32, #tpu.memory_space<hbm>> -> memref<10000x128xf32, #tpu.memory_space<hbm>>
      tpu.wait_indirect_dma semaphore(%arg13 : memref<!tpu.dma_semaphore, #tpu.memory_space<semaphore_mem>>) src(%dma_wait3A_196 : memref<10000x128xf32, #tpu.memory_space<hbm>>) dst(%dma_wait3A_190 : memref<64x128xf32, #tpu.memory_space<vmem>>)
      %run_scoped3A_197 = arith.constant 3 : i32
      "tpu.region"() ({
        %run_scoped3A_342 = tpu.sem_alloc : memref<!tpu.dma_semaphore, #tpu.memory_space<semaphore_mem>>
        %dma_start3A_343 = arith.constant 0 : i32
        %dma_start3A_344 = tpu.memref_slice %arg8[%run_scoped3A_197, %dma_start3A_343] : memref<8x128xi32, #tpu.memory_space<vmem>> -> memref<1x128xi32, #tpu.memory_space<vmem>>
        %dma_start3A_345 = tpu.memref_squeeze %dma_start3A_344 : memref<1x128xi32, #tpu.memory_space<vmem>> -> memref<128xi32, #tpu.memory_space<vmem>>
        %dma_start3A_346 = arith.constant 0 : i32
        %dma_start3A_347 = arith.constant 0 : i32
        %dma_start3A_348 = tpu.memref_slice %arg11[%dma_start3A_346, %dma_start3A_347] : memref<10112x128xf32, #tpu.memory_space<vmem_shared>> -> memref<10112x128xf32, #tpu.memory_space<vmem_shared>>
        tpu.enqueue_indirect_dma source(%arg10 : memref<128x128xf32, #tpu.memory_space<vmem>>) target(%dma_start3A_348 : memref<10112x128xf32, #tpu.memory_space<vmem_shared>>) offsets(%dma_start3A_345 : memref<128xi32, #tpu.memory_space<vmem>>) semaphore(%run_scoped3A_342 : memref<!tpu.dma_semaphore, #tpu.memory_space<semaphore_mem>>) {add = true}
        %dma_wait3A_349 = arith.constant 0 : i32
        %dma_wait3A_350 = tpu.memref_slice %arg8[%run_scoped3A_197, %dma_wait3A_349] : memref<8x128xi32, #tpu.memory_space<vmem>> -> memref<1x128xi32, #tpu.memory_space<vmem>>
        %dma_wait3A_351 = tpu.memref_squeeze %dma_wait3A_350 : memref<1x128xi32, #tpu.memory_space<vmem>> -> memref<128xi32, #tpu.memory_space<vmem>>
        %dma_wait3A_352 = arith.constant 0 : i32
        %dma_wait3A_353 = arith.constant 0 : i32
        %dma_wait3A_354 = tpu.memref_slice %arg11[%dma_wait3A_352, %dma_wait3A_353] : memref<10112x128xf32, #tpu.memory_space<vmem_shared>> -> memref<10112x128xf32, #tpu.memory_space<vmem_shared>>
        tpu.wait_indirect_dma semaphore(%run_scoped3A_342 : memref<!tpu.dma_semaphore, #tpu.memory_space<semaphore_mem>>) src(%arg10 : memref<128x128xf32, #tpu.memory_space<vmem>>) dst(%dma_wait3A_354 : memref<10112x128xf32, #tpu.memory_space<vmem_shared>>)
        tpu.yield
      }) : () -> ()
      %dma_start3A_198 = arith.constant 5 : i32
      %dma_start3A_199 = arith.constant 0 : i32
      %dma_start3A_200 = arith.constant 0 : i32
      %dma_start3A_201 = tpu.memref_slice %arg10[%dma_start3A_199, %dma_start3A_200] : memref<128x128xf32, #tpu.memory_space<vmem>> -> memref<64x128xf32, #tpu.memory_space<vmem>>
      %dma_start3A_202 = arith.constant 0 : i32
      %dma_start3A_203 = tpu.memref_slice %arg7[%dma_start3A_198, %dma_start3A_202] : memref<8x128xi32, #tpu.memory_space<vmem>> -> memref<1x64xi32, #tpu.memory_space<vmem>>
      %dma_start3A_204 = tpu.memref_squeeze %dma_start3A_203 : memref<1x64xi32, #tpu.memory_space<vmem>> -> memref<64xi32, #tpu.memory_space<vmem>>
      %dma_start3A_205 = arith.constant 0 : i32
      %dma_start3A_206 = arith.constant 0 : i32
      %dma_start3A_207 = tpu.memref_slice %arg2[%dma_start3A_205, %dma_start3A_206] : memref<10000x128xf32, #tpu.memory_space<hbm>> -> memref<10000x128xf32, #tpu.memory_space<hbm>>
      tpu.enqueue_indirect_dma source(%dma_start3A_207 : memref<10000x128xf32, #tpu.memory_space<hbm>>) target(%dma_start3A_201 : memref<64x128xf32, #tpu.memory_space<vmem>>) offsets(%dma_start3A_204 : memref<64xi32, #tpu.memory_space<vmem>>) semaphore(%arg13 : memref<!tpu.dma_semaphore, #tpu.memory_space<semaphore_mem>>)
      %dma_start3A_208 = arith.constant 5 : i32
      %dma_start3A_209 = arith.constant 64 : i32
      %dma_start3A_210 = arith.constant 0 : i32
      %dma_start3A_211 = tpu.memref_slice %arg10[%dma_start3A_209, %dma_start3A_210] : memref<128x128xf32, #tpu.memory_space<vmem>> -> memref<64x128xf32, #tpu.memory_space<vmem>>
      %dma_start3A_212 = arith.constant 64 : i32
      %dma_start3A_213 = tpu.memref_slice %arg7[%dma_start3A_208, %dma_start3A_212] : memref<8x128xi32, #tpu.memory_space<vmem>> -> memref<1x64xi32, #tpu.memory_space<vmem>>
      %dma_start3A_214 = tpu.memref_squeeze %dma_start3A_213 : memref<1x64xi32, #tpu.memory_space<vmem>> -> memref<64xi32, #tpu.memory_space<vmem>>
      %dma_start3A_215 = arith.constant 0 : i32
      %dma_start3A_216 = arith.constant 0 : i32
      %dma_start3A_217 = tpu.memref_slice %arg2[%dma_start3A_215, %dma_start3A_216] : memref<10000x128xf32, #tpu.memory_space<hbm>> -> memref<10000x128xf32, #tpu.memory_space<hbm>>
      tpu.enqueue_indirect_dma source(%dma_start3A_217 : memref<10000x128xf32, #tpu.memory_space<hbm>>) target(%dma_start3A_211 : memref<64x128xf32, #tpu.memory_space<vmem>>) offsets(%dma_start3A_214 : memref<64xi32, #tpu.memory_space<vmem>>) semaphore(%arg13 : memref<!tpu.dma_semaphore, #tpu.memory_space<semaphore_mem>>)
      %dma_wait3A_218 = arith.constant 4 : i32
      %dma_wait3A_219 = arith.constant 0 : i32
      %dma_wait3A_220 = arith.constant 0 : i32
      %dma_wait3A_221 = tpu.memref_slice %arg9[%dma_wait3A_219, %dma_wait3A_220] : memref<128x128xf32, #tpu.memory_space<vmem>> -> memref<64x128xf32, #tpu.memory_space<vmem>>
      %dma_wait3A_222 = arith.constant 0 : i32
      %dma_wait3A_223 = tpu.memref_slice %arg7[%dma_wait3A_218, %dma_wait3A_222] : memref<8x128xi32, #tpu.memory_space<vmem>> -> memref<1x64xi32, #tpu.memory_space<vmem>>
      %dma_wait3A_224 = tpu.memref_squeeze %dma_wait3A_223 : memref<1x64xi32, #tpu.memory_space<vmem>> -> memref<64xi32, #tpu.memory_space<vmem>>
      %dma_wait3A_225 = arith.constant 0 : i32
      %dma_wait3A_226 = arith.constant 0 : i32
      %dma_wait3A_227 = tpu.memref_slice %arg2[%dma_wait3A_225, %dma_wait3A_226] : memref<10000x128xf32, #tpu.memory_space<hbm>> -> memref<10000x128xf32, #tpu.memory_space<hbm>>
      tpu.wait_indirect_dma semaphore(%arg12 : memref<!tpu.dma_semaphore, #tpu.memory_space<semaphore_mem>>) src(%dma_wait3A_227 : memref<10000x128xf32, #tpu.memory_space<hbm>>) dst(%dma_wait3A_221 : memref<64x128xf32, #tpu.memory_space<vmem>>)
      %dma_wait3A_228 = arith.constant 4 : i32
      %dma_wait3A_229 = arith.constant 64 : i32
      %dma_wait3A_230 = arith.constant 0 : i32
      %dma_wait3A_231 = tpu.memref_slice %arg9[%dma_wait3A_229, %dma_wait3A_230] : memref<128x128xf32, #tpu.memory_space<vmem>> -> memref<64x128xf32, #tpu.memory_space<vmem>>
      %dma_wait3A_232 = arith.constant 64 : i32
      %dma_wait3A_233 = tpu.memref_slice %arg7[%dma_wait3A_228, %dma_wait3A_232] : memref<8x128xi32, #tpu.memory_space<vmem>> -> memref<1x64xi32, #tpu.memory_space<vmem>>
      %dma_wait3A_234 = tpu.memref_squeeze %dma_wait3A_233 : memref<1x64xi32, #tpu.memory_space<vmem>> -> memref<64xi32, #tpu.memory_space<vmem>>
      %dma_wait3A_235 = arith.constant 0 : i32
      %dma_wait3A_236 = arith.constant 0 : i32
      %dma_wait3A_237 = tpu.memref_slice %arg2[%dma_wait3A_235, %dma_wait3A_236] : memref<10000x128xf32, #tpu.memory_space<hbm>> -> memref<10000x128xf32, #tpu.memory_space<hbm>>
      tpu.wait_indirect_dma semaphore(%arg12 : memref<!tpu.dma_semaphore, #tpu.memory_space<semaphore_mem>>) src(%dma_wait3A_237 : memref<10000x128xf32, #tpu.memory_space<hbm>>) dst(%dma_wait3A_231 : memref<64x128xf32, #tpu.memory_space<vmem>>)
      %run_scoped3A_238 = arith.constant 4 : i32
      "tpu.region"() ({
        %run_scoped3A_342 = tpu.sem_alloc : memref<!tpu.dma_semaphore, #tpu.memory_space<semaphore_mem>>
        %dma_start3A_343 = arith.constant 0 : i32
        %dma_start3A_344 = tpu.memref_slice %arg8[%run_scoped3A_238, %dma_start3A_343] : memref<8x128xi32, #tpu.memory_space<vmem>> -> memref<1x128xi32, #tpu.memory_space<vmem>>
        %dma_start3A_345 = tpu.memref_squeeze %dma_start3A_344 : memref<1x128xi32, #tpu.memory_space<vmem>> -> memref<128xi32, #tpu.memory_space<vmem>>
        %dma_start3A_346 = arith.constant 0 : i32
        %dma_start3A_347 = arith.constant 0 : i32
        %dma_start3A_348 = tpu.memref_slice %arg11[%dma_start3A_346, %dma_start3A_347] : memref<10112x128xf32, #tpu.memory_space<vmem_shared>> -> memref<10112x128xf32, #tpu.memory_space<vmem_shared>>
        tpu.enqueue_indirect_dma source(%arg9 : memref<128x128xf32, #tpu.memory_space<vmem>>) target(%dma_start3A_348 : memref<10112x128xf32, #tpu.memory_space<vmem_shared>>) offsets(%dma_start3A_345 : memref<128xi32, #tpu.memory_space<vmem>>) semaphore(%run_scoped3A_342 : memref<!tpu.dma_semaphore, #tpu.memory_space<semaphore_mem>>) {add = true}
        %dma_wait3A_349 = arith.constant 0 : i32
        %dma_wait3A_350 = tpu.memref_slice %arg8[%run_scoped3A_238, %dma_wait3A_349] : memref<8x128xi32, #tpu.memory_space<vmem>> -> memref<1x128xi32, #tpu.memory_space<vmem>>
        %dma_wait3A_351 = tpu.memref_squeeze %dma_wait3A_350 : memref<1x128xi32, #tpu.memory_space<vmem>> -> memref<128xi32, #tpu.memory_space<vmem>>
        %dma_wait3A_352 = arith.constant 0 : i32
        %dma_wait3A_353 = arith.constant 0 : i32
        %dma_wait3A_354 = tpu.memref_slice %arg11[%dma_wait3A_352, %dma_wait3A_353] : memref<10112x128xf32, #tpu.memory_space<vmem_shared>> -> memref<10112x128xf32, #tpu.memory_space<vmem_shared>>
        tpu.wait_indirect_dma semaphore(%run_scoped3A_342 : memref<!tpu.dma_semaphore, #tpu.memory_space<semaphore_mem>>) src(%arg9 : memref<128x128xf32, #tpu.memory_space<vmem>>) dst(%dma_wait3A_354 : memref<10112x128xf32, #tpu.memory_space<vmem_shared>>)
        tpu.yield
      }) : () -> ()
      %dma_start3A_239 = arith.constant 6 : i32
      %dma_start3A_240 = arith.constant 0 : i32
      %dma_start3A_241 = arith.constant 0 : i32
      %dma_start3A_242 = tpu.memref_slice %arg9[%dma_start3A_240, %dma_start3A_241] : memref<128x128xf32, #tpu.memory_space<vmem>> -> memref<64x128xf32, #tpu.memory_space<vmem>>
      %dma_start3A_243 = arith.constant 0 : i32
      %dma_start3A_244 = tpu.memref_slice %arg7[%dma_start3A_239, %dma_start3A_243] : memref<8x128xi32, #tpu.memory_space<vmem>> -> memref<1x64xi32, #tpu.memory_space<vmem>>
      %dma_start3A_245 = tpu.memref_squeeze %dma_start3A_244 : memref<1x64xi32, #tpu.memory_space<vmem>> -> memref<64xi32, #tpu.memory_space<vmem>>
      %dma_start3A_246 = arith.constant 0 : i32
      %dma_start3A_247 = arith.constant 0 : i32
      %dma_start3A_248 = tpu.memref_slice %arg2[%dma_start3A_246, %dma_start3A_247] : memref<10000x128xf32, #tpu.memory_space<hbm>> -> memref<10000x128xf32, #tpu.memory_space<hbm>>
      tpu.enqueue_indirect_dma source(%dma_start3A_248 : memref<10000x128xf32, #tpu.memory_space<hbm>>) target(%dma_start3A_242 : memref<64x128xf32, #tpu.memory_space<vmem>>) offsets(%dma_start3A_245 : memref<64xi32, #tpu.memory_space<vmem>>) semaphore(%arg12 : memref<!tpu.dma_semaphore, #tpu.memory_space<semaphore_mem>>)
      %dma_start3A_249 = arith.constant 6 : i32
      %dma_start3A_250 = arith.constant 64 : i32
      %dma_start3A_251 = arith.constant 0 : i32
      %dma_start3A_252 = tpu.memref_slice %arg9[%dma_start3A_250, %dma_start3A_251] : memref<128x128xf32, #tpu.memory_space<vmem>> -> memref<64x128xf32, #tpu.memory_space<vmem>>
      %dma_start3A_253 = arith.constant 64 : i32
      %dma_start3A_254 = tpu.memref_slice %arg7[%dma_start3A_249, %dma_start3A_253] : memref<8x128xi32, #tpu.memory_space<vmem>> -> memref<1x64xi32, #tpu.memory_space<vmem>>
      %dma_start3A_255 = tpu.memref_squeeze %dma_start3A_254 : memref<1x64xi32, #tpu.memory_space<vmem>> -> memref<64xi32, #tpu.memory_space<vmem>>
      %dma_start3A_256 = arith.constant 0 : i32
      %dma_start3A_257 = arith.constant 0 : i32
      %dma_start3A_258 = tpu.memref_slice %arg2[%dma_start3A_256, %dma_start3A_257] : memref<10000x128xf32, #tpu.memory_space<hbm>> -> memref<10000x128xf32, #tpu.memory_space<hbm>>
      tpu.enqueue_indirect_dma source(%dma_start3A_258 : memref<10000x128xf32, #tpu.memory_space<hbm>>) target(%dma_start3A_252 : memref<64x128xf32, #tpu.memory_space<vmem>>) offsets(%dma_start3A_255 : memref<64xi32, #tpu.memory_space<vmem>>) semaphore(%arg12 : memref<!tpu.dma_semaphore, #tpu.memory_space<semaphore_mem>>)
      %dma_wait3A_259 = arith.constant 5 : i32
      %dma_wait3A_260 = arith.constant 0 : i32
      %dma_wait3A_261 = arith.constant 0 : i32
      %dma_wait3A_262 = tpu.memref_slice %arg10[%dma_wait3A_260, %dma_wait3A_261] : memref<128x128xf32, #tpu.memory_space<vmem>> -> memref<64x128xf32, #tpu.memory_space<vmem>>
      %dma_wait3A_263 = arith.constant 0 : i32
      %dma_wait3A_264 = tpu.memref_slice %arg7[%dma_wait3A_259, %dma_wait3A_263] : memref<8x128xi32, #tpu.memory_space<vmem>> -> memref<1x64xi32, #tpu.memory_space<vmem>>
      %dma_wait3A_265 = tpu.memref_squeeze %dma_wait3A_264 : memref<1x64xi32, #tpu.memory_space<vmem>> -> memref<64xi32, #tpu.memory_space<vmem>>
      %dma_wait3A_266 = arith.constant 0 : i32
      %dma_wait3A_267 = arith.constant 0 : i32
      %dma_wait3A_268 = tpu.memref_slice %arg2[%dma_wait3A_266, %dma_wait3A_267] : memref<10000x128xf32, #tpu.memory_space<hbm>> -> memref<10000x128xf32, #tpu.memory_space<hbm>>
      tpu.wait_indirect_dma semaphore(%arg13 : memref<!tpu.dma_semaphore, #tpu.memory_space<semaphore_mem>>) src(%dma_wait3A_268 : memref<10000x128xf32, #tpu.memory_space<hbm>>) dst(%dma_wait3A_262 : memref<64x128xf32, #tpu.memory_space<vmem>>)
      %dma_wait3A_269 = arith.constant 5 : i32
      %dma_wait3A_270 = arith.constant 64 : i32
      %dma_wait3A_271 = arith.constant 0 : i32
      %dma_wait3A_272 = tpu.memref_slice %arg10[%dma_wait3A_270, %dma_wait3A_271] : memref<128x128xf32, #tpu.memory_space<vmem>> -> memref<64x128xf32, #tpu.memory_space<vmem>>
      %dma_wait3A_273 = arith.constant 64 : i32
      %dma_wait3A_274 = tpu.memref_slice %arg7[%dma_wait3A_269, %dma_wait3A_273] : memref<8x128xi32, #tpu.memory_space<vmem>> -> memref<1x64xi32, #tpu.memory_space<vmem>>
      %dma_wait3A_275 = tpu.memref_squeeze %dma_wait3A_274 : memref<1x64xi32, #tpu.memory_space<vmem>> -> memref<64xi32, #tpu.memory_space<vmem>>
      %dma_wait3A_276 = arith.constant 0 : i32
      %dma_wait3A_277 = arith.constant 0 : i32
      %dma_wait3A_278 = tpu.memref_slice %arg2[%dma_wait3A_276, %dma_wait3A_277] : memref<10000x128xf32, #tpu.memory_space<hbm>> -> memref<10000x128xf32, #tpu.memory_space<hbm>>
      tpu.wait_indirect_dma semaphore(%arg13 : memref<!tpu.dma_semaphore, #tpu.memory_space<semaphore_mem>>) src(%dma_wait3A_278 : memref<10000x128xf32, #tpu.memory_space<hbm>>) dst(%dma_wait3A_272 : memref<64x128xf32, #tpu.memory_space<vmem>>)
      %run_scoped3A_279 = arith.constant 5 : i32
      "tpu.region"() ({
        %run_scoped3A_342 = tpu.sem_alloc : memref<!tpu.dma_semaphore, #tpu.memory_space<semaphore_mem>>
        %dma_start3A_343 = arith.constant 0 : i32
        %dma_start3A_344 = tpu.memref_slice %arg8[%run_scoped3A_279, %dma_start3A_343] : memref<8x128xi32, #tpu.memory_space<vmem>> -> memref<1x128xi32, #tpu.memory_space<vmem>>
        %dma_start3A_345 = tpu.memref_squeeze %dma_start3A_344 : memref<1x128xi32, #tpu.memory_space<vmem>> -> memref<128xi32, #tpu.memory_space<vmem>>
        %dma_start3A_346 = arith.constant 0 : i32
        %dma_start3A_347 = arith.constant 0 : i32
        %dma_start3A_348 = tpu.memref_slice %arg11[%dma_start3A_346, %dma_start3A_347] : memref<10112x128xf32, #tpu.memory_space<vmem_shared>> -> memref<10112x128xf32, #tpu.memory_space<vmem_shared>>
        tpu.enqueue_indirect_dma source(%arg10 : memref<128x128xf32, #tpu.memory_space<vmem>>) target(%dma_start3A_348 : memref<10112x128xf32, #tpu.memory_space<vmem_shared>>) offsets(%dma_start3A_345 : memref<128xi32, #tpu.memory_space<vmem>>) semaphore(%run_scoped3A_342 : memref<!tpu.dma_semaphore, #tpu.memory_space<semaphore_mem>>) {add = true}
        %dma_wait3A_349 = arith.constant 0 : i32
        %dma_wait3A_350 = tpu.memref_slice %arg8[%run_scoped3A_279, %dma_wait3A_349] : memref<8x128xi32, #tpu.memory_space<vmem>> -> memref<1x128xi32, #tpu.memory_space<vmem>>
        %dma_wait3A_351 = tpu.memref_squeeze %dma_wait3A_350 : memref<1x128xi32, #tpu.memory_space<vmem>> -> memref<128xi32, #tpu.memory_space<vmem>>
        %dma_wait3A_352 = arith.constant 0 : i32
        %dma_wait3A_353 = arith.constant 0 : i32
        %dma_wait3A_354 = tpu.memref_slice %arg11[%dma_wait3A_352, %dma_wait3A_353] : memref<10112x128xf32, #tpu.memory_space<vmem_shared>> -> memref<10112x128xf32, #tpu.memory_space<vmem_shared>>
        tpu.wait_indirect_dma semaphore(%run_scoped3A_342 : memref<!tpu.dma_semaphore, #tpu.memory_space<semaphore_mem>>) src(%arg10 : memref<128x128xf32, #tpu.memory_space<vmem>>) dst(%dma_wait3A_354 : memref<10112x128xf32, #tpu.memory_space<vmem_shared>>)
        tpu.yield
      }) : () -> ()
      %dma_start3A_280 = arith.constant 7 : i32
      %dma_start3A_281 = arith.constant 0 : i32
      %dma_start3A_282 = arith.constant 0 : i32
      %dma_start3A_283 = tpu.memref_slice %arg10[%dma_start3A_281, %dma_start3A_282] : memref<128x128xf32, #tpu.memory_space<vmem>> -> memref<64x128xf32, #tpu.memory_space<vmem>>
      %dma_start3A_284 = arith.constant 0 : i32
      %dma_start3A_285 = tpu.memref_slice %arg7[%dma_start3A_280, %dma_start3A_284] : memref<8x128xi32, #tpu.memory_space<vmem>> -> memref<1x64xi32, #tpu.memory_space<vmem>>
      %dma_start3A_286 = tpu.memref_squeeze %dma_start3A_285 : memref<1x64xi32, #tpu.memory_space<vmem>> -> memref<64xi32, #tpu.memory_space<vmem>>
      %dma_start3A_287 = arith.constant 0 : i32
      %dma_start3A_288 = arith.constant 0 : i32
      %dma_start3A_289 = tpu.memref_slice %arg2[%dma_start3A_287, %dma_start3A_288] : memref<10000x128xf32, #tpu.memory_space<hbm>> -> memref<10000x128xf32, #tpu.memory_space<hbm>>
      tpu.enqueue_indirect_dma source(%dma_start3A_289 : memref<10000x128xf32, #tpu.memory_space<hbm>>) target(%dma_start3A_283 : memref<64x128xf32, #tpu.memory_space<vmem>>) offsets(%dma_start3A_286 : memref<64xi32, #tpu.memory_space<vmem>>) semaphore(%arg13 : memref<!tpu.dma_semaphore, #tpu.memory_space<semaphore_mem>>)
      %dma_start3A_290 = arith.constant 7 : i32
      %dma_start3A_291 = arith.constant 64 : i32
      %dma_start3A_292 = arith.constant 0 : i32
      %dma_start3A_293 = tpu.memref_slice %arg10[%dma_start3A_291, %dma_start3A_292] : memref<128x128xf32, #tpu.memory_space<vmem>> -> memref<64x128xf32, #tpu.memory_space<vmem>>
      %dma_start3A_294 = arith.constant 64 : i32
      %dma_start3A_295 = tpu.memref_slice %arg7[%dma_start3A_290, %dma_start3A_294] : memref<8x128xi32, #tpu.memory_space<vmem>> -> memref<1x64xi32, #tpu.memory_space<vmem>>
      %dma_start3A_296 = tpu.memref_squeeze %dma_start3A_295 : memref<1x64xi32, #tpu.memory_space<vmem>> -> memref<64xi32, #tpu.memory_space<vmem>>
      %dma_start3A_297 = arith.constant 0 : i32
      %dma_start3A_298 = arith.constant 0 : i32
      %dma_start3A_299 = tpu.memref_slice %arg2[%dma_start3A_297, %dma_start3A_298] : memref<10000x128xf32, #tpu.memory_space<hbm>> -> memref<10000x128xf32, #tpu.memory_space<hbm>>
      tpu.enqueue_indirect_dma source(%dma_start3A_299 : memref<10000x128xf32, #tpu.memory_space<hbm>>) target(%dma_start3A_293 : memref<64x128xf32, #tpu.memory_space<vmem>>) offsets(%dma_start3A_296 : memref<64xi32, #tpu.memory_space<vmem>>) semaphore(%arg13 : memref<!tpu.dma_semaphore, #tpu.memory_space<semaphore_mem>>)
      %dma_wait3A_300 = arith.constant 6 : i32
      %dma_wait3A_301 = arith.constant 0 : i32
      %dma_wait3A_302 = arith.constant 0 : i32
      %dma_wait3A_303 = tpu.memref_slice %arg9[%dma_wait3A_301, %dma_wait3A_302] : memref<128x128xf32, #tpu.memory_space<vmem>> -> memref<64x128xf32, #tpu.memory_space<vmem>>
      %dma_wait3A_304 = arith.constant 0 : i32
      %dma_wait3A_305 = tpu.memref_slice %arg7[%dma_wait3A_300, %dma_wait3A_304] : memref<8x128xi32, #tpu.memory_space<vmem>> -> memref<1x64xi32, #tpu.memory_space<vmem>>
      %dma_wait3A_306 = tpu.memref_squeeze %dma_wait3A_305 : memref<1x64xi32, #tpu.memory_space<vmem>> -> memref<64xi32, #tpu.memory_space<vmem>>
      %dma_wait3A_307 = arith.constant 0 : i32
      %dma_wait3A_308 = arith.constant 0 : i32
      %dma_wait3A_309 = tpu.memref_slice %arg2[%dma_wait3A_307, %dma_wait3A_308] : memref<10000x128xf32, #tpu.memory_space<hbm>> -> memref<10000x128xf32, #tpu.memory_space<hbm>>
      tpu.wait_indirect_dma semaphore(%arg12 : memref<!tpu.dma_semaphore, #tpu.memory_space<semaphore_mem>>) src(%dma_wait3A_309 : memref<10000x128xf32, #tpu.memory_space<hbm>>) dst(%dma_wait3A_303 : memref<64x128xf32, #tpu.memory_space<vmem>>)
      %dma_wait3A_310 = arith.constant 6 : i32
      %dma_wait3A_311 = arith.constant 64 : i32
      %dma_wait3A_312 = arith.constant 0 : i32
      %dma_wait3A_313 = tpu.memref_slice %arg9[%dma_wait3A_311, %dma_wait3A_312] : memref<128x128xf32, #tpu.memory_space<vmem>> -> memref<64x128xf32, #tpu.memory_space<vmem>>
      %dma_wait3A_314 = arith.constant 64 : i32
      %dma_wait3A_315 = tpu.memref_slice %arg7[%dma_wait3A_310, %dma_wait3A_314] : memref<8x128xi32, #tpu.memory_space<vmem>> -> memref<1x64xi32, #tpu.memory_space<vmem>>
      %dma_wait3A_316 = tpu.memref_squeeze %dma_wait3A_315 : memref<1x64xi32, #tpu.memory_space<vmem>> -> memref<64xi32, #tpu.memory_space<vmem>>
      %dma_wait3A_317 = arith.constant 0 : i32
      %dma_wait3A_318 = arith.constant 0 : i32
      %dma_wait3A_319 = tpu.memref_slice %arg2[%dma_wait3A_317, %dma_wait3A_318] : memref<10000x128xf32, #tpu.memory_space<hbm>> -> memref<10000x128xf32, #tpu.memory_space<hbm>>
      tpu.wait_indirect_dma semaphore(%arg12 : memref<!tpu.dma_semaphore, #tpu.memory_space<semaphore_mem>>) src(%dma_wait3A_319 : memref<10000x128xf32, #tpu.memory_space<hbm>>) dst(%dma_wait3A_313 : memref<64x128xf32, #tpu.memory_space<vmem>>)
      %run_scoped3A_320 = arith.constant 6 : i32
      "tpu.region"() ({
        %run_scoped3A_342 = tpu.sem_alloc : memref<!tpu.dma_semaphore, #tpu.memory_space<semaphore_mem>>
        %dma_start3A_343 = arith.constant 0 : i32
        %dma_start3A_344 = tpu.memref_slice %arg8[%run_scoped3A_320, %dma_start3A_343] : memref<8x128xi32, #tpu.memory_space<vmem>> -> memref<1x128xi32, #tpu.memory_space<vmem>>
        %dma_start3A_345 = tpu.memref_squeeze %dma_start3A_344 : memref<1x128xi32, #tpu.memory_space<vmem>> -> memref<128xi32, #tpu.memory_space<vmem>>
        %dma_start3A_346 = arith.constant 0 : i32
        %dma_start3A_347 = arith.constant 0 : i32
        %dma_start3A_348 = tpu.memref_slice %arg11[%dma_start3A_346, %dma_start3A_347] : memref<10112x128xf32, #tpu.memory_space<vmem_shared>> -> memref<10112x128xf32, #tpu.memory_space<vmem_shared>>
        tpu.enqueue_indirect_dma source(%arg9 : memref<128x128xf32, #tpu.memory_space<vmem>>) target(%dma_start3A_348 : memref<10112x128xf32, #tpu.memory_space<vmem_shared>>) offsets(%dma_start3A_345 : memref<128xi32, #tpu.memory_space<vmem>>) semaphore(%run_scoped3A_342 : memref<!tpu.dma_semaphore, #tpu.memory_space<semaphore_mem>>) {add = true}
        %dma_wait3A_349 = arith.constant 0 : i32
        %dma_wait3A_350 = tpu.memref_slice %arg8[%run_scoped3A_320, %dma_wait3A_349] : memref<8x128xi32, #tpu.memory_space<vmem>> -> memref<1x128xi32, #tpu.memory_space<vmem>>
        %dma_wait3A_351 = tpu.memref_squeeze %dma_wait3A_350 : memref<1x128xi32, #tpu.memory_space<vmem>> -> memref<128xi32, #tpu.memory_space<vmem>>
        %dma_wait3A_352 = arith.constant 0 : i32
        %dma_wait3A_353 = arith.constant 0 : i32
        %dma_wait3A_354 = tpu.memref_slice %arg11[%dma_wait3A_352, %dma_wait3A_353] : memref<10112x128xf32, #tpu.memory_space<vmem_shared>> -> memref<10112x128xf32, #tpu.memory_space<vmem_shared>>
        tpu.wait_indirect_dma semaphore(%run_scoped3A_342 : memref<!tpu.dma_semaphore, #tpu.memory_space<semaphore_mem>>) src(%arg9 : memref<128x128xf32, #tpu.memory_space<vmem>>) dst(%dma_wait3A_354 : memref<10112x128xf32, #tpu.memory_space<vmem_shared>>)
        tpu.yield
      }) : () -> ()
      %dma_wait3A_321 = arith.constant 7 : i32
      %dma_wait3A_322 = arith.constant 0 : i32
      %dma_wait3A_323 = arith.constant 0 : i32
      %dma_wait3A_324 = tpu.memref_slice %arg10[%dma_wait3A_322, %dma_wait3A_323] : memref<128x128xf32, #tpu.memory_space<vmem>> -> memref<64x128xf32, #tpu.memory_space<vmem>>
      %dma_wait3A_325 = arith.constant 0 : i32
      %dma_wait3A_326 = tpu.memref_slice %arg7[%dma_wait3A_321, %dma_wait3A_325] : memref<8x128xi32, #tpu.memory_space<vmem>> -> memref<1x64xi32, #tpu.memory_space<vmem>>
      %dma_wait3A_327 = tpu.memref_squeeze %dma_wait3A_326 : memref<1x64xi32, #tpu.memory_space<vmem>> -> memref<64xi32, #tpu.memory_space<vmem>>
      %dma_wait3A_328 = arith.constant 0 : i32
      %dma_wait3A_329 = arith.constant 0 : i32
      %dma_wait3A_330 = tpu.memref_slice %arg2[%dma_wait3A_328, %dma_wait3A_329] : memref<10000x128xf32, #tpu.memory_space<hbm>> -> memref<10000x128xf32, #tpu.memory_space<hbm>>
      tpu.wait_indirect_dma semaphore(%arg13 : memref<!tpu.dma_semaphore, #tpu.memory_space<semaphore_mem>>) src(%dma_wait3A_330 : memref<10000x128xf32, #tpu.memory_space<hbm>>) dst(%dma_wait3A_324 : memref<64x128xf32, #tpu.memory_space<vmem>>)
      %dma_wait3A_331 = arith.constant 7 : i32
      %dma_wait3A_332 = arith.constant 64 : i32
      %dma_wait3A_333 = arith.constant 0 : i32
      %dma_wait3A_334 = tpu.memref_slice %arg10[%dma_wait3A_332, %dma_wait3A_333] : memref<128x128xf32, #tpu.memory_space<vmem>> -> memref<64x128xf32, #tpu.memory_space<vmem>>
      %dma_wait3A_335 = arith.constant 64 : i32
      %dma_wait3A_336 = tpu.memref_slice %arg7[%dma_wait3A_331, %dma_wait3A_335] : memref<8x128xi32, #tpu.memory_space<vmem>> -> memref<1x64xi32, #tpu.memory_space<vmem>>
      %dma_wait3A_337 = tpu.memref_squeeze %dma_wait3A_336 : memref<1x64xi32, #tpu.memory_space<vmem>> -> memref<64xi32, #tpu.memory_space<vmem>>
      %dma_wait3A_338 = arith.constant 0 : i32
      %dma_wait3A_339 = arith.constant 0 : i32
      %dma_wait3A_340 = tpu.memref_slice %arg2[%dma_wait3A_338, %dma_wait3A_339] : memref<10000x128xf32, #tpu.memory_space<hbm>> -> memref<10000x128xf32, #tpu.memory_space<hbm>>
      tpu.wait_indirect_dma semaphore(%arg13 : memref<!tpu.dma_semaphore, #tpu.memory_space<semaphore_mem>>) src(%dma_wait3A_340 : memref<10000x128xf32, #tpu.memory_space<hbm>>) dst(%dma_wait3A_334 : memref<64x128xf32, #tpu.memory_space<vmem>>)
      %run_scoped3A_341 = arith.constant 7 : i32
      "tpu.region"() ({
        %run_scoped3A_342 = tpu.sem_alloc : memref<!tpu.dma_semaphore, #tpu.memory_space<semaphore_mem>>
        %dma_start3A_343 = arith.constant 0 : i32
        %dma_start3A_344 = tpu.memref_slice %arg8[%run_scoped3A_341, %dma_start3A_343] : memref<8x128xi32, #tpu.memory_space<vmem>> -> memref<1x128xi32, #tpu.memory_space<vmem>>
        %dma_start3A_345 = tpu.memref_squeeze %dma_start3A_344 : memref<1x128xi32, #tpu.memory_space<vmem>> -> memref<128xi32, #tpu.memory_space<vmem>>
        %dma_start3A_346 = arith.constant 0 : i32
        %dma_start3A_347 = arith.constant 0 : i32
        %dma_start3A_348 = tpu.memref_slice %arg11[%dma_start3A_346, %dma_start3A_347] : memref<10112x128xf32, #tpu.memory_space<vmem_shared>> -> memref<10112x128xf32, #tpu.memory_space<vmem_shared>>
        tpu.enqueue_indirect_dma source(%arg10 : memref<128x128xf32, #tpu.memory_space<vmem>>) target(%dma_start3A_348 : memref<10112x128xf32, #tpu.memory_space<vmem_shared>>) offsets(%dma_start3A_345 : memref<128xi32, #tpu.memory_space<vmem>>) semaphore(%run_scoped3A_342 : memref<!tpu.dma_semaphore, #tpu.memory_space<semaphore_mem>>) {add = true}
        %dma_wait3A_349 = arith.constant 0 : i32
        %dma_wait3A_350 = tpu.memref_slice %arg8[%run_scoped3A_341, %dma_wait3A_349] : memref<8x128xi32, #tpu.memory_space<vmem>> -> memref<1x128xi32, #tpu.memory_space<vmem>>
        %dma_wait3A_351 = tpu.memref_squeeze %dma_wait3A_350 : memref<1x128xi32, #tpu.memory_space<vmem>> -> memref<128xi32, #tpu.memory_space<vmem>>
        %dma_wait3A_352 = arith.constant 0 : i32
        %dma_wait3A_353 = arith.constant 0 : i32
        %dma_wait3A_354 = tpu.memref_slice %arg11[%dma_wait3A_352, %dma_wait3A_353] : memref<10112x128xf32, #tpu.memory_space<vmem_shared>> -> memref<10112x128xf32, #tpu.memory_space<vmem_shared>>
        tpu.wait_indirect_dma semaphore(%run_scoped3A_342 : memref<!tpu.dma_semaphore, #tpu.memory_space<semaphore_mem>>) src(%arg10 : memref<128x128xf32, #tpu.memory_space<vmem>>) dst(%dma_wait3A_354 : memref<10112x128xf32, #tpu.memory_space<vmem_shared>>)
        tpu.yield
      }) : () -> ()
    }
    %scan3A_7 = arith.constant 10 : i32
    %barrier3A_8 = arith.constant 0 : index
    tpu.barrier barrier_id(%barrier3A_8)
    %mul3A_9 = arith.constant 10112 : i32
    %mul3A_10 = arith.muli %arg0, %mul3A_9 : i32
    %add3A_11 = arith.addi %mul3A_10, %mul3A_2 : i32
    "tpu.region"() ({
      %run_scoped3A = tpu.sem_alloc : memref<!tpu.dma_semaphore, #tpu.memory_space<semaphore_mem>>
      %dma_start3A = arith.constant 0 : i32
      %dma_start3A_12 = tpu.memref_slice %arg6[%add3A_11, %dma_start3A] : memref<20224x128xf32, #tpu.memory_space<hbm>> -> memref<632x128xf32, #tpu.memory_space<hbm>>
      %dma_start3A_13 = arith.constant 0 : i32
      %dma_start3A_14 = tpu.memref_slice %arg11[%mul3A_2, %dma_start3A_13] : memref<10112x128xf32, #tpu.memory_space<vmem_shared>> -> memref<632x128xf32, #tpu.memory_space<vmem_shared>>
      tpu.enqueue_dma source(%dma_start3A_14 : memref<632x128xf32, #tpu.memory_space<vmem_shared>>) target(%dma_start3A_12 : memref<632x128xf32, #tpu.memory_space<hbm>>) target_semaphore(%run_scoped3A : memref<!tpu.dma_semaphore, #tpu.memory_space<semaphore_mem>>)
      %dma_wait3A = arith.constant 0 : i32
      %dma_wait3A_15 = tpu.memref_slice %arg6[%add3A_11, %dma_wait3A] : memref<20224x128xf32, #tpu.memory_space<hbm>> -> memref<632x128xf32, #tpu.memory_space<hbm>>
      %dma_wait3A_16 = arith.constant 0 : i32
      %dma_wait3A_17 = tpu.memref_slice %arg11[%mul3A_2, %dma_wait3A_16] : memref<10112x128xf32, #tpu.memory_space<vmem_shared>> -> memref<632x128xf32, #tpu.memory_space<vmem_shared>>
      tpu.wait_dma2 semaphore(%run_scoped3A : memref<!tpu.dma_semaphore, #tpu.memory_space<semaphore_mem>>) src(%dma_wait3A_17 : memref<632x128xf32, #tpu.memory_space<vmem_shared>>) dst(%dma_wait3A_15 : memref<632x128xf32, #tpu.memory_space<hbm>>)
      tpu.yield
    }) : () -> ()
    return
  }
}

#map = affine_map<(d0, d1) -> (0, 0, 0)>
#map1 = affine_map<(d0, d1) -> (0, 0)>
module attributes {stable_mosaic.version = 14 : i64} {
  func.func @_sc_deg_body(%arg0: i32, %arg1: i32, %arg2: memref<32x80x128xi32, #tpu.memory_space<hbm>>, %arg3: memref<10112x128xf32, #tpu.memory_space<hbm>>, %arg4: memref<128x128xf32, #tpu.memory_space<hbm>>, %arg5: memref<20224x128xf32, #tpu.memory_space<hbm>>, %arg6: memref<8x128xi32, #tpu.memory_space<vmem>>, %arg7: memref<128x128xf32, #tpu.memory_space<vmem>>, %arg8: memref<10112x128xf32, #tpu.memory_space<vmem_shared>>) attributes {dimension_semantics = [#tpu.dimension_semantics<core_parallel>, #tpu.dimension_semantics<subcore_parallel>], iteration_bounds = array<i64: 2, 16>, scalar_prefetch = 0 : i64, scratch_operands = 3 : i64, tpu.core_type = #tpu.core_type<sc_vector_subcore>, window_params = [{transform_indices = #map}, {transform_indices = #map1}, {transform_indices = #map1}, {transform_indices = #map1}]} {
    %mul3A = arith.constant 16 : i32
    %mul3A_0 = arith.muli %arg0, %mul3A : i32
    %add3A = arith.addi %mul3A_0, %arg1 : i32
    %mul3A_1 = arith.constant 632 : i32
    %mul3A_2 = arith.muli %arg1, %mul3A_1 : i32
    "tpu.region"() ({
      %run_scoped3A = tpu.sem_alloc : memref<!tpu.dma_semaphore, #tpu.memory_space<semaphore_mem>>
      %dma_start3A = arith.constant 0 : i32
      %dma_start3A_12 = tpu.memref_slice %arg8[%mul3A_2, %dma_start3A] : memref<10112x128xf32, #tpu.memory_space<vmem_shared>> -> memref<632x128xf32, #tpu.memory_space<vmem_shared>>
      %dma_start3A_13 = arith.constant 0 : i32
      %dma_start3A_14 = tpu.memref_slice %arg3[%mul3A_2, %dma_start3A_13] : memref<10112x128xf32, #tpu.memory_space<hbm>> -> memref<632x128xf32, #tpu.memory_space<hbm>>
      tpu.enqueue_dma source(%dma_start3A_14 : memref<632x128xf32, #tpu.memory_space<hbm>>) target(%dma_start3A_12 : memref<632x128xf32, #tpu.memory_space<vmem_shared>>) target_semaphore(%run_scoped3A : memref<!tpu.dma_semaphore, #tpu.memory_space<semaphore_mem>>)
      %dma_wait3A = arith.constant 0 : i32
      %dma_wait3A_15 = tpu.memref_slice %arg8[%mul3A_2, %dma_wait3A] : memref<10112x128xf32, #tpu.memory_space<vmem_shared>> -> memref<632x128xf32, #tpu.memory_space<vmem_shared>>
      %dma_wait3A_16 = arith.constant 0 : i32
      %dma_wait3A_17 = tpu.memref_slice %arg3[%mul3A_2, %dma_wait3A_16] : memref<10112x128xf32, #tpu.memory_space<hbm>> -> memref<632x128xf32, #tpu.memory_space<hbm>>
      tpu.wait_dma2 semaphore(%run_scoped3A : memref<!tpu.dma_semaphore, #tpu.memory_space<semaphore_mem>>) src(%dma_wait3A_17 : memref<632x128xf32, #tpu.memory_space<hbm>>) dst(%dma_wait3A_15 : memref<632x128xf32, #tpu.memory_space<vmem_shared>>)
      tpu.yield
    }) : () -> ()
    "tpu.region"() ({
      %run_scoped3A = tpu.sem_alloc : memref<!tpu.dma_semaphore, #tpu.memory_space<semaphore_mem>>
      tpu.enqueue_dma source(%arg4 : memref<128x128xf32, #tpu.memory_space<hbm>>) target(%arg7 : memref<128x128xf32, #tpu.memory_space<vmem>>) target_semaphore(%run_scoped3A : memref<!tpu.dma_semaphore, #tpu.memory_space<semaphore_mem>>)
      tpu.wait_dma2 semaphore(%run_scoped3A : memref<!tpu.dma_semaphore, #tpu.memory_space<semaphore_mem>>) src(%arg4 : memref<128x128xf32, #tpu.memory_space<hbm>>) dst(%arg7 : memref<128x128xf32, #tpu.memory_space<vmem>>)
      tpu.yield
    }) : () -> ()
    %barrier3A = arith.constant 0 : index
    tpu.barrier barrier_id(%barrier3A)
    %scan3A = arith.constant 0 : i32
    %scan3A_3 = arith.constant 0 : i32
    %scan3A_4 = arith.constant 10 : i32
    %scan3A_5 = arith.addi %scan3A_3, %scan3A_4 : i32
    %scan3A_6 = arith.constant 1 : i32
    scf.for %scan3A_12 = %scan3A_3 to %scan3A_5 step %scan3A_6  : i32 {
      %mul3A_13 = arith.constant 8 : i32
      %mul3A_14 = arith.muli %scan3A_12, %mul3A_13 : i32
      "tpu.region"() ({
        %run_scoped3A = tpu.sem_alloc : memref<!tpu.dma_semaphore, #tpu.memory_space<semaphore_mem>>
        %dma_start3A = arith.constant 0 : i32
        %dma_start3A_20 = tpu.memref_slice %arg2[%add3A, %mul3A_14, %dma_start3A] : memref<32x80x128xi32, #tpu.memory_space<hbm>> -> memref<1x8x128xi32, #tpu.memory_space<hbm>>
        %dma_start3A_21 = tpu.memref_squeeze %dma_start3A_20 : memref<1x8x128xi32, #tpu.memory_space<hbm>> -> memref<8x128xi32, #tpu.memory_space<hbm>>
        %dma_start3A_22 = arith.constant 0 : i32
        %dma_start3A_23 = tpu.memref_slice %arg2[%add3A, %mul3A_14, %dma_start3A_22] : memref<32x80x128xi32, #tpu.memory_space<hbm>> -> memref<1x8x128xi32, #tpu.memory_space<hbm>>
        %dma_start3A_24 = tpu.memref_squeeze %dma_start3A_23 : memref<1x8x128xi32, #tpu.memory_space<hbm>> -> memref<8x128xi32, #tpu.memory_space<hbm>>
        tpu.enqueue_dma source(%dma_start3A_24 : memref<8x128xi32, #tpu.memory_space<hbm>>) target(%arg6 : memref<8x128xi32, #tpu.memory_space<vmem>>) target_semaphore(%run_scoped3A : memref<!tpu.dma_semaphore, #tpu.memory_space<semaphore_mem>>)
        %dma_wait3A = arith.constant 0 : i32
        %dma_wait3A_25 = tpu.memref_slice %arg2[%add3A, %mul3A_14, %dma_wait3A] : memref<32x80x128xi32, #tpu.memory_space<hbm>> -> memref<1x8x128xi32, #tpu.memory_space<hbm>>
        %dma_wait3A_26 = tpu.memref_squeeze %dma_wait3A_25 : memref<1x8x128xi32, #tpu.memory_space<hbm>> -> memref<8x128xi32, #tpu.memory_space<hbm>>
        %dma_wait3A_27 = arith.constant 0 : i32
        %dma_wait3A_28 = tpu.memref_slice %arg2[%add3A, %mul3A_14, %dma_wait3A_27] : memref<32x80x128xi32, #tpu.memory_space<hbm>> -> memref<1x8x128xi32, #tpu.memory_space<hbm>>
        %dma_wait3A_29 = tpu.memref_squeeze %dma_wait3A_28 : memref<1x8x128xi32, #tpu.memory_space<hbm>> -> memref<8x128xi32, #tpu.memory_space<hbm>>
        tpu.wait_dma2 semaphore(%run_scoped3A : memref<!tpu.dma_semaphore, #tpu.memory_space<semaphore_mem>>) src(%dma_wait3A_29 : memref<8x128xi32, #tpu.memory_space<hbm>>) dst(%arg6 : memref<8x128xi32, #tpu.memory_space<vmem>>)
        tpu.yield
      }) : () -> ()
      %scan3A_15 = arith.constant 0 : i32
      %scan3A_16 = arith.constant 8 : i32
      %scan3A_17 = arith.addi %scan3A_15, %scan3A_16 : i32
      %scan3A_18 = arith.constant 1 : i32
      scf.for %scan3A_20 = %scan3A_15 to %scan3A_17 step %scan3A_18  : i32 {
        "tpu.region"() ({
          %run_scoped3A = tpu.sem_alloc : memref<!tpu.dma_semaphore, #tpu.memory_space<semaphore_mem>>
          %dma_start3A = arith.constant 0 : i32
          %dma_start3A_21 = tpu.memref_slice %arg6[%scan3A_20, %dma_start3A] : memref<8x128xi32, #tpu.memory_space<vmem>> -> memref<1x128xi32, #tpu.memory_space<vmem>>
          %dma_start3A_22 = tpu.memref_squeeze %dma_start3A_21 : memref<1x128xi32, #tpu.memory_space<vmem>> -> memref<128xi32, #tpu.memory_space<vmem>>
          %dma_start3A_23 = arith.constant 0 : i32
          %dma_start3A_24 = arith.constant 0 : i32
          %dma_start3A_25 = tpu.memref_slice %arg8[%dma_start3A_23, %dma_start3A_24] : memref<10112x128xf32, #tpu.memory_space<vmem_shared>> -> memref<10112x128xf32, #tpu.memory_space<vmem_shared>>
          tpu.enqueue_indirect_dma source(%arg7 : memref<128x128xf32, #tpu.memory_space<vmem>>) target(%dma_start3A_25 : memref<10112x128xf32, #tpu.memory_space<vmem_shared>>) offsets(%dma_start3A_22 : memref<128xi32, #tpu.memory_space<vmem>>) semaphore(%run_scoped3A : memref<!tpu.dma_semaphore, #tpu.memory_space<semaphore_mem>>) {add = true}
          %dma_wait3A = arith.constant 0 : i32
          %dma_wait3A_26 = tpu.memref_slice %arg6[%scan3A_20, %dma_wait3A] : memref<8x128xi32, #tpu.memory_space<vmem>> -> memref<1x128xi32, #tpu.memory_space<vmem>>
          %dma_wait3A_27 = tpu.memref_squeeze %dma_wait3A_26 : memref<1x128xi32, #tpu.memory_space<vmem>> -> memref<128xi32, #tpu.memory_space<vmem>>
          %dma_wait3A_28 = arith.constant 0 : i32
          %dma_wait3A_29 = arith.constant 0 : i32
          %dma_wait3A_30 = tpu.memref_slice %arg8[%dma_wait3A_28, %dma_wait3A_29] : memref<10112x128xf32, #tpu.memory_space<vmem_shared>> -> memref<10112x128xf32, #tpu.memory_space<vmem_shared>>
          tpu.wait_indirect_dma semaphore(%run_scoped3A : memref<!tpu.dma_semaphore, #tpu.memory_space<semaphore_mem>>) src(%arg7 : memref<128x128xf32, #tpu.memory_space<vmem>>) dst(%dma_wait3A_30 : memref<10112x128xf32, #tpu.memory_space<vmem_shared>>)
          tpu.yield
        }) : () -> ()
      }
      %scan3A_19 = arith.constant 8 : i32
    }
    %scan3A_7 = arith.constant 10 : i32
    %barrier3A_8 = arith.constant 0 : index
    tpu.barrier barrier_id(%barrier3A_8)
    %mul3A_9 = arith.constant 10112 : i32
    %mul3A_10 = arith.muli %arg0, %mul3A_9 : i32
    %add3A_11 = arith.addi %mul3A_10, %mul3A_2 : i32
    "tpu.region"() ({
      %run_scoped3A = tpu.sem_alloc : memref<!tpu.dma_semaphore, #tpu.memory_space<semaphore_mem>>
      %dma_start3A = arith.constant 0 : i32
      %dma_start3A_12 = tpu.memref_slice %arg5[%add3A_11, %dma_start3A] : memref<20224x128xf32, #tpu.memory_space<hbm>> -> memref<632x128xf32, #tpu.memory_space<hbm>>
      %dma_start3A_13 = arith.constant 0 : i32
      %dma_start3A_14 = tpu.memref_slice %arg8[%mul3A_2, %dma_start3A_13] : memref<10112x128xf32, #tpu.memory_space<vmem_shared>> -> memref<632x128xf32, #tpu.memory_space<vmem_shared>>
      tpu.enqueue_dma source(%dma_start3A_14 : memref<632x128xf32, #tpu.memory_space<vmem_shared>>) target(%dma_start3A_12 : memref<632x128xf32, #tpu.memory_space<hbm>>) target_semaphore(%run_scoped3A : memref<!tpu.dma_semaphore, #tpu.memory_space<semaphore_mem>>)
      %dma_wait3A = arith.constant 0 : i32
      %dma_wait3A_15 = tpu.memref_slice %arg5[%add3A_11, %dma_wait3A] : memref<20224x128xf32, #tpu.memory_space<hbm>> -> memref<632x128xf32, #tpu.memory_space<hbm>>
      %dma_wait3A_16 = arith.constant 0 : i32
      %dma_wait3A_17 = tpu.memref_slice %arg8[%mul3A_2, %dma_wait3A_16] : memref<10112x128xf32, #tpu.memory_space<vmem_shared>> -> memref<632x128xf32, #tpu.memory_space<vmem_shared>>
      tpu.wait_dma2 semaphore(%run_scoped3A : memref<!tpu.dma_semaphore, #tpu.memory_space<semaphore_mem>>) src(%dma_wait3A_17 : memref<632x128xf32, #tpu.memory_space<vmem_shared>>) dst(%dma_wait3A_15 : memref<632x128xf32, #tpu.memory_space<hbm>>)
      tpu.yield
    }) : () -> ()
    return
  }
}

module attributes {stable_mosaic.version = 14 : i64} {
  func.func @_enc_mlp_body(%arg0: i32, %arg1: memref<1000x128xf32, #tpu.memory_space<vmem>>, %arg2: memref<128x128xf32, #tpu.memory_space<vmem>>, %arg3: memref<1x128xf32, #tpu.memory_space<vmem>>, %arg4: memref<1x128xf32, #tpu.memory_space<vmem>>, %arg5: memref<128x128xf32, #tpu.memory_space<vmem>>, %arg6: memref<1x128xf32, #tpu.memory_space<vmem>>, %arg7: memref<1000x128xf32, #tpu.memory_space<vmem>>) attributes {dimension_semantics = [#tpu.dimension_semantics<arbitrary>], iteration_bounds = array<i64: 10>, scalar_prefetch = 0 : i64, scratch_operands = 0 : i64, tpu.core_type = #tpu.core_type<tc>, window_params = [{transform_indices = @transform_0, window_bounds = array<i64: 1000, 128>}, {pipeline_mode = #tpu.pipeline_mode<synchronous>, transform_indices = @transform_1, window_bounds = array<i64: 128, 128>}, {pipeline_mode = #tpu.pipeline_mode<synchronous>, transform_indices = @transform_2, window_bounds = array<i64: 1, 128>}, {pipeline_mode = #tpu.pipeline_mode<synchronous>, transform_indices = @transform_3, window_bounds = array<i64: 1, 128>}, {pipeline_mode = #tpu.pipeline_mode<synchronous>, transform_indices = @transform_4, window_bounds = array<i64: 128, 128>}, {pipeline_mode = #tpu.pipeline_mode<synchronous>, transform_indices = @transform_5, window_bounds = array<i64: 1, 128>}, {transform_indices = @transform_6, window_bounds = array<i64: 1000, 128>}]} {
    %get3A = arith.constant 0 : index
    %get3A_0 = arith.constant 0 : index
    %get3A_1 = vector.load %arg1[%get3A, %get3A_0] : memref<1000x128xf32, #tpu.memory_space<vmem>>, vector<1000x128xf32>
    %get3A_2 = arith.constant 0 : index
    %get3A_3 = arith.constant 0 : index
    %get3A_4 = vector.load %arg2[%get3A_2, %get3A_3] : memref<128x128xf32, #tpu.memory_space<vmem>>, vector<128x128xf32>
    %dot_general3A = arith.constant dense<0.000000e+00> : vector<1000x128xf32>
    %dot_general3A_5 = tpu.matmul %get3A_1, %get3A_4, %dot_general3A {dimension_numbers = #tpu.dot_dimension_numbers<[1], [0], [0], [1], [0, 0, 1, 1], [], []>, transpose_lhs_hint = false} : vector<1000x128xf32>, vector<128x128xf32>, vector<1000x128xf32> -> vector<1000x128xf32>
    %get3A_6 = arith.constant 0 : index
    %get3A_7 = arith.constant 0 : index
    %get3A_8 = vector.load %arg3[%get3A_6, %get3A_7] : memref<1x128xf32, #tpu.memory_space<vmem>>, vector<1x128xf32>
    %mul3A = vector.broadcast %get3A_8 : vector<1x128xf32> to vector<1000x128xf32>
    %mul3A_9 = arith.mulf %dot_general3A_5, %mul3A : vector<1000x128xf32>
    %get3A_10 = arith.constant 0 : index
    %get3A_11 = arith.constant 0 : index
    %get3A_12 = vector.load %arg4[%get3A_10, %get3A_11] : memref<1x128xf32, #tpu.memory_space<vmem>>, vector<1x128xf32>
    %add3A = vector.broadcast %get3A_12 : vector<1x128xf32> to vector<1000x128xf32>
    %add3A_13 = arith.addf %mul3A_9, %add3A : vector<1000x128xf32>
    %max3A = arith.constant 0.000000e+00 : f32
    %max3A_14 = vector.broadcast %max3A : f32 to vector<1000x128xf32>
    %max3A_15 = arith.maximumf %add3A_13, %max3A_14 : vector<1000x128xf32>
    %get3A_16 = arith.constant 0 : index
    %get3A_17 = arith.constant 0 : index
    %get3A_18 = vector.load %arg5[%get3A_16, %get3A_17] : memref<128x128xf32, #tpu.memory_space<vmem>>, vector<128x128xf32>
    %dot_general3A_19 = arith.constant dense<0.000000e+00> : vector<1000x128xf32>
    %dot_general3A_20 = tpu.matmul %max3A_15, %get3A_18, %dot_general3A_19 {dimension_numbers = #tpu.dot_dimension_numbers<[1], [0], [0], [1], [0, 0, 1, 1], [], []>, transpose_lhs_hint = false} : vector<1000x128xf32>, vector<128x128xf32>, vector<1000x128xf32> -> vector<1000x128xf32>
    %get3A_21 = arith.constant 0 : index
    %get3A_22 = arith.constant 0 : index
    %get3A_23 = vector.load %arg6[%get3A_21, %get3A_22] : memref<1x128xf32, #tpu.memory_space<vmem>>, vector<1x128xf32>
    %add3A_24 = vector.broadcast %get3A_23 : vector<1x128xf32> to vector<1000x128xf32>
    %add3A_25 = arith.addf %dot_general3A_20, %add3A_24 : vector<1000x128xf32>
    %swap3A = arith.constant 0 : index
    %swap3A_26 = arith.constant 0 : index
    %swap3A_27 = vector.load %arg7[%swap3A, %swap3A_26] : memref<1000x128xf32, #tpu.memory_space<vmem>>, vector<1000x128xf32>
    tpu.vector_store %arg7[%swap3A, %swap3A_26], %add3A_25 {strides = array<i32>} : memref<1000x128xf32, #tpu.memory_space<vmem>>, vector<1000x128xf32>,
    return
  }
  func.func @transform_0(%arg0: i32) -> (i32, i32) {
    %c0_i32 = arith.constant 0 : i32
    %c0_i32_0 = arith.constant 0 : i32
    return %arg0, %c0_i32 : i32, i32
  }
  func.func @transform_1(%arg0: i32) -> (i32, i32) {
    %c0_i32 = arith.constant 0 : i32
    %c0_i32_0 = arith.constant 0 : i32
    %c0_i32_1 = arith.constant 0 : i32
    return %c0_i32, %c0_i32_0 : i32, i32
  }
  func.func @transform_2(%arg0: i32) -> (i32, i32) {
    %c0_i32 = arith.constant 0 : i32
    %c0_i32_0 = arith.constant 0 : i32
    %c0_i32_1 = arith.constant 0 : i32
    return %c0_i32, %c0_i32_0 : i32, i32
  }
  func.func @transform_3(%arg0: i32) -> (i32, i32) {
    %c0_i32 = arith.constant 0 : i32
    %c0_i32_0 = arith.constant 0 : i32
    %c0_i32_1 = arith.constant 0 : i32
    return %c0_i32, %c0_i32_0 : i32, i32
  }
  func.func @transform_4(%arg0: i32) -> (i32, i32) {
    %c0_i32 = arith.constant 0 : i32
    %c0_i32_0 = arith.constant 0 : i32
    %c0_i32_1 = arith.constant 0 : i32
    return %c0_i32, %c0_i32_0 : i32, i32
  }
  func.func @transform_5(%arg0: i32) -> (i32, i32) {
    %c0_i32 = arith.constant 0 : i32
    %c0_i32_0 = arith.constant 0 : i32
    %c0_i32_1 = arith.constant 0 : i32
    return %c0_i32, %c0_i32_0 : i32, i32
  }
  func.func @transform_6(%arg0: i32) -> (i32, i32) {
    %c0_i32 = arith.constant 0 : i32
    %c0_i32_0 = arith.constant 0 : i32
    return %arg0, %c0_i32 : i32, i32
  }
}

module attributes {stable_mosaic.version = 14 : i64} {
  func.func @_mid_body(%arg0: i32, %arg1: memref<2x1000x128xf32, #tpu.memory_space<vmem>>, %arg2: memref<2x1000x128xf32, #tpu.memory_space<vmem>>, %arg3: memref<1000x128xf32, #tpu.memory_space<vmem>>, %arg4: memref<1000x128xf32, #tpu.memory_space<vmem>>, %arg5: memref<128x256xf32, #tpu.memory_space<vmem>>, %arg6: memref<256x128xf32, #tpu.memory_space<vmem>>, %arg7: memref<1x128xf32, #tpu.memory_space<vmem>>, %arg8: memref<128x256xf32, #tpu.memory_space<vmem>>, %arg9: memref<1x256xf32, #tpu.memory_space<vmem>>, %arg10: memref<1x256xf32, #tpu.memory_space<vmem>>, %arg11: memref<256x256xf32, #tpu.memory_space<vmem>>, %arg12: memref<1x256xf32, #tpu.memory_space<vmem>>, %arg13: memref<256x128xf32, #tpu.memory_space<vmem>>, %arg14: memref<1x128xf32, #tpu.memory_space<vmem>>, %arg15: memref<1x128xf32, #tpu.memory_space<vmem>>, %arg16: memref<128x128xf32, #tpu.memory_space<vmem>>, %arg17: memref<1x128xf32, #tpu.memory_space<vmem>>, %arg18: memref<1000x128xf32, #tpu.memory_space<vmem>>, %arg19: memref<1000x128xf32, #tpu.memory_space<vmem>>) attributes {dimension_semantics = [#tpu.dimension_semantics<arbitrary>], iteration_bounds = array<i64: 10>, scalar_prefetch = 0 : i64, scratch_operands = 0 : i64, tpu.core_type = #tpu.core_type<tc>, window_params = [{transform_indices = @transform_0, window_bounds = array<i64: 2, 1000, 128>}, {transform_indices = @transform_1, window_bounds = array<i64: 2, 1000, 128>}, {transform_indices = @transform_2, window_bounds = array<i64: 1000, 128>}, {transform_indices = @transform_3, window_bounds = array<i64: 1000, 128>}, {pipeline_mode = #tpu.pipeline_mode<synchronous>, transform_indices = @transform_4, window_bounds = array<i64: 128, 256>}, {pipeline_mode = #tpu.pipeline_mode<synchronous>, transform_indices = @transform_5, window_bounds = array<i64: 256, 128>}, {pipeline_mode = #tpu.pipeline_mode<synchronous>, transform_indices = @transform_6, window_bounds = array<i64: 1, 128>}, {pipeline_mode = #tpu.pipeline_mode<synchronous>, transform_indices = @transform_7, window_bounds = array<i64: 128, 256>}, {pipeline_mode = #tpu.pipeline_mode<synchronous>, transform_indices = @transform_8, window_bounds = array<i64: 1, 256>}, {pipeline_mode = #tpu.pipeline_mode<synchronous>, transform_indices = @transform_9, window_bounds = array<i64: 1, 256>}, {pipeline_mode = #tpu.pipeline_mode<synchronous>, transform_indices = @transform_10, window_bounds = array<i64: 256, 256>}, {pipeline_mode = #tpu.pipeline_mode<synchronous>, transform_indices = @transform_11, window_bounds = array<i64: 1, 256>}, {pipeline_mode = #tpu.pipeline_mode<synchronous>, transform_indices = @transform_12, window_bounds = array<i64: 256, 128>}, {pipeline_mode = #tpu.pipeline_mode<synchronous>, transform_indices = @transform_13, window_bounds = array<i64: 1, 128>}, {pipeline_mode = #tpu.pipeline_mode<synchronous>, transform_indices = @transform_14, window_bounds = array<i64: 1, 128>}, {pipeline_mode = #tpu.pipeline_mode<synchronous>, transform_indices = @transform_15, window_bounds = array<i64: 128, 128>}, {pipeline_mode = #tpu.pipeline_mode<synchronous>, transform_indices = @transform_16, window_bounds = array<i64: 1, 128>}, {transform_indices = @transform_17, window_bounds = array<i64: 1000, 128>}, {transform_indices = @transform_18, window_bounds = array<i64: 1000, 128>}]} {
    %get3A = arith.constant 0 : index
    %get3A_0 = arith.constant 0 : index
    %get3A_1 = arith.constant 0 : index
    %get3A_2 = vector.load %arg1[%get3A, %get3A_0, %get3A_1] : memref<2x1000x128xf32, #tpu.memory_space<vmem>>, vector<1x1000x128xf32>
    %get3A_3 = vector.shape_cast %get3A_2 : vector<1x1000x128xf32> to vector<1000x128xf32>
    %get3A_4 = arith.constant 1 : index
    %get3A_5 = arith.constant 0 : index
    %get3A_6 = arith.constant 0 : index
    %get3A_7 = vector.load %arg1[%get3A_4, %get3A_5, %get3A_6] : memref<2x1000x128xf32, #tpu.memory_space<vmem>>, vector<1x1000x128xf32>
    %get3A_8 = vector.shape_cast %get3A_7 : vector<1x1000x128xf32> to vector<1000x128xf32>
    %add3A = arith.addf %get3A_3, %get3A_8 : vector<1000x128xf32>
    %get3A_9 = arith.constant 0 : index
    %get3A_10 = arith.constant 0 : index
    %get3A_11 = arith.constant 0 : index
    %get3A_12 = vector.load %arg2[%get3A_9, %get3A_10, %get3A_11] : memref<2x1000x128xf32, #tpu.memory_space<vmem>>, vector<1x1000x1xf32>
    %get3A_13 = vector.shape_cast %get3A_12 : vector<1x1000x1xf32> to vector<1000x1xf32>
    %get3A_14 = arith.constant 1 : index
    %get3A_15 = arith.constant 0 : index
    %get3A_16 = arith.constant 0 : index
    %get3A_17 = vector.load %arg2[%get3A_14, %get3A_15, %get3A_16] : memref<2x1000x128xf32, #tpu.memory_space<vmem>>, vector<1x1000x1xf32>
    %get3A_18 = vector.shape_cast %get3A_17 : vector<1x1000x1xf32> to vector<1000x1xf32>
    %add3A_19 = arith.addf %get3A_13, %get3A_18 : vector<1000x1xf32>
    %gt3A = arith.constant 0.000000e+00 : f32
    %gt3A_20 = vector.broadcast %gt3A : f32 to vector<1000x1xf32>
    %gt3A_21 = arith.cmpf ogt, %add3A_19, %gt3A_20 : vector<1000x1xf32>
    %max3A = arith.constant 1.000000e+00 : f32
    %max3A_22 = vector.broadcast %max3A : f32 to vector<1000x1xf32>
    %max3A_23 = arith.maximumf %add3A_19, %max3A_22 : vector<1000x1xf32>
    %div3A = vector.broadcast %max3A_23 : vector<1000x1xf32> to vector<1000x128xf32>
    %div3A_24 = arith.divf %add3A, %div3A : vector<1000x128xf32>
    %jit3A = arith.constant 0.000000e+00 : f32
    %broadcast_in_dim3A = vector.shape_cast %gt3A_21 : vector<1000x1xi1> to vector<1000x1xi1>
    %broadcast_in_dim3A_25 = vector.broadcast %broadcast_in_dim3A : vector<1000x1xi1> to vector<1000x128xi1>
    %broadcast_in_dim3A_26 = vector.broadcast %jit3A : f32 to vector<1000x128xf32>
    %select_n3A = arith.select %broadcast_in_dim3A_25, %div3A_24, %broadcast_in_dim3A_26 : vector<1000x128xi1>, vector<1000x128xf32>
    %get3A_27 = arith.constant 0 : index
    %get3A_28 = arith.constant 0 : index
    %get3A_29 = vector.load %arg5[%get3A_27, %get3A_28] : memref<128x256xf32, #tpu.memory_space<vmem>>, vector<128x256xf32>
    %dot_general3A = arith.constant dense<0.000000e+00> : vector<1000x256xf32>
    %dot_general3A_30 = tpu.matmul %select_n3A, %get3A_29, %dot_general3A {dimension_numbers = #tpu.dot_dimension_numbers<[1], [0], [0], [1], [0, 0, 1, 1], [], []>, transpose_lhs_hint = false} : vector<1000x128xf32>, vector<128x256xf32>, vector<1000x256xf32> -> vector<1000x256xf32>
    %get3A_31 = arith.constant 0 : index
    %get3A_32 = arith.constant 0 : index
    %get3A_33 = vector.load %arg6[%get3A_31, %get3A_32] : memref<256x128xf32, #tpu.memory_space<vmem>>, vector<256x128xf32>
    %dot_general3A_34 = arith.constant dense<0.000000e+00> : vector<1000x128xf32>
    %dot_general3A_35 = tpu.matmul %dot_general3A_30, %get3A_33, %dot_general3A_34 {dimension_numbers = #tpu.dot_dimension_numbers<[1], [0], [0], [1], [0, 0, 1, 1], [], []>, transpose_lhs_hint = false} : vector<1000x256xf32>, vector<256x128xf32>, vector<1000x128xf32> -> vector<1000x128xf32>
    %get3A_36 = arith.constant 0 : index
    %get3A_37 = arith.constant 0 : index
    %get3A_38 = vector.load %arg7[%get3A_36, %get3A_37] : memref<1x128xf32, #tpu.memory_space<vmem>>, vector<1x128xf32>
    %add3A_39 = vector.broadcast %get3A_38 : vector<1x128xf32> to vector<1000x128xf32>
    %add3A_40 = arith.addf %dot_general3A_35, %add3A_39 : vector<1000x128xf32>
    %get3A_41 = arith.constant 0 : index
    %get3A_42 = arith.constant 0 : index
    %get3A_43 = vector.load %arg3[%get3A_41, %get3A_42] : memref<1000x128xf32, #tpu.memory_space<vmem>>, vector<1000x128xf32>
    %add3A_44 = arith.addf %add3A_40, %get3A_43 : vector<1000x128xf32>
    %get3A_45 = arith.constant 0 : index
    %get3A_46 = arith.constant 0 : index
    %get3A_47 = vector.load %arg8[%get3A_45, %get3A_46] : memref<128x256xf32, #tpu.memory_space<vmem>>, vector<128x256xf32>
    %dot_general3A_48 = arith.constant dense<0.000000e+00> : vector<1000x256xf32>
    %dot_general3A_49 = tpu.matmul %add3A_44, %get3A_47, %dot_general3A_48 {dimension_numbers = #tpu.dot_dimension_numbers<[1], [0], [0], [1], [0, 0, 1, 1], [], []>, transpose_lhs_hint = false} : vector<1000x128xf32>, vector<128x256xf32>, vector<1000x256xf32> -> vector<1000x256xf32>
    %get3A_50 = arith.constant 0 : index
    %get3A_51 = arith.constant 0 : index
    %get3A_52 = vector.load %arg9[%get3A_50, %get3A_51] : memref<1x256xf32, #tpu.memory_space<vmem>>, vector<1x256xf32>
    %mul3A = vector.broadcast %get3A_52 : vector<1x256xf32> to vector<1000x256xf32>
    %mul3A_53 = arith.mulf %dot_general3A_49, %mul3A : vector<1000x256xf32>
    %get3A_54 = arith.constant 0 : index
    %get3A_55 = arith.constant 0 : index
    %get3A_56 = vector.load %arg10[%get3A_54, %get3A_55] : memref<1x256xf32, #tpu.memory_space<vmem>>, vector<1x256xf32>
    %add3A_57 = vector.broadcast %get3A_56 : vector<1x256xf32> to vector<1000x256xf32>
    %add3A_58 = arith.addf %mul3A_53, %add3A_57 : vector<1000x256xf32>
    %max3A_59 = arith.constant 0.000000e+00 : f32
    %max3A_60 = vector.broadcast %max3A_59 : f32 to vector<1000x256xf32>
    %max3A_61 = arith.maximumf %add3A_58, %max3A_60 : vector<1000x256xf32>
    %get3A_62 = arith.constant 0 : index
    %get3A_63 = arith.constant 0 : index
    %get3A_64 = vector.load %arg11[%get3A_62, %get3A_63] : memref<256x256xf32, #tpu.memory_space<vmem>>, vector<256x256xf32>
    %dot_general3A_65 = arith.constant dense<0.000000e+00> : vector<1000x256xf32>
    %dot_general3A_66 = tpu.matmul %max3A_61, %get3A_64, %dot_general3A_65 {dimension_numbers = #tpu.dot_dimension_numbers<[1], [0], [0], [1], [0, 0, 1, 1], [], []>, transpose_lhs_hint = false} : vector<1000x256xf32>, vector<256x256xf32>, vector<1000x256xf32> -> vector<1000x256xf32>
    %get3A_67 = arith.constant 0 : index
    %get3A_68 = arith.constant 0 : index
    %get3A_69 = vector.load %arg12[%get3A_67, %get3A_68] : memref<1x256xf32, #tpu.memory_space<vmem>>, vector<1x256xf32>
    %add3A_70 = vector.broadcast %get3A_69 : vector<1x256xf32> to vector<1000x256xf32>
    %add3A_71 = arith.addf %dot_general3A_66, %add3A_70 : vector<1000x256xf32>
    %slice3A = vector.extract_strided_slice %add3A_71 {offsets = [0, 0], sizes = [1000, 128], strides = [1, 1]} : vector<1000x256xf32> to vector<1000x128xf32>
    %slice3A_72 = vector.extract_strided_slice %add3A_71 {offsets = [0, 128], sizes = [1000, 128], strides = [1, 1]} : vector<1000x256xf32> to vector<1000x128xf32>
    %exp3A = math.exp %slice3A_72 : vector<1000x128xf32>
    %mul3A_73 = arith.constant 5.000000e-01 : f32
    %mul3A_74 = vector.broadcast %mul3A_73 : f32 to vector<1000x128xf32>
    %mul3A_75 = arith.mulf %exp3A, %mul3A_74 : vector<1000x128xf32>
    %get3A_76 = arith.constant 0 : index
    %get3A_77 = arith.constant 0 : index
    %get3A_78 = vector.load %arg4[%get3A_76, %get3A_77] : memref<1000x128xf32, #tpu.memory_space<vmem>>, vector<1000x128xf32>
    %mul3A_79 = arith.mulf %mul3A_75, %get3A_78 : vector<1000x128xf32>
    %add3A_80 = arith.addf %slice3A, %mul3A_79 : vector<1000x128xf32>
    %swap3A = arith.constant 0 : index
    %swap3A_81 = arith.constant 0 : index
    %swap3A_82 = vector.load %arg18[%swap3A, %swap3A_81] : memref<1000x128xf32, #tpu.memory_space<vmem>>, vector<1000x128xf32>
    tpu.vector_store %arg18[%swap3A, %swap3A_81], %add3A_80 {strides = array<i32>} : memref<1000x128xf32, #tpu.memory_space<vmem>>, vector<1000x128xf32>,
    %concatenate3A = tpu.concatenate %add3A_80, %add3A_44 in 1 : vector<1000x128xf32>, vector<1000x128xf32> -> vector<1000x256xf32>
    %get3A_83 = arith.constant 0 : index
    %get3A_84 = arith.constant 0 : index
    %get3A_85 = vector.load %arg13[%get3A_83, %get3A_84] : memref<256x128xf32, #tpu.memory_space<vmem>>, vector<256x128xf32>
    %dot_general3A_86 = arith.constant dense<0.000000e+00> : vector<1000x128xf32>
    %dot_general3A_87 = tpu.matmul %concatenate3A, %get3A_85, %dot_general3A_86 {dimension_numbers = #tpu.dot_dimension_numbers<[1], [0], [0], [1], [0, 0, 1, 1], [], []>, transpose_lhs_hint = false} : vector<1000x256xf32>, vector<256x128xf32>, vector<1000x128xf32> -> vector<1000x128xf32>
    %get3A_88 = arith.constant 0 : index
    %get3A_89 = arith.constant 0 : index
    %get3A_90 = vector.load %arg14[%get3A_88, %get3A_89] : memref<1x128xf32, #tpu.memory_space<vmem>>, vector<1x128xf32>
    %mul3A_91 = vector.broadcast %get3A_90 : vector<1x128xf32> to vector<1000x128xf32>
    %mul3A_92 = arith.mulf %dot_general3A_87, %mul3A_91 : vector<1000x128xf32>
    %get3A_93 = arith.constant 0 : index
    %get3A_94 = arith.constant 0 : index
    %get3A_95 = vector.load %arg15[%get3A_93, %get3A_94] : memref<1x128xf32, #tpu.memory_space<vmem>>, vector<1x128xf32>
    %add3A_96 = vector.broadcast %get3A_95 : vector<1x128xf32> to vector<1000x128xf32>
    %add3A_97 = arith.addf %mul3A_92, %add3A_96 : vector<1000x128xf32>
    %max3A_98 = arith.constant 0.000000e+00 : f32
    %max3A_99 = vector.broadcast %max3A_98 : f32 to vector<1000x128xf32>
    %max3A_100 = arith.maximumf %add3A_97, %max3A_99 : vector<1000x128xf32>
    %get3A_101 = arith.constant 0 : index
    %get3A_102 = arith.constant 0 : index
    %get3A_103 = vector.load %arg16[%get3A_101, %get3A_102] : memref<128x128xf32, #tpu.memory_space<vmem>>, vector<128x128xf32>
    %dot_general3A_104 = arith.constant dense<0.000000e+00> : vector<1000x128xf32>
    %dot_general3A_105 = tpu.matmul %max3A_100, %get3A_103, %dot_general3A_104 {dimension_numbers = #tpu.dot_dimension_numbers<[1], [0], [0], [1], [0, 0, 1, 1], [], []>, transpose_lhs_hint = false} : vector<1000x128xf32>, vector<128x128xf32>, vector<1000x128xf32> -> vector<1000x128xf32>
    %get3A_106 = arith.constant 0 : index
    %get3A_107 = arith.constant 0 : index
    %get3A_108 = vector.load %arg17[%get3A_106, %get3A_107] : memref<1x128xf32, #tpu.memory_space<vmem>>, vector<1x128xf32>
    %add3A_109 = vector.broadcast %get3A_108 : vector<1x128xf32> to vector<1000x128xf32>
    %add3A_110 = arith.addf %dot_general3A_105, %add3A_109 : vector<1000x128xf32>
    %swap3A_111 = arith.constant 0 : index
    %swap3A_112 = arith.constant 0 : index
    %swap3A_113 = vector.load %arg19[%swap3A_111, %swap3A_112] : memref<1000x128xf32, #tpu.memory_space<vmem>>, vector<1000x128xf32>
    tpu.vector_store %arg19[%swap3A_111, %swap3A_112], %add3A_110 {strides = array<i32>} : memref<1000x128xf32, #tpu.memory_space<vmem>>, vector<1000x128xf32>,
    return
  }
  func.func @transform_0(%arg0: i32) -> (i32, i32, i32) {
    %c0_i32 = arith.constant 0 : i32
    %c0_i32_0 = arith.constant 0 : i32
    %c0_i32_1 = arith.constant 0 : i32
    return %c0_i32, %arg0, %c0_i32_0 : i32, i32, i32
  }
  func.func @transform_1(%arg0: i32) -> (i32, i32, i32) {
    %c0_i32 = arith.constant 0 : i32
    %c0_i32_0 = arith.constant 0 : i32
    %c0_i32_1 = arith.constant 0 : i32
    return %c0_i32, %arg0, %c0_i32_0 : i32, i32, i32
  }
  func.func @transform_2(%arg0: i32) -> (i32, i32) {
    %c0_i32 = arith.constant 0 : i32
    %c0_i32_0 = arith.constant 0 : i32
    return %arg0, %c0_i32 : i32, i32
  }
  func.func @transform_3(%arg0: i32) -> (i32, i32) {
    %c0_i32 = arith.constant 0 : i32
    %c0_i32_0 = arith.constant 0 : i32
    return %arg0, %c0_i32 : i32, i32
  }
  func.func @transform_4(%arg0: i32) -> (i32, i32) {
    %c0_i32 = arith.constant 0 : i32
    %c0_i32_0 = arith.constant 0 : i32
    %c0_i32_1 = arith.constant 0 : i32
    return %c0_i32, %c0_i32_0 : i32, i32
  }
  func.func @transform_5(%arg0: i32) -> (i32, i32) {
    %c0_i32 = arith.constant 0 : i32
    %c0_i32_0 = arith.constant 0 : i32
    %c0_i32_1 = arith.constant 0 : i32
    return %c0_i32, %c0_i32_0 : i32, i32
  }
  func.func @transform_6(%arg0: i32) -> (i32, i32) {
    %c0_i32 = arith.constant 0 : i32
    %c0_i32_0 = arith.constant 0 : i32
    %c0_i32_1 = arith.constant 0 : i32
    return %c0_i32, %c0_i32_0 : i32, i32
  }
  func.func @transform_7(%arg0: i32) -> (i32, i32) {
    %c0_i32 = arith.constant 0 : i32
    %c0_i32_0 = arith.constant 0 : i32
    %c0_i32_1 = arith.constant 0 : i32
    return %c0_i32, %c0_i32_0 : i32, i32
  }
  func.func @transform_8(%arg0: i32) -> (i32, i32) {
    %c0_i32 = arith.constant 0 : i32
    %c0_i32_0 = arith.constant 0 : i32
    %c0_i32_1 = arith.constant 0 : i32
    return %c0_i32, %c0_i32_0 : i32, i32
  }
  func.func @transform_9(%arg0: i32) -> (i32, i32) {
    %c0_i32 = arith.constant 0 : i32
    %c0_i32_0 = arith.constant 0 : i32
    %c0_i32_1 = arith.constant 0 : i32
    return %c0_i32, %c0_i32_0 : i32, i32
  }
  func.func @transform_10(%arg0: i32) -> (i32, i32) {
    %c0_i32 = arith.constant 0 : i32
    %c0_i32_0 = arith.constant 0 : i32
    %c0_i32_1 = arith.constant 0 : i32
    return %c0_i32, %c0_i32_0 : i32, i32
  }
  func.func @transform_11(%arg0: i32) -> (i32, i32) {
    %c0_i32 = arith.constant 0 : i32
    %c0_i32_0 = arith.constant 0 : i32
    %c0_i32_1 = arith.constant 0 : i32
    return %c0_i32, %c0_i32_0 : i32, i32
  }
  func.func @transform_12(%arg0: i32) -> (i32, i32) {
    %c0_i32 = arith.constant 0 : i32
    %c0_i32_0 = arith.constant 0 : i32
    %c0_i32_1 = arith.constant 0 : i32
    return %c0_i32, %c0_i32_0 : i32, i32
  }
  func.func @transform_13(%arg0: i32) -> (i32, i32) {
    %c0_i32 = arith.constant 0 : i32
    %c0_i32_0 = arith.constant 0 : i32
    %c0_i32_1 = arith.constant 0 : i32
    return %c0_i32, %c0_i32_0 : i32, i32
  }
  func.func @transform_14(%arg0: i32) -> (i32, i32) {
    %c0_i32 = arith.constant 0 : i32
    %c0_i32_0 = arith.constant 0 : i32
    %c0_i32_1 = arith.constant 0 : i32
    return %c0_i32, %c0_i32_0 : i32, i32
  }
  func.func @transform_15(%arg0: i32) -> (i32, i32) {
    %c0_i32 = arith.constant 0 : i32
    %c0_i32_0 = arith.constant 0 : i32
    %c0_i32_1 = arith.constant 0 : i32
    return %c0_i32, %c0_i32_0 : i32, i32
  }
  func.func @transform_16(%arg0: i32) -> (i32, i32) {
    %c0_i32 = arith.constant 0 : i32
    %c0_i32_0 = arith.constant 0 : i32
    %c0_i32_1 = arith.constant 0 : i32
    return %c0_i32, %c0_i32_0 : i32, i32
  }
  func.func @transform_17(%arg0: i32) -> (i32, i32) {
    %c0_i32 = arith.constant 0 : i32
    %c0_i32_0 = arith.constant 0 : i32
    return %arg0, %c0_i32 : i32, i32
  }
  func.func @transform_18(%arg0: i32) -> (i32, i32) {
    %c0_i32 = arith.constant 0 : i32
    %c0_i32_0 = arith.constant 0 : i32
    return %arg0, %c0_i32 : i32, i32
  }
}

module attributes {stable_mosaic.version = 14 : i64} {
  func.func @_final_body(%arg0: i32, %arg1: memref<2x1000x128xf32, #tpu.memory_space<vmem>>, %arg2: memref<2x1000x128xf32, #tpu.memory_space<vmem>>, %arg3: memref<1000x128xf32, #tpu.memory_space<vmem>>, %arg4: memref<128x256xf32, #tpu.memory_space<vmem>>, %arg5: memref<256x128xf32, #tpu.memory_space<vmem>>, %arg6: memref<1x128xf32, #tpu.memory_space<vmem>>, %arg7: memref<1000x128xf32, #tpu.memory_space<vmem>>) attributes {dimension_semantics = [#tpu.dimension_semantics<arbitrary>], iteration_bounds = array<i64: 10>, scalar_prefetch = 0 : i64, scratch_operands = 0 : i64, tpu.core_type = #tpu.core_type<tc>, window_params = [{transform_indices = @transform_0, window_bounds = array<i64: 2, 1000, 128>}, {transform_indices = @transform_1, window_bounds = array<i64: 2, 1000, 128>}, {transform_indices = @transform_2, window_bounds = array<i64: 1000, 128>}, {pipeline_mode = #tpu.pipeline_mode<synchronous>, transform_indices = @transform_3, window_bounds = array<i64: 128, 256>}, {pipeline_mode = #tpu.pipeline_mode<synchronous>, transform_indices = @transform_4, window_bounds = array<i64: 256, 128>}, {pipeline_mode = #tpu.pipeline_mode<synchronous>, transform_indices = @transform_5, window_bounds = array<i64: 1, 128>}, {transform_indices = @transform_6, window_bounds = array<i64: 1000, 128>}]} {
    %get3A = arith.constant 0 : index
    %get3A_0 = arith.constant 0 : index
    %get3A_1 = arith.constant 0 : index
    %get3A_2 = vector.load %arg1[%get3A, %get3A_0, %get3A_1] : memref<2x1000x128xf32, #tpu.memory_space<vmem>>, vector<1x1000x128xf32>
    %get3A_3 = vector.shape_cast %get3A_2 : vector<1x1000x128xf32> to vector<1000x128xf32>
    %get3A_4 = arith.constant 1 : index
    %get3A_5 = arith.constant 0 : index
    %get3A_6 = arith.constant 0 : index
    %get3A_7 = vector.load %arg1[%get3A_4, %get3A_5, %get3A_6] : memref<2x1000x128xf32, #tpu.memory_space<vmem>>, vector<1x1000x128xf32>
    %get3A_8 = vector.shape_cast %get3A_7 : vector<1x1000x128xf32> to vector<1000x128xf32>
    %add3A = arith.addf %get3A_3, %get3A_8 : vector<1000x128xf32>
    %get3A_9 = arith.constant 0 : index
    %get3A_10 = arith.constant 0 : index
    %get3A_11 = arith.constant 0 : index
    %get3A_12 = vector.load %arg2[%get3A_9, %get3A_10, %get3A_11] : memref<2x1000x128xf32, #tpu.memory_space<vmem>>, vector<1x1000x1xf32>
    %get3A_13 = vector.shape_cast %get3A_12 : vector<1x1000x1xf32> to vector<1000x1xf32>
    %get3A_14 = arith.constant 1 : index
    %get3A_15 = arith.constant 0 : index
    %get3A_16 = arith.constant 0 : index
    %get3A_17 = vector.load %arg2[%get3A_14, %get3A_15, %get3A_16] : memref<2x1000x128xf32, #tpu.memory_space<vmem>>, vector<1x1000x1xf32>
    %get3A_18 = vector.shape_cast %get3A_17 : vector<1x1000x1xf32> to vector<1000x1xf32>
    %add3A_19 = arith.addf %get3A_13, %get3A_18 : vector<1000x1xf32>
    %gt3A = arith.constant 0.000000e+00 : f32
    %gt3A_20 = vector.broadcast %gt3A : f32 to vector<1000x1xf32>
    %gt3A_21 = arith.cmpf ogt, %add3A_19, %gt3A_20 : vector<1000x1xf32>
    %max3A = arith.constant 1.000000e+00 : f32
    %max3A_22 = vector.broadcast %max3A : f32 to vector<1000x1xf32>
    %max3A_23 = arith.maximumf %add3A_19, %max3A_22 : vector<1000x1xf32>
    %div3A = vector.broadcast %max3A_23 : vector<1000x1xf32> to vector<1000x128xf32>
    %div3A_24 = arith.divf %add3A, %div3A : vector<1000x128xf32>
    %jit3A = arith.constant 0.000000e+00 : f32
    %broadcast_in_dim3A = vector.shape_cast %gt3A_21 : vector<1000x1xi1> to vector<1000x1xi1>
    %broadcast_in_dim3A_25 = vector.broadcast %broadcast_in_dim3A : vector<1000x1xi1> to vector<1000x128xi1>
    %broadcast_in_dim3A_26 = vector.broadcast %jit3A : f32 to vector<1000x128xf32>
    %select_n3A = arith.select %broadcast_in_dim3A_25, %div3A_24, %broadcast_in_dim3A_26 : vector<1000x128xi1>, vector<1000x128xf32>
    %get3A_27 = arith.constant 0 : index
    %get3A_28 = arith.constant 0 : index
    %get3A_29 = vector.load %arg4[%get3A_27, %get3A_28] : memref<128x256xf32, #tpu.memory_space<vmem>>, vector<128x256xf32>
    %dot_general3A = arith.constant dense<0.000000e+00> : vector<1000x256xf32>
    %dot_general3A_30 = tpu.matmul %select_n3A, %get3A_29, %dot_general3A {dimension_numbers = #tpu.dot_dimension_numbers<[1], [0], [0], [1], [0, 0, 1, 1], [], []>, transpose_lhs_hint = false} : vector<1000x128xf32>, vector<128x256xf32>, vector<1000x256xf32> -> vector<1000x256xf32>
    %get3A_31 = arith.constant 0 : index
    %get3A_32 = arith.constant 0 : index
    %get3A_33 = vector.load %arg5[%get3A_31, %get3A_32] : memref<256x128xf32, #tpu.memory_space<vmem>>, vector<256x128xf32>
    %dot_general3A_34 = arith.constant dense<0.000000e+00> : vector<1000x128xf32>
    %dot_general3A_35 = tpu.matmul %dot_general3A_30, %get3A_33, %dot_general3A_34 {dimension_numbers = #tpu.dot_dimension_numbers<[1], [0], [0], [1], [0, 0, 1, 1], [], []>, transpose_lhs_hint = false} : vector<1000x256xf32>, vector<256x128xf32>, vector<1000x128xf32> -> vector<1000x128xf32>
    %get3A_36 = arith.constant 0 : index
    %get3A_37 = arith.constant 0 : index
    %get3A_38 = vector.load %arg6[%get3A_36, %get3A_37] : memref<1x128xf32, #tpu.memory_space<vmem>>, vector<1x128xf32>
    %add3A_39 = vector.broadcast %get3A_38 : vector<1x128xf32> to vector<1000x128xf32>
    %add3A_40 = arith.addf %dot_general3A_35, %add3A_39 : vector<1000x128xf32>
    %get3A_41 = arith.constant 0 : index
    %get3A_42 = arith.constant 0 : index
    %get3A_43 = vector.load %arg3[%get3A_41, %get3A_42] : memref<1000x128xf32, #tpu.memory_space<vmem>>, vector<1000x128xf32>
    %add3A_44 = arith.addf %add3A_40, %get3A_43 : vector<1000x128xf32>
    %swap3A = arith.constant 0 : index
    %swap3A_45 = arith.constant 0 : index
    %swap3A_46 = vector.load %arg7[%swap3A, %swap3A_45] : memref<1000x128xf32, #tpu.memory_space<vmem>>, vector<1000x128xf32>
    tpu.vector_store %arg7[%swap3A, %swap3A_45], %add3A_44 {strides = array<i32>} : memref<1000x128xf32, #tpu.memory_space<vmem>>, vector<1000x128xf32>,
    return
  }
  func.func @transform_0(%arg0: i32) -> (i32, i32, i32) {
    %c0_i32 = arith.constant 0 : i32
    %c0_i32_0 = arith.constant 0 : i32
    %c0_i32_1 = arith.constant 0 : i32
    return %c0_i32, %arg0, %c0_i32_0 : i32, i32, i32
  }
  func.func @transform_1(%arg0: i32) -> (i32, i32, i32) {
    %c0_i32 = arith.constant 0 : i32
    %c0_i32_0 = arith.constant 0 : i32
    %c0_i32_1 = arith.constant 0 : i32
    return %c0_i32, %arg0, %c0_i32_0 : i32, i32, i32
  }
  func.func @transform_2(%arg0: i32) -> (i32, i32) {
    %c0_i32 = arith.constant 0 : i32
    %c0_i32_0 = arith.constant 0 : i32
    return %arg0, %c0_i32 : i32, i32
  }
  func.func @transform_3(%arg0: i32) -> (i32, i32) {
    %c0_i32 = arith.constant 0 : i32
    %c0_i32_0 = arith.constant 0 : i32
    %c0_i32_1 = arith.constant 0 : i32
    return %c0_i32, %c0_i32_0 : i32, i32
  }
  func.func @transform_4(%arg0: i32) -> (i32, i32) {
    %c0_i32 = arith.constant 0 : i32
    %c0_i32_0 = arith.constant 0 : i32
    %c0_i32_1 = arith.constant 0 : i32
    return %c0_i32, %c0_i32_0 : i32, i32
  }
  func.func @transform_5(%arg0: i32) -> (i32, i32) {
    %c0_i32 = arith.constant 0 : i32
    %c0_i32_0 = arith.constant 0 : i32
    %c0_i32_1 = arith.constant 0 : i32
    return %c0_i32, %c0_i32_0 : i32, i32
  }
  func.func @transform_6(%arg0: i32) -> (i32, i32) {
    %c0_i32 = arith.constant 0 : i32
    %c0_i32_0 = arith.constant 0 : i32
    return %arg0, %c0_i32 : i32, i32
  }
}

</mosaic_0001>

<sc_bundles>
// kernel: kernel.11.cloned.1.call-start
scs
__scs_entry_jumppad:
0x0: {  	(pc) =	sbr.rel $0x88, $3  }
0x1: {  	(tag) =	ssettag $0x0;
	lr =	simm.s32 $0x1  }
0x2: {  	[smem:$0x3F7A] =	sst lr;
	_ =	strace $0xD0000000  }
0x3: {  	_ = 	snop  }
0x4: {  	_ = 	snop  }
0x5: {  	_ = 	snop  }
0x6: {  	_ = 	snop  }
0x7: {  	_ = 	snop  }
__scs_overlays_trampoline_lowered:
0x8: {  	[smem:$0x3F89] =	sst s0  }
0x9: {  	[smem:$0x3F8A] =	sst s1  }
0xa: {  	[smem:$0x3F8B] =	sst s2  }
0xb: {  	[smem:$0x3F8C] =	sst s3  }
0xc: {  	[smem:$0x3F8D] =	sst s4  }
0xd: {  	[smem:$0x3F8E] =	sst s5  }
0xe: {  	[smem:$0x3F8F] =	sst s6  }
0xf: {  	[smem:$0x3F90] =	sst s7  }
0x10: {  	[smem:$0x3F91] =	sst s8  }
0x11: {  	[smem:$0x3F92] =	sst s9;
	s0 =	simm.s32 @!p0 $0x0  }
0x12: {  	s1 =	sld [smem:$0x3F78];
	s0 =	simm.s32 @p0 $0x1  }
0x13: {  	[smem:$0x3F93] =	sst s0;
	s0 =	simm.s32 @!p1 $0x0  }
0x14: {  	s2 =	sld [smem:$0x3F77];
	s0 =	simm.s32 @p1 $0x1  }
0x15: {  	[smem:$0x3F94] =	sst s0;
	s0 =	simm.s32 @!p2 $0x0  }
0x16: {  	s3 =	sld [smem:$0x3FDB];
	s0 =	simm.s32 @p2 $0x1  }
0x17: {  	s4 =	simm.s32 $0x1BF5;
	[smem:$0x3F96] =	sst s0  }
0x18: {  	s0 =	sld [smem:$0x3F79];
	_ =	swait.ge [sflag:s4], $0x0  }
0x19: {  	s7 =	sld [smem:$0x3F7A]  }
0x1a: {  	s8 =	sadd.s32 $0xFFFFE003, lr  }
0x1b: {  	s9 =	sadd.s32 $0xFFFFFEF7, lr;
	s5 =	simm.s32 $0xFFFFFFFF;
	p2 =	slt.u32 s8, $0xFFFFF086  }
0x1c: {  	p1 =	slt.u32 s9, $0xF7A;
	s5 =	simm.s32 @!p2 $0x0  }
0x1d: {  	s5 =	simm.s32 @p1 $0x1;
	p0 =	seq.s32 s7, s2  }
0x1e: {  	s7 =	smul.u32 @!p0 $0xF7A, s2;
	p2 =	seq.s32 @!p0 s5, $0x0  }
0x1f: {  	s9 =	smul.u32 $0xF7A, s1;
	s8 =	simm.s32 @!p0 $0x1BF5;
	p2 =	por !p2, p0  }
0x20: {  	[sflag:s8] =	ssyncset.s32 @!p0 $0xFFFFF086;
	s6 =	sadd.s32 @!p0 s3, s7;
	s7 =	simm.s32 @!p0 $0x108  }
0x21: {  	s3 =	sadd.s32 s3, s9;
	s6 =	sadd.s32 @!p0 $0x88, s6;
	s7 =	simm.s32 @p2 $0x1082  }
0x22: {  	[simem:s7], [sflag:s8] =	dma.local @!p0 [hbm:s6], $0xF7A  }
0x23: {  	s9 =	sor.u32 $0xD0000000, s2;
	s6 =	simm.s32 $0x108;
	_ =	swait.ge @!p0 [sflag:s8], $0x0  }
0x24: {  	s3 =	sadd.s32 $0x88, s3;
	s6 =	simm.s32 @!p1 $0x1082;
	[sflag:s4] =	ssyncset.s32 $0xFFFFF086  }
0x25: {  	[simem:s6], [sflag:s4] =	dma.local [hbm:s3], $0xF7A  }
0x26: {  	[smem:$0x3F7A] =	sst s1;
	(tag) =	ssettag s2;
	_ =	strace s9  }
0x27: {  	s1 =	sld [smem:$0x3F8A]  }
0x28: {  	s2 =	sld [smem:$0x3F8B]  }
0x29: {  	s4 =	sld [smem:$0x3F8D]  }
0x2a: {  	p0 =	seq.s32 s5, $0x0;
	s5 =	sld [smem:$0x3F8E]  }
0x2b: {  	s6 =	sld [smem:$0x3F8F]  }
0x2c: {  	s7 =	sld [smem:$0x3F90]  }
0x2d: {  	s3 =	simm.s32 $0x108;
	s8 =	sld [smem:$0x3F91]  }
0x2e: {  	s3 =	simm.s32 @!p0 $0x1082;
	s9 =	sld [smem:$0x3F92]  }
0x2f: {  	lr =	sadd.s32 s0, s3;
	s0 =	sld [smem:$0x3F89]  }
0x30: {  	s3 =	sld [smem:$0x3F8C]  }
0x31: {  	[smem:$0x3F95] =	sst s10  }
0x32: {  	s10 =	sld [smem:$0x3F93];
	_ =	sdelay $0x3  }
0x33: {  	p0 =	seq.s32 s10, $0x1;
	s10 =	sld [smem:$0x3F95];
	_ =	sdelay $0x3  }
0x34: {  	[smem:$0x3F95] =	sst s10  }
0x35: {  	s10 =	sld [smem:$0x3F94];
	_ =	sdelay $0x3  }
0x36: {  	p1 =	seq.s32 s10, $0x1;
	s10 =	sld [smem:$0x3F95];
	_ =	sdelay $0x3  }
0x37: {  	[smem:$0x3F95] =	sst s10  }
0x38: {  	s10 =	sld [smem:$0x3F96]  }
0x39: {  	_ = 	snop;
	(pc) =	sbr.ind lr, $3  }
0x3a: {  	_ = 	snop  }
0x3b: {  	_ = 	snop  }
0x3c: {  	p2 =	seq.s32 s10, $0x1;
	s10 =	sld [smem:$0x3F95]  }
0x3d: {  	_ =	shalt  }
0x3e: {  	_ =	shalt  }
0x3f: {  	_ =	shalt  }
0x40: {  	_ =	shalt  }
0x41: {  	_ =	shalt  }
0x42: {  	_ =	shalt  }
0x43: {  	_ =	shalt  }
0x44: {  	_ =	shalt  }
0x45: {  	_ =	shalt  }
0x46: {  	_ =	shalt  }
0x47: {  	_ =	shalt  }
0x48: {  	_ =	shalt  }
0x49: {  	_ =	shalt  }
0x4a: {  	_ =	shalt  }
0x4b: {  	_ =	shalt  }
0x4c: {  	_ =	shalt  }
0x4d: {  	_ =	shalt  }
0x4e: {  	_ =	shalt  }
0x4f: {  	_ =	shalt  }
0x50: {  	_ =	shalt  }
0x51: {  	_ =	shalt  }
0x52: {  	_ =	shalt  }
0x53: {  	_ =	shalt  }
0x54: {  	_ =	shalt  }
0x55: {  	_ =	shalt  }
0x56: {  	_ =	shalt  }
0x57: {  	_ =	shalt  }
0x58: {  	_ =	shalt  }
0x59: {  	_ =	shalt  }
0x5a: {  	_ =	shalt  }
0x5b: {  	_ =	shalt  }
0x5c: {  	_ =	shalt  }
0x5d: {  	_ =	shalt  }
0x5e: {  	_ =	shalt  }
0x5f: {  	_ =	shalt  }
0x60: {  	_ =	shalt  }
0x61: {  	_ =	shalt  }
0x62: {  	_ =	shalt  }
0x63: {  	_ =	shalt  }
0x64: {  	_ =	shalt  }
0x65: {  	_ =	shalt  }
0x66: {  	_ =	shalt  }
0x67: {  	_ =	shalt  }
0x68: {  	_ =	shalt  }
0x69: {  	_ =	shalt  }
0x6a: {  	_ =	shalt  }
0x6b: {  	_ =	shalt  }
0x6c: {  	_ =	shalt  }
0x6d: {  	_ =	shalt  }
0x6e: {  	_ =	shalt  }
0x6f: {  	_ =	shalt  }
0x70: {  	_ =	shalt  }
0x71: {  	_ =	shalt  }
0x72: {  	_ =	shalt  }
0x73: {  	_ =	shalt  }
0x74: {  	_ =	shalt  }
0x75: {  	_ =	shalt  }
0x76: {  	_ =	shalt  }
0x77: {  	_ =	shalt  }
0x78: {  	_ =	shalt  }
0x79: {  	_ =	shalt  }
0x7a: {  	_ =	shalt  }
0x7b: {  	_ =	shalt  }
0x7c: {  	_ =	shalt  }
0x7d: {  	_ =	shalt  }
0x7e: {  	_ =	shalt  }
0x7f: {  	_ =	shalt  }
0x80: {  	_ =	shalt  }
0x81: {  	_ =	shalt  }
0x82: {  	_ =	shalt  }
0x83: {  	_ =	shalt  }
0x84: {  	_ =	shalt  }
0x85: {  	_ =	shalt  }
0x86: {  	_ =	shalt  }
0x87: {  	_ =	shalt  }
.Lfunc_end0:
.L_simem_size_0:
called_computation.1_lowered:
.L_overlay_start_0:
0x88: {  	s2 =	sld [smem:$0x3FD9]  }
0x89: {  	s3 =	sld [smem:$0x3FFE];
	_ =	sdelay $0x1  }
0x8a: {  	s1 =	srdreg.scid  }
0x8b: {  	s0 =	sand.u32 $0x1, s1  }
0x8c: {  	s15 =	sshll.u32 s0, $0xA;
	s2 =	sadd.s32 s3, s2  }
0x8d: {  	s2 =	sadd.s32 s2, s15  }
0x8e: {  	[smem:$0x3FA1] =	sst s2  }
0x8f: {  	_ = 	snop  }
0x90: {  	s2 =	sld [smem:$0x3FD0];
	_ =	sdelay $0x2  }
0x91: {  	s16 =	simm.s32 $0xB;
	s4 =	simm.s32 $0x10  }
0x92: {  	[smem:s4], [sflag:s16] =	dma.local [hbm:s2], $0x1  }
0x93: {  	_ =	swait.eq [sflag:s16], $0x1  }
0x94: {  	[sflag:s16] =	ssyncset.done $0x0  }
0x95: {  	[sflag:s16] =	ssyncadd.s32 $0xFFFFFFFF  }
0x96: {  	s17 =	sld [smem:$0x12];
	(tm) =	ssettm $0x1  }
0x97: {  	s18 =	sld [smem:$0x3FFB];
	_ =	sdelay $0x3  }
0x98: {  	_ =	strace s18  }
0x99: {  	s2 =	sld [smem:$0x3FFC];
	_ =	sdelay $0x3  }
0x9a: {  	_ =	strace s2  }
0x9b: {  	s2 =	sld [smem:$0x3FFD];
	_ =	sdelay $0x3  }
0x9c: {  	_ =	strace s2  }
0x9d: {  	_ =	strace $0x8FFFFFFF  }
0x9e: {  	s19 =	sld [smem:$0x3FDB];
	_ =	sdelay $0x1  }
0x9f: {  	s20 =	simm.s32 $_scs_section_size  }
0xa0: {  	s5 =	simm.s32 $_size__tile_overlayer_lowered;
	s6 =	simm.s32 $_tile_overlayer_lowered  }
0xa1: {  	s7 =	simm.s32 $0x1BFF;
	s21 =	sshll.u32 s6, $0x1;
	s4 =	sadd.s32 s20, s19  }
0xa2: {  	s22 =	simm.s32 $0x0;
	s5 =	sshll.u32 s5, $0x1;
	s6 =	sadd.s32 s21, s4  }
0xa3: {  	[timem:s22], [sflag:s7] =	dma.local [hbm:s6], s5  }
0xa4: {  	_ =	swait.ge [sflag:s7], s5  }
0xa5: {  	s5 =	ssub.s32 $0x0, s5;
	[sflag:s7] =	ssyncset.done $0x0  }
0xa6: {  	[sflag:s7] =	ssyncadd.s32 s5;
	_ =	sdelay $0x1  }
0xa7: {  	s23 =	simm.s32 $0x1B8B  }
0xa8: {  	_ =	swait.ge [sflag:s23], $0x1  }
0xa9: {  	[sflag:s23] =	ssyncset.done $0x0  }
0xaa: {  	[sflag:s23] =	ssyncadd.s32 $0xFFFFFFFF  }
0xab: {  	s5 =	sld [smem:$0x0]  }
0xac: {  	s6 =	sand.u32 $0xFFFFFFFE, s1  }
0xad: {  	p0 =	sne.s32 s1, s6  }
0xae: {  	s6 =	sshll.u32 @p0 s6, $0xE  }
0xaf: {  	s6 =	sadd.s32 @p0 $0x11B8D, s6;
	s7 =	sshll.u32 @p0 s5, $0x11  }
0xb0: {  	s6 =	sor.u32 @p0 s7, s6  }
0xb1: {  	[sflag:s6] =	ssyncadd.remote.s32 @p0 $0x1;
	_ =	sdelay $0x1  }
0xb2: {  	s6 =	simm.s32 @p0 $0x1B8D  }
0xb3: {  	_ =	swait.eq @p0 [sflag:s6], $0x1  }
0xb4: {  	[sflag:s6] =	ssyncadd.s32 @p0 $0xFFFFFFFF  }
0xb5: {  	s7 =	sshll.u32 @!p0 s1, $0xE  }
0xb6: {  	s7 =	sor.u32 @!p0 $0x4000, s7;
	s6 =	simm.s32 @!p0 $0x1B8D  }
0xb7: {  	s5 =	sshll.u32 @!p0 s5, $0x11;
	s7 =	sadd.s32 @!p0 $0x11B8D, s7;
	_ =	swait.eq @!p0 [sflag:s6], $0x1  }
0xb8: {  	s5 =	sor.u32 @!p0 s5, s7;
	[sflag:s6] =	ssyncadd.s32 @!p0 $0xFFFFFFFF  }
0xb9: {  	s25 =	simm.s32 $0x1B8E;
	s24 =	sld [smem:$0x3FFE];
	[sflag:s5] =	ssyncadd.remote.s32 @!p0 $0x1  }
0xba: {  	s26 =	simm.s32 $execute0_lowered;
	[smem:$0x3FD2] =	sst s25  }
0xbb: {  	s6 =	sshll.u32 s26, $0x1;
	_ =	strace $0x80000049;
	[dreg:$0x1] =	wrdreg $0xFFFFFFFF  }
0xbc: {  	s28 =	simm.s32 $_size_execute0_lowered;
	s4 =	sadd.s32 s4, s6;
	[dreg:$0x0] =	wrdreg $0x0  }
0xbd: {  	s6 =	sshll.u32 s28, $0x1;
	[dreg:$0x2] =	wrdreg s4  }
0xbe: {  	[dreg:$0x3] =	wrdreg s6  }
0xbf: {  	[dreg:$0x4] =	wrdreg $0xC0  }
0xc0: {  	_ =	task [dreg:s22], $0x5FFFF  }
0xc1: {  	[dreg:$0x1] =	wrdreg $0xFFFFFFFF  }
0xc2: {  	[dreg:$0x0] =	wrdreg $0x60  }
0xc3: {  	[dreg:$0x2] =	wrdreg s24  }
0xc4: {  	[dreg:$0x3] =	wrdreg s17  }
0xc5: {  	[dreg:$0x4] =	wrdreg $0x44000  }
0xc6: {  	[dreg:$0x5] =	wrdreg $0xA  }
0xc7: {  	_ =	task.clear_ibuf [dreg:s22], $0x6FFFF;
	_ =	strace $0x90000049  }
0xc8: {  	s29 =	simm.s32 $0xA;
	_ =	strace $0x8000004B  }
0xc9: {  	_ =	swait.ge [sflag:s29], $0x1  }
0xca: {  	[sflag:s29] =	ssyncadd.s32 $0xFFFFFFFF  }
0xcb: {  	_ =	strace $0x9000004B  }
0xcc: {  	_ =	sfence  }
0xcd: {  	s30 =	sld [smem:$0x0];
	_ =	sdelay $0x2  }
0xce: {  	s31 =	sshll.u32 s1, $0xD;
	s1 =	sshrl.u32 s1, $0x2  }
0xcf: {  	s4 =	sand.u32 $0x4000, s31;
	s1 =	sadd.s32 s1, s30  }
0xd0: {  	s0 =	sor.u32 s4, s0;
	s1 =	sshll.u32 s1, $0x11  }
0xd1: {  	s0 =	sor.u32 s1, s0  }
0xd2: {  	s0 =	sadd.s32 $0x8F2B, s0  }
0xd3: {  	[sflag:s0] =	ssyncadd.remote.s32 $0x1  }
0xd4: {  	_ =	sfence.sel $0xFFFF  }
0xd5: {  	[dreg:$0x0] =	wrdreg $0xFFFFFFFF;
	(pc) =	sbr.abs _section_cstart, $3  }
0xd6: {  	[dreg:$0x1] =	wrdreg $0xFFFFFFFF  }
0xd7: {  	_ =	task.clear_ibuf [dreg:s22], $0x2FFFF;
	_ =	strace $0x9FFFFFFF  }
0xd8: {  	(tm) =	ssettm $0x7FFFFFFF  }
0xd9: {  	_ =	shalt  }
tec
execute0_lowered:
.L_overlay_start_1:
0x0: {  	(tag) =	ssettag $0x1  }
0x1: {  	s5 =	rddreg [dreg:$0x0]  }
0x2: {  	s2 =	rddreg [dreg:$0x1]  }
0x3: {  	s0 =	srdreg.scid;
	s3 =	rddreg [dreg:$0x2]  }
0x4: {  	s1 =	rddreg [dreg:$0x3];
	s4 =	simm.s32 $0x0;
	s13 =	simm.s32 $0x80  }
0x5: {  	s14 =	simm.s32 $0x100;
	s15 =	simm.s32 $0x180;
	s6 =	sand.u32 $0x1, s0  }
0x6: {  	s16 =	simm.s32 $0x200;
	s0 =	stileid.u32;
	s7 =	smul.u32 $0x28000, s6  }
0x7: {  	s17 =	simm.s32 $0x280;
	s18 =	simm.s32 $0x300;
	s8 =	smul.u32 $0x2800, s0  }
0x8: {  	s19 =	simm.s32 $0x380;
	[smem:$0x7FF] =	sst s4;
	s26 =	smul.u32 $0x2780, s0  }
0x9: {  	s20 =	simm.s32 $0x0;
	_ =	strace $0x8000004A;
	s9 =	smul.u32 $0x27800, s6  }
0xa: {  	s6 =	ssub.s32 $0x2, s6;
	s28 =	smul.u32 $0x4F000, s0;
	s31 =	sshll.u32 s0, $0x6  }
0xb: {  	s29 =	sshrl.u32 s6, $0x1;
	s7 =	sadd.s32 s8, s7;
	s11 =	sadd.s32 s26, s5  }
0xc: {  	s8 =	sadd.s32 s26, s9;
	s9 =	ssub.s32 s6, s29;
	s30 =	sshrl.u32 s28, $0x2  }
0xd: {  	s6 =	sor.u32 $0x1C01, s31;
	s7 =	sshrl.u32 s7, $0x3;
	s8 =	sadd.s32 s8, s5  }
0xe: {  	s12 =	sadd.s32 s30, s3;
	s10 =	sadd.s32 s7, s5;
	s5 =	sadd.s32 $0x10E00, s11  }
0xf: {  	s7 =	sadd.s32 $0x87600, s8;
	s8 =	smax.u32 s9, $0x1;
	s11 =	simm.s32 $0x1  }
0x10: {  	s9 =	sadd.s32 $0x6E00, s10;
	s10 =	sshrl.u32 s12, $0x3;
	s12 =	simm.s32 $0x400  }
.LBB2_1:
0x11: {  	[spmem:s10], [sflag:s6] =	dma.local [hbm:s5], $0x2780  }
0x12: {  	_ =	swait.ge [sflag:s11], $0x2780  }
0x13: {  	[sflag:s11] =	ssyncset.done $0x0  }
0x14: {  	[sflag:s11] =	ssyncadd.s32 $0xFFFFD880  }
0x15: {  	[tilespmem:s12], [sflag:$0x1] =	stream.linear.gather [hbm4b:s2+s4], $0x4000, $0x38;
	[tilespmem:$0x18000] =	vst v63  }
0x16: {  	_ =	swait.ge [sflag:s11], $0x4000  }
0x17: {  	[sflag:s11] =	ssyncset.done $0x0  }
0x18: {  	[sflag:s11] =	ssyncadd.s32 $0xFFFFC000  }
0x19: {  	s21 =	sadd.s32 $0x0, s9;
	[bflag:$0x0] =	sbarrier.arrive $0xFFFF  }
0x1a: {  	[tilespmem:s4], [sflag:$0x1] =	stream.linear.gather [hbm4b:s21+s4], $0x400, $0x38;
	[tilespmem:$0x18000] =	vst v63  }
0x1b: {  	_ =	swait.ge [sflag:s11], $0x400  }
0x1c: {  	[sflag:s11] =	ssyncset.done $0x0  }
0x1d: {  	[sflag:s11] =	ssyncadd.s32 $0xFFFFFC00  }
0x1e: {  	[spmem:s3] =	stream.indirect.scatter.add.f32 [tilespmem:s12], [sflag:$0x1], $0x80, s4, s13, $0xb8;
	[tilespmem:$0x18000] =	vst v63  }
0x1f: {  	_ =	swait.ge [sflag:s11], $0x4000  }
0x20: {  	[sflag:s11] =	ssyncset.done $0x0  }
0x21: {  	[sflag:s11] =	ssyncadd.s32 $0xFFFFC000  }
0x22: {  	[spmem:s3] =	stream.indirect.scatter.add.f32 [tilespmem:s12], [sflag:$0x1], $0x80, s13, s13, $0xb8;
	[tilespmem:$0x18000] =	vst v63  }
0x23: {  	_ =	swait.ge [sflag:s11], $0x4000  }
0x24: {  	[sflag:s11] =	ssyncset.done $0x0  }
0x25: {  	[sflag:s11] =	ssyncadd.s32 $0xFFFFC000  }
0x26: {  	[spmem:s3] =	stream.indirect.scatter.add.f32 [tilespmem:s12], [sflag:$0x1], $0x80, s14, s13, $0xb8;
	[tilespmem:$0x18000] =	vst v63  }
0x27: {  	_ =	swait.ge [sflag:s11], $0x4000  }
0x28: {  	[sflag:s11] =	ssyncset.done $0x0  }
0x29: {  	[sflag:s11] =	ssyncadd.s32 $0xFFFFC000  }
0x2a: {  	[spmem:s3] =	stream.indirect.scatter.add.f32 [tilespmem:s12], [sflag:$0x1], $0x80, s15, s13, $0xb8;
	[tilespmem:$0x18000] =	vst v63  }
0x2b: {  	_ =	swait.ge [sflag:s11], $0x4000  }
0x2c: {  	[sflag:s11] =	ssyncset.done $0x0  }
0x2d: {  	[sflag:s11] =	ssyncadd.s32 $0xFFFFC000  }
0x2e: {  	[spmem:s3] =	stream.indirect.scatter.add.f32 [tilespmem:s12], [sflag:$0x1], $0x80, s16, s13, $0xb8;
	[tilespmem:$0x18000] =	vst v63  }
0x2f: {  	_ =	swait.ge [sflag:s11], $0x4000  }
0x30: {  	[sflag:s11] =	ssyncset.done $0x0  }
0x31: {  	[sflag:s11] =	ssyncadd.s32 $0xFFFFC000  }
0x32: {  	[spmem:s3] =	stream.indirect.scatter.add.f32 [tilespmem:s12], [sflag:$0x1], $0x80, s17, s13, $0xb8;
	[tilespmem:$0x18000] =	vst v63  }
0x33: {  	_ =	swait.ge [sflag:s11], $0x4000  }
0x34: {  	[sflag:s11] =	ssyncset.done $0x0  }
0x35: {  	[sflag:s11] =	ssyncadd.s32 $0xFFFFC000  }
0x36: {  	[spmem:s3] =	stream.indirect.scatter.add.f32 [tilespmem:s12], [sflag:$0x1], $0x80, s18, s13, $0xb8;
	[tilespmem:$0x18000] =	vst v63  }
0x37: {  	_ =	swait.ge [sflag:s11], $0x4000  }
0x38: {  	[sflag:s11] =	ssyncset.done $0x0  }
0x39: {  	[sflag:s11] =	ssyncadd.s32 $0xFFFFC000  }
0x3a: {  	[spmem:s3] =	stream.indirect.scatter.add.f32 [tilespmem:s12], [sflag:$0x1], $0x80, s19, s13, $0xb8;
	[tilespmem:$0x18000] =	vst v63  }
0x3b: {  	_ =	swait.ge [sflag:s11], $0x4000  }
0x3c: {  	s23 =	simm.s32 $0x100;
	s21 =	simm.s32 $0x80;
	[sflag:s11] =	ssyncset.done $0x0  }
.LBB2_2:
0x3d: {  	s24 =	sadd.s32 s21, s9  }
0x3e: {  	[sflag:s11] =	ssyncadd.s32 $0xFFFFC000;
	s21 =	smov.u32 s23;
	s22 =	sadd.s32 $0x80, s23  }
0x3f: {  	[tilespmem:s4], [sflag:$0x1] =	stream.linear.gather [hbm4b:s24+s4], $0x400, $0x38;
	[tilespmem:$0x18000] =	vst v63  }
0x40: {  	p0 =	sne.s32 s23, $0x480;
	_ =	swait.ge [sflag:s11], $0x400  }
0x41: {  	[sflag:s11] =	ssyncset.done $0x0  }
0x42: {  	[sflag:s11] =	ssyncadd.s32 $0xFFFFFC00  }
0x43: {  	[spmem:s3] =	stream.indirect.scatter.add.f32 [tilespmem:s12], [sflag:$0x1], $0x80, s4, s13, $0xb8;
	[tilespmem:$0x18000] =	vst v63  }
0x44: {  	_ =	swait.ge [sflag:s11], $0x4000  }
0x45: {  	[sflag:s11] =	ssyncset.done $0x0  }
0x46: {  	[sflag:s11] =	ssyncadd.s32 $0xFFFFC000  }
0x47: {  	[spmem:s3] =	stream.indirect.scatter.add.f32 [tilespmem:s12], [sflag:$0x1], $0x80, s13, s13, $0xb8;
	[tilespmem:$0x18000] =	vst v63  }
0x48: {  	_ =	swait.ge [sflag:s11], $0x4000  }
0x49: {  	[sflag:s11] =	ssyncset.done $0x0  }
0x4a: {  	[sflag:s11] =	ssyncadd.s32 $0xFFFFC000  }
0x4b: {  	[spmem:s3] =	stream.indirect.scatter.add.f32 [tilespmem:s12], [sflag:$0x1], $0x80, s14, s13, $0xb8;
	[tilespmem:$0x18000] =	vst v63  }
0x4c: {  	_ =	swait.ge [sflag:s11], $0x4000  }
0x4d: {  	[sflag:s11] =	ssyncset.done $0x0  }
0x4e: {  	[sflag:s11] =	ssyncadd.s32 $0xFFFFC000  }
0x4f: {  	[spmem:s3] =	stream.indirect.scatter.add.f32 [tilespmem:s12], [sflag:$0x1], $0x80, s15, s13, $0xb8;
	[tilespmem:$0x18000] =	vst v63  }
0x50: {  	_ =	swait.ge [sflag:s11], $0x4000  }
0x51: {  	[sflag:s11] =	ssyncset.done $0x0  }
0x52: {  	[sflag:s11] =	ssyncadd.s32 $0xFFFFC000  }
0x53: {  	[spmem:s3] =	stream.indirect.scatter.add.f32 [tilespmem:s12], [sflag:$0x1], $0x80, s16, s13, $0xb8;
	[tilespmem:$0x18000] =	vst v63  }
0x54: {  	_ =	swait.ge [sflag:s11], $0x4000  }
0x55: {  	[sflag:s11] =	ssyncset.done $0x0  }
0x56: {  	[sflag:s11] =	ssyncadd.s32 $0xFFFFC000  }
0x57: {  	[spmem:s3] =	stream.indirect.scatter.add.f32 [tilespmem:s12], [sflag:$0x1], $0x80, s17, s13, $0xb8;
	[tilespmem:$0x18000] =	vst v63  }
0x58: {  	_ =	swait.ge [sflag:s11], $0x4000  }
0x59: {  	[sflag:s11] =	ssyncset.done $0x0  }
0x5a: {  	[sflag:s11] =	ssyncadd.s32 $0xFFFFC000  }
0x5b: {  	[spmem:s3] =	stream.indirect.scatter.add.f32 [tilespmem:s12], [sflag:$0x1], $0x80, s18, s13, $0xb8;
	[tilespmem:$0x18000] =	vst v63  }
0x5c: {  	_ =	swait.ge [sflag:s11], $0x4000  }
.Ltmp0:
0x5d: {  	[sflag:s11] =	ssyncset.done $0x0;
	(pc) =	sbr.rel @p0 .LBB2_2-.Ltmp0, $4  }
0x5e: {  	[sflag:s11] =	ssyncadd.s32 $0xFFFFC000  }
0x5f: {  	[spmem:s3] =	stream.indirect.scatter.add.f32 [tilespmem:s12], [sflag:$0x1], $0x80, s19, s13, $0xb8;
	[tilespmem:$0x18000] =	vst v63  }
0x60: {  	_ =	swait.ge [sflag:s11], $0x4000  }
0x61: {  	s23 =	smov.u32 s22;
	[sflag:s11] =	ssyncset.done $0x0  }
0x62: {  	s21 =	sadd.s32 s21, s9;
	[sflag:s11] =	ssyncadd.s32 $0xFFFFC000  }
0x63: {  	[tilespmem:s4], [sflag:$0x1] =	stream.linear.gather [hbm4b:s21+s4], $0x400, $0x38;
	[tilespmem:$0x18000] =	vst v63  }
0x64: {  	_ =	swait.ge [sflag:s11], $0x400  }
0x65: {  	[sflag:s11] =	ssyncset.done $0x0  }
0x66: {  	[sflag:s11] =	ssyncadd.s32 $0xFFFFFC00  }
0x67: {  	[spmem:s3] =	stream.indirect.scatter.add.f32 [tilespmem:s12], [sflag:$0x1], $0x80, s4, s13, $0xb8;
	[tilespmem:$0x18000] =	vst v63  }
0x68: {  	_ =	swait.ge [sflag:s11], $0x4000  }
0x69: {  	[sflag:s11] =	ssyncset.done $0x0  }
0x6a: {  	[sflag:s11] =	ssyncadd.s32 $0xFFFFC000  }
0x6b: {  	[spmem:s3] =	stream.indirect.scatter.add.f32 [tilespmem:s12], [sflag:$0x1], $0x80, s13, s13, $0xb8;
	[tilespmem:$0x18000] =	vst v63  }
0x6c: {  	_ =	swait.ge [sflag:s11], $0x4000  }
0x6d: {  	[sflag:s11] =	ssyncset.done $0x0  }
0x6e: {  	[sflag:s11] =	ssyncadd.s32 $0xFFFFC000  }
0x6f: {  	[spmem:s3] =	stream.indirect.scatter.add.f32 [tilespmem:s12], [sflag:$0x1], $0x80, s14, s13, $0xb8;
	[tilespmem:$0x18000] =	vst v63  }
0x70: {  	_ =	swait.ge [sflag:s11], $0x4000  }
0x71: {  	[sflag:s11] =	ssyncset.done $0x0  }
0x72: {  	[sflag:s11] =	ssyncadd.s32 $0xFFFFC000  }
0x73: {  	[spmem:s3] =	stream.indirect.scatter.add.f32 [tilespmem:s12], [sflag:$0x1], $0x80, s15, s13, $0xb8;
	[tilespmem:$0x18000] =	vst v63  }
0x74: {  	_ =	swait.ge [sflag:s11], $0x4000  }
0x75: {  	[sflag:s11] =	ssyncset.done $0x0  }
0x76: {  	[sflag:s11] =	ssyncadd.s32 $0xFFFFC000  }
0x77: {  	[spmem:s3] =	stream.indirect.scatter.add.f32 [tilespmem:s12], [sflag:$0x1], $0x80, s16, s13, $0xb8;
	[tilespmem:$0x18000] =	vst v63  }
0x78: {  	_ =	swait.ge [sflag:s11], $0x4000  }
0x79: {  	[sflag:s11] =	ssyncset.done $0x0  }
0x7a: {  	[sflag:s11] =	ssyncadd.s32 $0xFFFFC000  }
0x7b: {  	[spmem:s3] =	stream.indirect.scatter.add.f32 [tilespmem:s12], [sflag:$0x1], $0x80, s17, s13, $0xb8;
	[tilespmem:$0x18000] =	vst v63  }
0x7c: {  	_ =	swait.ge [sflag:s11], $0x4000  }
0x7d: {  	[sflag:s11] =	ssyncset.done $0x0  }
0x7e: {  	[sflag:s11] =	ssyncadd.s32 $0xFFFFC000  }
0x7f: {  	[spmem:s3] =	stream.indirect.scatter.add.f32 [tilespmem:s12], [sflag:$0x1], $0x80, s18, s13, $0xb8;
	[tilespmem:$0x18000] =	vst v63  }
0x80: {  	_ =	swait.ge [sflag:s11], $0x4000  }
0x81: {  	[sflag:s11] =	ssyncset.done $0x0  }
0x82: {  	[sflag:s11] =	ssyncadd.s32 $0xFFFFC000  }
0x83: {  	[spmem:s3] =	stream.indirect.scatter.add.f32 [tilespmem:s12], [sflag:$0x1], $0x80, s19, s13, $0xb8;
	[tilespmem:$0x18000] =	vst v63  }
0x84: {  	_ =	swait.ge [sflag:s11], $0x4000  }
0x85: {  	s20 =	sadd.s32 $0x1, s20;
	[sflag:s11] =	ssyncset.done $0x0  }
0x86: {  	p0 =	sne.s32 s20, s8;
	[sflag:s11] =	ssyncadd.s32 $0xFFFFC000  }
.Ltmp1:
0x87: {  	[bflag:$0x0] =	sbarrier.arrive $0xFFFF;
	(pc) =	sbr.rel @p0 .LBB2_1-.Ltmp1, $4  }
0x88: {  	[hbm:s7], [sflag:s6] =	dma.local [spmem:s10], $0x2780  }
0x89: {  	_ =	swait.ge [sflag:s11], $0x2780  }
0x8a: {  	[sflag:s11] =	ssyncset.done $0x0  }
0x8b: {  	[sflag:s11] =	ssyncadd.s32 $0xFFFFD880  }
0x8c: {  	_ =	sfence.sel $0x180000  }
0x8d: {  	[bflag:$0x0] =	sbarrier.arrive $0xFFFF  }
0x8e: {  	p0 =	sne.s32 s0, $0x0;
	_ =	strace $0x9000004A  }
0x8f: {  	s0 =	sadd.s32 @!p0 $0x100000, s1;
	[bflag:$0x2] =	sbarrier.arrive $0xFFFF  }
0x90: {  	[sflag:s0] =	ssyncadd.tile.s32 @!p0 $0x1;
	_ =	shalt  }
.Lfunc_end2:
_tile_overlayer_lowered:
.L_overlay_start_2:
0x91: {  	(tag) =	ssettag $0x2  }
0x92: {  	s0 =	rddreg [dreg:$0x0];
	s2 =	stileid.u32  }
0x93: {  	s1 =	rddreg [dreg:$0x1];
	p0 =	sne.s32 s2, $0x0  }
0x94: {  	s3 =	rddreg [dreg:$0x2];
	[bflag:$0x3] =	sbarrier.arrive $0xFFFF;
	s2 =	simm.s32 @!p0 $0x1C01  }
0x95: {  	[timem:s3], [sflag:s2] =	dma.local @!p0 [hbm:s0], s1  }
0x96: {  	s0 =	simm.s32 @!p0 $0x1  }
0x97: {  	_ =	swait.ge @!p0 [sflag:s0], s1  }
0x98: {  	s1 =	ssub.s32 @!p0 $0x0, s1;
	[sflag:s0] =	ssyncset.done @!p0 $0x0  }
0x99: {  	[sflag:s0] =	ssyncadd.s32 @!p0 s1  }
0x9a: {  	[bflag:$0x3] =	sbarrier.arrive $0xFFFF  }
0x9b: {  	_ =	shalt  }

// kernel: kernel.16.cloned.1.call-start
scs
__scs_entry_jumppad:
0x0: {  	(pc) =	sbr.rel $0x88, $3  }
0x1: {  	(tag) =	ssettag $0x0;
	lr =	simm.s32 $0x1  }
0x2: {  	[smem:$0x3F7A] =	sst lr;
	_ =	strace $0xD0000000  }
0x3: {  	_ = 	snop  }
0x4: {  	_ = 	snop  }
0x5: {  	_ = 	snop  }
0x6: {  	_ = 	snop  }
0x7: {  	_ = 	snop  }
__scs_overlays_trampoline_lowered:
0x8: {  	[smem:$0x3F89] =	sst s0  }
0x9: {  	[smem:$0x3F8A] =	sst s1  }
0xa: {  	[smem:$0x3F8B] =	sst s2  }
0xb: {  	[smem:$0x3F8C] =	sst s3  }
0xc: {  	[smem:$0x3F8D] =	sst s4  }
0xd: {  	[smem:$0x3F8E] =	sst s5  }
0xe: {  	[smem:$0x3F8F] =	sst s6  }
0xf: {  	[smem:$0x3F90] =	sst s7  }
0x10: {  	[smem:$0x3F91] =	sst s8  }
0x11: {  	[smem:$0x3F92] =	sst s9;
	s0 =	simm.s32 @!p0 $0x0  }
0x12: {  	s1 =	sld [smem:$0x3F78];
	s0 =	simm.s32 @p0 $0x1  }
0x13: {  	[smem:$0x3F93] =	sst s0;
	s0 =	simm.s32 @!p1 $0x0  }
0x14: {  	s2 =	sld [smem:$0x3F77];
	s0 =	simm.s32 @p1 $0x1  }
0x15: {  	[smem:$0x3F94] =	sst s0;
	s0 =	simm.s32 @!p2 $0x0  }
0x16: {  	s3 =	sld [smem:$0x3FDB];
	s0 =	simm.s32 @p2 $0x1  }
0x17: {  	s4 =	simm.s32 $0x1BF5;
	[smem:$0x3F96] =	sst s0  }
0x18: {  	s0 =	sld [smem:$0x3F79];
	_ =	swait.ge [sflag:s4], $0x0  }
0x19: {  	s7 =	sld [smem:$0x3F7A]  }
0x1a: {  	s8 =	sadd.s32 $0xFFFFE003, lr  }
0x1b: {  	s9 =	sadd.s32 $0xFFFFFEF7, lr;
	s5 =	simm.s32 $0xFFFFFFFF;
	p2 =	slt.u32 s8, $0xFFFFF086  }
0x1c: {  	p1 =	slt.u32 s9, $0xF7A;
	s5 =	simm.s32 @!p2 $0x0  }
0x1d: {  	s5 =	simm.s32 @p1 $0x1;
	p0 =	seq.s32 s7, s2  }
0x1e: {  	s7 =	smul.u32 @!p0 $0xF7A, s2;
	p2 =	seq.s32 @!p0 s5, $0x0  }
0x1f: {  	s9 =	smul.u32 $0xF7A, s1;
	s8 =	simm.s32 @!p0 $0x1BF5;
	p2 =	por !p2, p0  }
0x20: {  	[sflag:s8] =	ssyncset.s32 @!p0 $0xFFFFF086;
	s6 =	sadd.s32 @!p0 s3, s7;
	s7 =	simm.s32 @!p0 $0x108  }
0x21: {  	s3 =	sadd.s32 s3, s9;
	s6 =	sadd.s32 @!p0 $0x88, s6;
	s7 =	simm.s32 @p2 $0x1082  }
0x22: {  	[simem:s7], [sflag:s8] =	dma.local @!p0 [hbm:s6], $0xF7A  }
0x23: {  	s9 =	sor.u32 $0xD0000000, s2;
	s6 =	simm.s32 $0x108;
	_ =	swait.ge @!p0 [sflag:s8], $0x0  }
0x24: {  	s3 =	sadd.s32 $0x88, s3;
	s6 =	simm.s32 @!p1 $0x1082;
	[sflag:s4] =	ssyncset.s32 $0xFFFFF086  }
0x25: {  	[simem:s6], [sflag:s4] =	dma.local [hbm:s3], $0xF7A  }
0x26: {  	[smem:$0x3F7A] =	sst s1;
	(tag) =	ssettag s2;
	_ =	strace s9  }
0x27: {  	s1 =	sld [smem:$0x3F8A]  }
0x28: {  	s2 =	sld [smem:$0x3F8B]  }
0x29: {  	s4 =	sld [smem:$0x3F8D]  }
0x2a: {  	p0 =	seq.s32 s5, $0x0;
	s5 =	sld [smem:$0x3F8E]  }
0x2b: {  	s6 =	sld [smem:$0x3F8F]  }
0x2c: {  	s7 =	sld [smem:$0x3F90]  }
0x2d: {  	s3 =	simm.s32 $0x108;
	s8 =	sld [smem:$0x3F91]  }
0x2e: {  	s3 =	simm.s32 @!p0 $0x1082;
	s9 =	sld [smem:$0x3F92]  }
0x2f: {  	lr =	sadd.s32 s0, s3;
	s0 =	sld [smem:$0x3F89]  }
0x30: {  	s3 =	sld [smem:$0x3F8C]  }
0x31: {  	[smem:$0x3F95] =	sst s10  }
0x32: {  	s10 =	sld [smem:$0x3F93];
	_ =	sdelay $0x3  }
0x33: {  	p0 =	seq.s32 s10, $0x1;
	s10 =	sld [smem:$0x3F95];
	_ =	sdelay $0x3  }
0x34: {  	[smem:$0x3F95] =	sst s10  }
0x35: {  	s10 =	sld [smem:$0x3F94];
	_ =	sdelay $0x3  }
0x36: {  	p1 =	seq.s32 s10, $0x1;
	s10 =	sld [smem:$0x3F95];
	_ =	sdelay $0x3  }
0x37: {  	[smem:$0x3F95] =	sst s10  }
0x38: {  	s10 =	sld [smem:$0x3F96]  }
0x39: {  	_ = 	snop;
	(pc) =	sbr.ind lr, $3  }
0x3a: {  	_ = 	snop  }
0x3b: {  	_ = 	snop  }
0x3c: {  	p2 =	seq.s32 s10, $0x1;
	s10 =	sld [smem:$0x3F95]  }
0x3d: {  	_ =	shalt  }
0x3e: {  	_ =	shalt  }
0x3f: {  	_ =	shalt  }
0x40: {  	_ =	shalt  }
0x41: {  	_ =	shalt  }
0x42: {  	_ =	shalt  }
0x43: {  	_ =	shalt  }
0x44: {  	_ =	shalt  }
0x45: {  	_ =	shalt  }
0x46: {  	_ =	shalt  }
0x47: {  	_ =	shalt  }
0x48: {  	_ =	shalt  }
0x49: {  	_ =	shalt  }
0x4a: {  	_ =	shalt  }
0x4b: {  	_ =	shalt  }
0x4c: {  	_ =	shalt  }
0x4d: {  	_ =	shalt  }
0x4e: {  	_ =	shalt  }
0x4f: {  	_ =	shalt  }
0x50: {  	_ =	shalt  }
0x51: {  	_ =	shalt  }
0x52: {  	_ =	shalt  }
0x53: {  	_ =	shalt  }
0x54: {  	_ =	shalt  }
0x55: {  	_ =	shalt  }
0x56: {  	_ =	shalt  }
0x57: {  	_ =	shalt  }
0x58: {  	_ =	shalt  }
0x59: {  	_ =	shalt  }
0x5a: {  	_ =	shalt  }
0x5b: {  	_ =	shalt  }
0x5c: {  	_ =	shalt  }
0x5d: {  	_ =	shalt  }
0x5e: {  	_ =	shalt  }
0x5f: {  	_ =	shalt  }
0x60: {  	_ =	shalt  }
0x61: {  	_ =	shalt  }
0x62: {  	_ =	shalt  }
0x63: {  	_ =	shalt  }
0x64: {  	_ =	shalt  }
0x65: {  	_ =	shalt  }
0x66: {  	_ =	shalt  }
0x67: {  	_ =	shalt  }
0x68: {  	_ =	shalt  }
0x69: {  	_ =	shalt  }
0x6a: {  	_ =	shalt  }
0x6b: {  	_ =	shalt  }
0x6c: {  	_ =	shalt  }
0x6d: {  	_ =	shalt  }
0x6e: {  	_ =	shalt  }
0x6f: {  	_ =	shalt  }
0x70: {  	_ =	shalt  }
0x71: {  	_ =	shalt  }
0x72: {  	_ =	shalt  }
0x73: {  	_ =	shalt  }
0x74: {  	_ =	shalt  }
0x75: {  	_ =	shalt  }
0x76: {  	_ =	shalt  }
0x77: {  	_ =	shalt  }
0x78: {  	_ =	shalt  }
0x79: {  	_ =	shalt  }
0x7a: {  	_ =	shalt  }
0x7b: {  	_ =	shalt  }
0x7c: {  	_ =	shalt  }
0x7d: {  	_ =	shalt  }
0x7e: {  	_ =	shalt  }
0x7f: {  	_ =	shalt  }
0x80: {  	_ =	shalt  }
0x81: {  	_ =	shalt  }
0x82: {  	_ =	shalt  }
0x83: {  	_ =	shalt  }
0x84: {  	_ =	shalt  }
0x85: {  	_ =	shalt  }
0x86: {  	_ =	shalt  }
0x87: {  	_ =	shalt  }
.Lfunc_end0:
.L_simem_size_0:
called_computation.2_lowered:
.L_overlay_start_0:
0x88: {  	s2 =	sld [smem:$0x3FD9]  }
0x89: {  	s3 =	sld [smem:$0x3FFE];
	_ =	sdelay $0x1  }
0x8a: {  	s1 =	srdreg.scid  }
0x8b: {  	s0 =	sand.u32 $0x1, s1  }
0x8c: {  	s14 =	sshll.u32 s0, $0xA;
	s2 =	sadd.s32 s3, s2  }
0x8d: {  	s2 =	sadd.s32 s2, s14  }
0x8e: {  	[smem:$0x3FA1] =	sst s2  }
0x8f: {  	_ = 	snop  }
0x90: {  	s2 =	sld [smem:$0x3FD0];
	_ =	sdelay $0x2  }
0x91: {  	s15 =	simm.s32 $0xB;
	s4 =	simm.s32 $0x10  }
0x92: {  	[smem:s4], [sflag:s15] =	dma.local [hbm:s2], $0x1  }
0x93: {  	_ =	swait.eq [sflag:s15], $0x1  }
0x94: {  	[sflag:s15] =	ssyncset.done $0x0  }
0x95: {  	s16 =	sld [smem:$0x10];
	[sflag:s15] =	ssyncadd.s32 $0xFFFFFFFF  }
0x96: {  	s17 =	sld [smem:$0x14];
	(tm) =	ssettm $0x1  }
0x97: {  	s18 =	sld [smem:$0x3FFB];
	_ =	sdelay $0x3  }
0x98: {  	_ =	strace s18  }
0x99: {  	s4 =	sld [smem:$0x3FFC];
	_ =	sdelay $0x3  }
0x9a: {  	_ =	strace s4  }
0x9b: {  	s4 =	sld [smem:$0x3FFD];
	_ =	sdelay $0x3  }
0x9c: {  	_ =	strace s4  }
0x9d: {  	_ =	strace $0x8FFFFFFF  }
0x9e: {  	s19 =	sld [smem:$0x3FDB];
	_ =	sdelay $0x1  }
0x9f: {  	s5 =	simm.s32 $_scs_section_size  }
0xa0: {  	s6 =	simm.s32 $_size__tile_overlayer_lowered;
	s7 =	simm.s32 $_tile_overlayer_lowered  }
0xa1: {  	s22 =	simm.s32 $0x1BFF;
	s21 =	sshll.u32 s7, $0x1;
	s4 =	sadd.s32 s5, s19  }
0xa2: {  	s8 =	simm.s32 $0x0;
	s20 =	sshll.u32 s6, $0x1;
	s6 =	sadd.s32 s21, s4  }
0xa3: {  	[timem:s8], [sflag:s22] =	dma.local [hbm:s6], s20  }
0xa4: {  	_ =	swait.ge [sflag:s22], s20  }
0xa5: {  	s5 =	ssub.s32 $0x0, s20;
	[sflag:s22] =	ssyncset.done $0x0  }
0xa6: {  	[sflag:s22] =	ssyncadd.s32 s5;
	_ =	sdelay $0x1  }
0xa7: {  	s23 =	simm.s32 $0x1B8B  }
0xa8: {  	_ =	swait.ge [sflag:s23], $0x1  }
0xa9: {  	[sflag:s23] =	ssyncset.done $0x0  }
0xaa: {  	s25 =	simm.s32 $0x1B8E;
	s24 =	sld [smem:$0x3FFE];
	[sflag:s23] =	ssyncadd.s32 $0xFFFFFFFF  }
0xab: {  	s26 =	simm.s32 $execute0_lowered;
	[smem:$0x3FD2] =	sst s25  }
0xac: {  	s6 =	sshll.u32 s26, $0x1;
	_ =	strace $0x8000004C;
	[dreg:$0x1] =	wrdreg $0xFFFFFFFF  }
0xad: {  	s28 =	simm.s32 $_size_execute0_lowered;
	s4 =	sadd.s32 s4, s6;
	[dreg:$0x0] =	wrdreg $0x0  }
0xae: {  	s6 =	sshll.u32 s28, $0x1;
	[dreg:$0x2] =	wrdreg s4  }
0xaf: {  	[dreg:$0x3] =	wrdreg s6  }
0xb0: {  	[dreg:$0x4] =	wrdreg $0xC0  }
0xb1: {  	_ =	task [dreg:s8], $0x5FFFF  }
0xb2: {  	[dreg:$0x1] =	wrdreg $0xFFFFFFFF  }
0xb3: {  	[dreg:$0x0] =	wrdreg $0x60  }
0xb4: {  	[dreg:$0x2] =	wrdreg s17  }
0xb5: {  	[dreg:$0x3] =	wrdreg s16  }
0xb6: {  	[dreg:$0x4] =	wrdreg s24  }
0xb7: {  	[dreg:$0x5] =	wrdreg $0x88000  }
0xb8: {  	[dreg:$0x6] =	wrdreg $0x9  }
0xb9: {  	_ =	task.clear_ibuf [dreg:s8], $0x7FFFF;
	_ =	strace $0x9000004C  }
0xba: {  	s29 =	simm.s32 $0x9;
	_ =	strace $0x8000004E  }
0xbb: {  	_ =	swait.ge [sflag:s29], $0x1  }
0xbc: {  	[sflag:s29] =	ssyncadd.s32 $0xFFFFFFFF  }
0xbd: {  	_ =	strace $0x9000004E  }
0xbe: {  	_ =	sfence  }
0xbf: {  	s30 =	sld [smem:$0x0];
	_ =	sdelay $0x2  }
0xc0: {  	s31 =	sshll.u32 s1, $0xD;
	s1 =	sshrl.u32 s1, $0x2  }
0xc1: {  	s3 =	sand.u32 $0x4000, s31;
	s1 =	sadd.s32 s1, s30  }
0xc2: {  	s0 =	sor.u32 s3, s0;
	s1 =	sshll.u32 s1, $0x11  }
0xc3: {  	s0 =	sor.u32 s1, s0  }
0xc4: {  	s0 =	sadd.s32 $0x8F2B, s0  }
0xc5: {  	[sflag:s0] =	ssyncadd.remote.s32 $0x1  }
0xc6: {  	_ =	sfence.sel $0xFFFF  }
0xc7: {  	[dreg:$0x0] =	wrdreg $0xFFFFFFFF;
	(pc) =	sbr.abs _section_cstart, $3  }
0xc8: {  	[dreg:$0x1] =	wrdreg $0xFFFFFFFF  }
0xc9: {  	_ =	task.clear_ibuf [dreg:s8], $0x2FFFF;
	_ =	strace $0x9FFFFFFF  }
0xca: {  	(tm) =	ssettm $0x7FFFFFFF  }
0xcb: {  	_ =	shalt  }
tec
execute0_lowered:
.L_overlay_start_1:
0x0: {  	(tag) =	ssettag $0x1  }
0x1: {  	s0 =	rddreg [dreg:$0x0]  }
0x2: {  	s1 =	rddreg [dreg:$0x1]  }
0x3: {  	s2 =	srdreg.scid;
	s5 =	rddreg [dreg:$0x2]  }
0x4: {  	s12 =	stileid.u32;
	s3 =	rddreg [dreg:$0x3]  }
0x5: {  	s4 =	simm.s32 $0x0;
	s21 =	simm.s32 $0xC0;
	s13 =	simm.s32 $0x800  }
0x6: {  	s22 =	simm.s32 $0x100;
	s14 =	simm.s32 $0x2800;
	s23 =	simm.s32 $0x140  }
0x7: {  	s24 =	simm.s32 $0x480;
	s25 =	simm.s32 $0x180;
	s26 =	simm.s32 $0x1C0  }
0x8: {  	s28 =	simm.s32 $0x300;
	s29 =	simm.s32 $0x340;
	[smem:$0x7FF] =	sst s4  }
0x9: {  	s30 =	simm.s32 $0x680;
	_ =	strace $0x8000004D;
	[dreg:$0x7] =	wrdreg s21  }
0xa: {  	s31 =	simm.s32 $0x380;
	s7 =	smul.u32 $0x2800, s12;
	[dreg:$0x8] =	wrdreg s22  }
0xb: {  	s2 =	sand.u32 $0x1, s2;
	s15 =	smul.u32 $0x2780, s12;
	[dreg:$0x9] =	wrdreg s23  }
0xc: {  	s10 =	smul.u32 $0x4F000, s12;
	s19 =	sshll.u32 s12, $0x6;
	[dreg:$0xa] =	wrdreg s24  }
0xd: {  	s12 =	simm.s32 $0x40;
	s6 =	smul.u32 $0x28000, s2;
	[dreg:$0xb] =	wrdreg s25  }
0xe: {  	s8 =	smul.u32 $0x27800, s2;
	s2 =	ssub.s32 $0x2, s2;
	[dreg:$0xc] =	wrdreg s26  }
0xf: {  	s21 =	simm.s32 $0x200;
	s22 =	simm.s32 $0x240;
	s23 =	simm.s32 $0x580  }
0x10: {  	s24 =	simm.s32 $0x280;
	s25 =	simm.s32 $0x2C0;
	s26 =	simm.s32 $0x600  }
0x11: {  	s11 =	sadd.s32 s15, s5;
	s16 =	sshrl.u32 s2, $0x1;
	s17 =	sshrl.u32 s10, $0x2  }
0x12: {  	s10 =	simm.s32 $0x3;
	s6 =	sadd.s32 s7, s6;
	s7 =	sadd.s32 s15, s8  }
0x13: {  	s2 =	ssub.s32 s2, s16;
	s18 =	sadd.s32 $0x10E00, s11;
	s8 =	sor.u32 $0x1C03, s19  }
0x14: {  	s11 =	simm.s32 $0x400;
	s15 =	simm.s32 $0x80;
	s16 =	simm.s32 $0x4800  }
0x15: {  	s19 =	simm.s32 $0x2;
	s6 =	sshrl.u32 s6, $0x3;
	[dreg:$0xd] =	wrdreg s18  }
0x16: {  	s2 =	smax.u32 s2, $0x1;
	s18 =	simm.s32 $0x1;
	[dreg:$0xe] =	wrdreg s8  }
0x17: {  	s9 =	sadd.s32 s6, s5;
	s5 =	sadd.s32 s7, s5;
	s7 =	sadd.s32 s17, s3  }
0x18: {  	[dreg:$0x10] =	wrdreg s2;
	s1 =	sadd.s32 s6, s1;
	s17 =	simm.s32 $0x6800  }
0x19: {  	s2 =	simm.s32 $0x3C0;
	s5 =	sadd.s32 $0x38600, s5;
	[dreg:$0x6] =	wrdreg s1  }
0x1a: {  	s20 =	sadd.s32 $0x6E00, s9;
	s7 =	sshrl.u32 s7, $0x3;
	[dreg:$0xf] =	wrdreg s5  }
0x1b: {  	s1 =	simm.s32 $0x700;
	s9 =	simm.s32 $0x0;
	[dreg:$0x5] =	wrdreg s20  }
0x1c: {  	s20 =	simm.s32 $0x500;
	s5 =	simm.s32 $0x780;
	[dreg:$0x11] =	wrdreg s7  }
.LBB2_1:
0x1d: {  	[dreg:$0x12] =	wrdreg s9  }
0x1e: {  	s6 =	rddreg [dreg:$0xd]  }
0x1f: {  	[spmem:s7], [sflag:s8] =	dma.local [hbm:s6], $0x2780  }
0x20: {  	_ =	swait.ge [sflag:s10], $0x2780  }
0x21: {  	[sflag:s10] =	ssyncset.done $0x0  }
0x22: {  	[sflag:s10] =	ssyncadd.s32 $0xFFFFD880  }
0x23: {  	[bflag:$0x0] =	sbarrier.arrive $0xFFFF  }
0x24: {  	s8 =	rddreg [dreg:$0x6]  }
0x25: {  	s6 =	sadd.s32 $0x0, s8  }
0x26: {  	[tilespmem:s4], [sflag:$0x3] =	stream.linear.gather [hbm4b:s6+s4], $0x400, $0x38;
	[tilespmem:$0x1C400] =	vst v63  }
0x27: {  	_ =	swait.ge [sflag:s10], $0x400  }
0x28: {  	s9 =	rddreg [dreg:$0x5];
	[sflag:s10] =	ssyncset.done $0x0  }
0x29: {  	[sflag:s10] =	ssyncadd.s32 $0xFFFFFC00;
	s6 =	sadd.s32 $0x0, s9  }
0x2a: {  	[tilespmem:s11], [sflag:$0x3] =	stream.linear.gather [hbm4b:s6+s4], $0x400, $0x38;
	[tilespmem:$0x1C400] =	vst v63  }
0x2b: {  	_ =	swait.ge [sflag:s10], $0x400  }
0x2c: {  	[sflag:s10] =	ssyncset.done $0x0  }
0x2d: {  	[sflag:s10] =	ssyncadd.s32 $0xFFFFFC00  }
0x2e: {  	[tilespmem:s13], [sflag:$0x1] =	stream.indirect.gather [hbm4b:s0+s12], $0x80, s4, s12, $0xb8;
	[tilespmem:$0x1C400] =	vst v63  }
0x2f: {  	_ = 	snop  }
0x30: {  	[tilespmem:s14], [sflag:$0x1] =	stream.indirect.gather [hbm4b:s0+s12], $0x80, s12, s12, $0xb8;
	[tilespmem:$0x1C400] =	vst v63  }
0x31: {  	_ = 	snop  }
0x32: {  	[tilespmem:s16], [sflag:$0x2] =	stream.indirect.gather [hbm4b:s0+s12], $0x80, s15, s12, $0xb8;
	[tilespmem:$0x1C400] =	vst v63  }
0x33: {  	s7 =	rddreg [dreg:$0x7]  }
0x34: {  	[tilespmem:s17], [sflag:$0x2] =	stream.indirect.gather [hbm4b:s0+s12], $0x80, s7, s12, $0xb8;
	[tilespmem:$0x1C400] =	vst v63  }
0x35: {  	_ =	swait.ge [sflag:s18], $0x2000  }
0x36: {  	[sflag:s18] =	ssyncset.done $0x0  }
0x37: {  	[sflag:s18] =	ssyncadd.s32 $0xFFFFE000  }
0x38: {  	_ =	swait.ge [sflag:s18], $0x2000  }
0x39: {  	[sflag:s18] =	ssyncset.done $0x0  }
0x3a: {  	[sflag:s18] =	ssyncadd.s32 $0xFFFFE000  }
0x3b: {  	[spmem:s3] =	stream.indirect.scatter.add.f32 [tilespmem:s13], [sflag:$0x3], $0x80, s11, s15, $0xb8;
	[tilespmem:$0x1C400] =	vst v63  }
0x3c: {  	_ =	swait.ge [sflag:s10], $0x4000  }
0x3d: {  	[sflag:s10] =	ssyncset.done $0x0  }
0x3e: {  	s8 =	rddreg [dreg:$0x8];
	[sflag:s10] =	ssyncadd.s32 $0xFFFFC000  }
0x3f: {  	[tilespmem:s13], [sflag:$0x1] =	stream.indirect.gather [hbm4b:s0+s12], $0x80, s8, s12, $0xb8;
	[tilespmem:$0x1C400] =	vst v63  }
0x40: {  	s9 =	rddreg [dreg:$0x9]  }
0x41: {  	[tilespmem:s14], [sflag:$0x1] =	stream.indirect.gather [hbm4b:s0+s12], $0x80, s9, s12, $0xb8;
	[tilespmem:$0x1C400] =	vst v63  }
0x42: {  	_ =	swait.ge [sflag:s19], $0x2000  }
0x43: {  	[sflag:s19] =	ssyncset.done $0x0  }
0x44: {  	[sflag:s19] =	ssyncadd.s32 $0xFFFFE000  }
0x45: {  	_ =	swait.ge [sflag:s19], $0x2000  }
0x46: {  	[sflag:s19] =	ssyncset.done $0x0  }
0x47: {  	s7 =	rddreg [dreg:$0xa];
	[sflag:s19] =	ssyncadd.s32 $0xFFFFE000  }
0x48: {  	[spmem:s3] =	stream.indirect.scatter.add.f32 [tilespmem:s16], [sflag:$0x3], $0x80, s7, s15, $0xb8;
	[tilespmem:$0x1C400] =	vst v63  }
0x49: {  	_ =	swait.ge [sflag:s10], $0x4000  }
0x4a: {  	[sflag:s10] =	ssyncset.done $0x0  }
0x4b: {  	s8 =	rddreg [dreg:$0xb];
	[sflag:s10] =	ssyncadd.s32 $0xFFFFC000  }
0x4c: {  	[tilespmem:s16], [sflag:$0x2] =	stream.indirect.gather [hbm4b:s0+s12], $0x80, s8, s12, $0xb8;
	[tilespmem:$0x1C400] =	vst v63  }
0x4d: {  	s9 =	rddreg [dreg:$0xc]  }
0x4e: {  	[tilespmem:s17], [sflag:$0x2] =	stream.indirect.gather [hbm4b:s0+s12], $0x80, s9, s12, $0xb8;
	[tilespmem:$0x1C400] =	vst v63  }
0x4f: {  	_ =	swait.ge [sflag:s18], $0x2000  }
0x50: {  	[sflag:s18] =	ssyncset.done $0x0  }
0x51: {  	[sflag:s18] =	ssyncadd.s32 $0xFFFFE000  }
0x52: {  	_ =	swait.ge [sflag:s18], $0x2000  }
0x53: {  	[sflag:s18] =	ssyncset.done $0x0  }
0x54: {  	[sflag:s18] =	ssyncadd.s32 $0xFFFFE000  }
0x55: {  	[spmem:s3] =	stream.indirect.scatter.add.f32 [tilespmem:s13], [sflag:$0x3], $0x80, s20, s15, $0xb8;
	[tilespmem:$0x1C400] =	vst v63  }
0x56: {  	_ =	swait.ge [sflag:s10], $0x4000  }
0x57: {  	[sflag:s10] =	ssyncset.done $0x0  }
0x58: {  	[sflag:s10] =	ssyncadd.s32 $0xFFFFC000  }
0x59: {  	[tilespmem:s13], [sflag:$0x1] =	stream.indirect.gather [hbm4b:s0+s12], $0x80, s21, s12, $0xb8;
	[tilespmem:$0x1C400] =	vst v63  }
0x5a: {  	_ = 	snop  }
0x5b: {  	[tilespmem:s14], [sflag:$0x1] =	stream.indirect.gather [hbm4b:s0+s12], $0x80, s22, s12, $0xb8;
	[tilespmem:$0x1C400] =	vst v63  }
0x5c: {  	_ =	swait.ge [sflag:s19], $0x2000  }
0x5d: {  	[sflag:s19] =	ssyncset.done $0x0  }
0x5e: {  	[sflag:s19] =	ssyncadd.s32 $0xFFFFE000  }
0x5f: {  	_ =	swait.ge [sflag:s19], $0x2000  }
0x60: {  	[sflag:s19] =	ssyncset.done $0x0  }
0x61: {  	[sflag:s19] =	ssyncadd.s32 $0xFFFFE000  }
0x62: {  	[spmem:s3] =	stream.indirect.scatter.add.f32 [tilespmem:s16], [sflag:$0x3], $0x80, s23, s15, $0xb8;
	[tilespmem:$0x1C400] =	vst v63  }
0x63: {  	_ =	swait.ge [sflag:s10], $0x4000  }
0x64: {  	[sflag:s10] =	ssyncset.done $0x0  }
0x65: {  	[sflag:s10] =	ssyncadd.s32 $0xFFFFC000  }
0x66: {  	[tilespmem:s16], [sflag:$0x2] =	stream.indirect.gather [hbm4b:s0+s12], $0x80, s24, s12, $0xb8;
	[tilespmem:$0x1C400] =	vst v63  }
0x67: {  	_ = 	snop  }
0x68: {  	[tilespmem:s17], [sflag:$0x2] =	stream.indirect.gather [hbm4b:s0+s12], $0x80, s25, s12, $0xb8;
	[tilespmem:$0x1C400] =	vst v63  }
0x69: {  	_ =	swait.ge [sflag:s18], $0x2000  }
0x6a: {  	[sflag:s18] =	ssyncset.done $0x0  }
0x6b: {  	[sflag:s18] =	ssyncadd.s32 $0xFFFFE000  }
0x6c: {  	_ =	swait.ge [sflag:s18], $0x2000  }
0x6d: {  	[sflag:s18] =	ssyncset.done $0x0  }
0x6e: {  	[sflag:s18] =	ssyncadd.s32 $0xFFFFE000  }
0x6f: {  	[spmem:s3] =	stream.indirect.scatter.add.f32 [tilespmem:s13], [sflag:$0x3], $0x80, s26, s15, $0xb8;
	[tilespmem:$0x1C400] =	vst v63  }
0x70: {  	_ =	swait.ge [sflag:s10], $0x4000  }
0x71: {  	[sflag:s10] =	ssyncset.done $0x0  }
0x72: {  	[sflag:s10] =	ssyncadd.s32 $0xFFFFC000  }
0x73: {  	[tilespmem:s13], [sflag:$0x1] =	stream.indirect.gather [hbm4b:s0+s12], $0x80, s28, s12, $0xb8;
	[tilespmem:$0x1C400] =	vst v63  }
0x74: {  	_ = 	snop  }
0x75: {  	[tilespmem:s14], [sflag:$0x1] =	stream.indirect.gather [hbm4b:s0+s12], $0x80, s29, s12, $0xb8;
	[tilespmem:$0x1C400] =	vst v63  }
0x76: {  	_ =	swait.ge [sflag:s19], $0x2000  }
0x77: {  	[sflag:s19] =	ssyncset.done $0x0  }
0x78: {  	[sflag:s19] =	ssyncadd.s32 $0xFFFFE000  }
0x79: {  	_ =	swait.ge [sflag:s19], $0x2000  }
0x7a: {  	[sflag:s19] =	ssyncset.done $0x0  }
0x7b: {  	[sflag:s19] =	ssyncadd.s32 $0xFFFFE000  }
0x7c: {  	[spmem:s3] =	stream.indirect.scatter.add.f32 [tilespmem:s16], [sflag:$0x3], $0x80, s30, s15, $0xb8;
	[tilespmem:$0x1C400] =	vst v63  }
0x7d: {  	_ =	swait.ge [sflag:s10], $0x4000  }
0x7e: {  	[sflag:s10] =	ssyncset.done $0x0  }
0x7f: {  	[sflag:s10] =	ssyncadd.s32 $0xFFFFC000  }
0x80: {  	[tilespmem:s16], [sflag:$0x2] =	stream.indirect.gather [hbm4b:s0+s12], $0x80, s31, s12, $0xb8;
	[tilespmem:$0x1C400] =	vst v63  }
0x81: {  	_ = 	snop  }
0x82: {  	[tilespmem:s17], [sflag:$0x2] =	stream.indirect.gather [hbm4b:s0+s12], $0x80, s2, s12, $0xb8;
	[tilespmem:$0x1C400] =	vst v63  }
0x83: {  	_ =	swait.ge [sflag:s18], $0x2000  }
0x84: {  	[sflag:s18] =	ssyncset.done $0x0  }
0x85: {  	[sflag:s18] =	ssyncadd.s32 $0xFFFFE000  }
0x86: {  	_ =	swait.ge [sflag:s18], $0x2000  }
0x87: {  	[sflag:s18] =	ssyncset.done $0x0  }
0x88: {  	[sflag:s18] =	ssyncadd.s32 $0xFFFFE000  }
0x89: {  	[spmem:s3] =	stream.indirect.scatter.add.f32 [tilespmem:s13], [sflag:$0x3], $0x80, s1, s15, $0xb8;
	[tilespmem:$0x1C400] =	vst v63  }
0x8a: {  	_ =	swait.ge [sflag:s10], $0x4000  }
0x8b: {  	[sflag:s10] =	ssyncset.done $0x0  }
0x8c: {  	[sflag:s10] =	ssyncadd.s32 $0xFFFFC000  }
0x8d: {  	_ =	swait.ge [sflag:s19], $0x2000  }
0x8e: {  	[sflag:s19] =	ssyncset.done $0x0  }
0x8f: {  	[sflag:s19] =	ssyncadd.s32 $0xFFFFE000  }
0x90: {  	_ =	swait.ge [sflag:s19], $0x2000  }
0x91: {  	[sflag:s19] =	ssyncset.done $0x0  }
0x92: {  	[sflag:s19] =	ssyncadd.s32 $0xFFFFE000  }
0x93: {  	[spmem:s3] =	stream.indirect.scatter.add.f32 [tilespmem:s16], [sflag:$0x3], $0x80, s5, s15, $0xb8;
	[tilespmem:$0x1C400] =	vst v63  }
0x94: {  	s6 =	simm.s32 $0x100;
	_ =	swait.ge [sflag:s10], $0x4000  }
0x95: {  	s8 =	simm.s32 $0x80;
	s9 =	rddreg [dreg:$0x6];
	[sflag:s10] =	ssyncset.done $0x0  }
.LBB2_2:
0x96: {  	[sflag:s10] =	ssyncadd.s32 $0xFFFFC000;
	s9 =	sadd.s32 s8, s9  }
0x97: {  	[tilespmem:s4], [sflag:$0x3] =	stream.linear.gather [hbm4b:s9+s4], $0x400, $0x38;
	[tilespmem:$0x1C400] =	vst v63  }
0x98: {  	_ =	swait.ge [sflag:s10], $0x400  }
0x99: {  	s9 =	rddreg [dreg:$0x5];
	[sflag:s10] =	ssyncset.done $0x0  }
0x9a: {  	[sflag:s10] =	ssyncadd.s32 $0xFFFFFC00;
	s9 =	sadd.s32 s8, s9  }
0x9b: {  	[tilespmem:s11], [sflag:$0x3] =	stream.linear.gather [hbm4b:s9+s4], $0x400, $0x38;
	[tilespmem:$0x1C400] =	vst v63  }
0x9c: {  	_ =	swait.ge [sflag:s10], $0x400  }
0x9d: {  	[sflag:s10] =	ssyncset.done $0x0  }
0x9e: {  	[sflag:s10] =	ssyncadd.s32 $0xFFFFFC00  }
0x9f: {  	[tilespmem:s13], [sflag:$0x1] =	stream.indirect.gather [hbm4b:s0+s12], $0x80, s4, s12, $0xb8;
	[tilespmem:$0x1C400] =	vst v63  }
0xa0: {  	_ = 	snop  }
0xa1: {  	[tilespmem:s14], [sflag:$0x1] =	stream.indirect.gather [hbm4b:s0+s12], $0x80, s12, s12, $0xb8;
	[tilespmem:$0x1C400] =	vst v63  }
0xa2: {  	_ = 	snop  }
0xa3: {  	[tilespmem:s16], [sflag:$0x2] =	stream.indirect.gather [hbm4b:s0+s12], $0x80, s15, s12, $0xb8;
	[tilespmem:$0x1C400] =	vst v63  }
0xa4: {  	s9 =	rddreg [dreg:$0x7]  }
0xa5: {  	[tilespmem:s17], [sflag:$0x2] =	stream.indirect.gather [hbm4b:s0+s12], $0x80, s9, s12, $0xb8;
	[tilespmem:$0x1C400] =	vst v63  }
0xa6: {  	_ =	swait.ge [sflag:s18], $0x2000  }
0xa7: {  	[sflag:s18] =	ssyncset.done $0x0  }
0xa8: {  	[sflag:s18] =	ssyncadd.s32 $0xFFFFE000  }
0xa9: {  	_ =	swait.ge [sflag:s18], $0x2000  }
0xaa: {  	[sflag:s18] =	ssyncset.done $0x0  }
0xab: {  	[sflag:s18] =	ssyncadd.s32 $0xFFFFE000  }
0xac: {  	[spmem:s3] =	stream.indirect.scatter.add.f32 [tilespmem:s13], [sflag:$0x3], $0x80, s11, s15, $0xb8;
	[tilespmem:$0x1C400] =	vst v63  }
0xad: {  	_ =	swait.ge [sflag:s10], $0x4000  }
0xae: {  	s7 =	smov.u32 s6;
	[sflag:s10] =	ssyncset.done $0x0  }
0xaf: {  	s8 =	smov.u32 s7;
	s7 =	rddreg [dreg:$0x8];
	[sflag:s10] =	ssyncadd.s32 $0xFFFFC000  }
0xb0: {  	[tilespmem:s13], [sflag:$0x1] =	stream.indirect.gather [hbm4b:s0+s12], $0x80, s7, s12, $0xb8;
	[tilespmem:$0x1C400] =	vst v63  }
0xb1: {  	s9 =	rddreg [dreg:$0x9]  }
0xb2: {  	[tilespmem:s14], [sflag:$0x1] =	stream.indirect.gather [hbm4b:s0+s12], $0x80, s9, s12, $0xb8;
	[tilespmem:$0x1C400] =	vst v63  }
0xb3: {  	_ =	swait.ge [sflag:s19], $0x2000  }
0xb4: {  	[sflag:s19] =	ssyncset.done $0x0  }
0xb5: {  	[sflag:s19] =	ssyncadd.s32 $0xFFFFE000  }
0xb6: {  	_ =	swait.ge [sflag:s19], $0x2000  }
0xb7: {  	[sflag:s19] =	ssyncset.done $0x0  }
0xb8: {  	s9 =	rddreg [dreg:$0xa];
	[sflag:s19] =	ssyncadd.s32 $0xFFFFE000  }
0xb9: {  	[spmem:s3] =	stream.indirect.scatter.add.f32 [tilespmem:s16], [sflag:$0x3], $0x80, s9, s15, $0xb8;
	[tilespmem:$0x1C400] =	vst v63  }
0xba: {  	_ =	swait.ge [sflag:s10], $0x4000  }
0xbb: {  	[sflag:s10] =	ssyncset.done $0x0  }
0xbc: {  	s7 =	rddreg [dreg:$0xb];
	[sflag:s10] =	ssyncadd.s32 $0xFFFFC000  }
0xbd: {  	[tilespmem:s16], [sflag:$0x2] =	stream.indirect.gather [hbm4b:s0+s12], $0x80, s7, s12, $0xb8;
	[tilespmem:$0x1C400] =	vst v63  }
0xbe: {  	s9 =	rddreg [dreg:$0xc]  }
0xbf: {  	[tilespmem:s17], [sflag:$0x2] =	stream.indirect.gather [hbm4b:s0+s12], $0x80, s9, s12, $0xb8;
	[tilespmem:$0x1C400] =	vst v63  }
0xc0: {  	_ =	swait.ge [sflag:s18], $0x2000  }
0xc1: {  	[sflag:s18] =	ssyncset.done $0x0  }
0xc2: {  	[sflag:s18] =	ssyncadd.s32 $0xFFFFE000  }
0xc3: {  	_ =	swait.ge [sflag:s18], $0x2000  }
0xc4: {  	[sflag:s18] =	ssyncset.done $0x0  }
0xc5: {  	[sflag:s18] =	ssyncadd.s32 $0xFFFFE000  }
0xc6: {  	[spmem:s3] =	stream.indirect.scatter.add.f32 [tilespmem:s13], [sflag:$0x3], $0x80, s20, s15, $0xb8;
	[tilespmem:$0x1C400] =	vst v63  }
0xc7: {  	_ =	swait.ge [sflag:s10], $0x4000  }
0xc8: {  	[sflag:s10] =	ssyncset.done $0x0  }
0xc9: {  	[sflag:s10] =	ssyncadd.s32 $0xFFFFC000  }
0xca: {  	[tilespmem:s13], [sflag:$0x1] =	stream.indirect.gather [hbm4b:s0+s12], $0x80, s21, s12, $0xb8;
	[tilespmem:$0x1C400] =	vst v63  }
0xcb: {  	_ = 	snop  }
0xcc: {  	[tilespmem:s14], [sflag:$0x1] =	stream.indirect.gather [hbm4b:s0+s12], $0x80, s22, s12, $0xb8;
	[tilespmem:$0x1C400] =	vst v63  }
0xcd: {  	_ =	swait.ge [sflag:s19], $0x2000  }
0xce: {  	[sflag:s19] =	ssyncset.done $0x0  }
0xcf: {  	[sflag:s19] =	ssyncadd.s32 $0xFFFFE000  }
0xd0: {  	_ =	swait.ge [sflag:s19], $0x2000  }
0xd1: {  	[sflag:s19] =	ssyncset.done $0x0  }
0xd2: {  	[sflag:s19] =	ssyncadd.s32 $0xFFFFE000  }
0xd3: {  	[spmem:s3] =	stream.indirect.scatter.add.f32 [tilespmem:s16], [sflag:$0x3], $0x80, s23, s15, $0xb8;
	[tilespmem:$0x1C400] =	vst v63  }
0xd4: {  	_ =	swait.ge [sflag:s10], $0x4000  }
0xd5: {  	[sflag:s10] =	ssyncset.done $0x0  }
0xd6: {  	[sflag:s10] =	ssyncadd.s32 $0xFFFFC000  }
0xd7: {  	[tilespmem:s16], [sflag:$0x2] =	stream.indirect.gather [hbm4b:s0+s12], $0x80, s24, s12, $0xb8;
	[tilespmem:$0x1C400] =	vst v63  }
0xd8: {  	_ = 	snop  }
0xd9: {  	[tilespmem:s17], [sflag:$0x2] =	stream.indirect.gather [hbm4b:s0+s12], $0x80, s25, s12, $0xb8;
	[tilespmem:$0x1C400] =	vst v63  }
0xda: {  	_ =	swait.ge [sflag:s18], $0x2000  }
0xdb: {  	[sflag:s18] =	ssyncset.done $0x0  }
0xdc: {  	[sflag:s18] =	ssyncadd.s32 $0xFFFFE000  }
0xdd: {  	_ =	swait.ge [sflag:s18], $0x2000  }
0xde: {  	[sflag:s18] =	ssyncset.done $0x0  }
0xdf: {  	[sflag:s18] =	ssyncadd.s32 $0xFFFFE000  }
0xe0: {  	[spmem:s3] =	stream.indirect.scatter.add.f32 [tilespmem:s13], [sflag:$0x3], $0x80, s26, s15, $0xb8;
	[tilespmem:$0x1C400] =	vst v63  }
0xe1: {  	_ =	swait.ge [sflag:s10], $0x4000  }
0xe2: {  	[sflag:s10] =	ssyncset.done $0x0  }
0xe3: {  	[sflag:s10] =	ssyncadd.s32 $0xFFFFC000  }
0xe4: {  	[tilespmem:s13], [sflag:$0x1] =	stream.indirect.gather [hbm4b:s0+s12], $0x80, s28, s12, $0xb8;
	[tilespmem:$0x1C400] =	vst v63  }
0xe5: {  	_ = 	snop  }
0xe6: {  	[tilespmem:s14], [sflag:$0x1] =	stream.indirect.gather [hbm4b:s0+s12], $0x80, s29, s12, $0xb8;
	[tilespmem:$0x1C400] =	vst v63  }
0xe7: {  	_ =	swait.ge [sflag:s19], $0x2000  }
0xe8: {  	[sflag:s19] =	ssyncset.done $0x0  }
0xe9: {  	[sflag:s19] =	ssyncadd.s32 $0xFFFFE000  }
0xea: {  	_ =	swait.ge [sflag:s19], $0x2000  }
0xeb: {  	[sflag:s19] =	ssyncset.done $0x0  }
0xec: {  	[sflag:s19] =	ssyncadd.s32 $0xFFFFE000  }
0xed: {  	[spmem:s3] =	stream.indirect.scatter.add.f32 [tilespmem:s16], [sflag:$0x3], $0x80, s30, s15, $0xb8;
	[tilespmem:$0x1C400] =	vst v63  }
0xee: {  	_ =	swait.ge [sflag:s10], $0x4000  }
0xef: {  	[sflag:s10] =	ssyncset.done $0x0  }
0xf0: {  	[sflag:s10] =	ssyncadd.s32 $0xFFFFC000  }
0xf1: {  	[tilespmem:s16], [sflag:$0x2] =	stream.indirect.gather [hbm4b:s0+s12], $0x80, s31, s12, $0xb8;
	[tilespmem:$0x1C400] =	vst v63  }
0xf2: {  	_ = 	snop  }
0xf3: {  	[tilespmem:s17], [sflag:$0x2] =	stream.indirect.gather [hbm4b:s0+s12], $0x80, s2, s12, $0xb8;
	[tilespmem:$0x1C400] =	vst v63  }
0xf4: {  	_ =	swait.ge [sflag:s18], $0x2000  }
0xf5: {  	[sflag:s18] =	ssyncset.done $0x0  }
0xf6: {  	[sflag:s18] =	ssyncadd.s32 $0xFFFFE000  }
0xf7: {  	_ =	swait.ge [sflag:s18], $0x2000  }
0xf8: {  	[sflag:s18] =	ssyncset.done $0x0  }
0xf9: {  	[sflag:s18] =	ssyncadd.s32 $0xFFFFE000  }
0xfa: {  	[spmem:s3] =	stream.indirect.scatter.add.f32 [tilespmem:s13], [sflag:$0x3], $0x80, s1, s15, $0xb8;
	[tilespmem:$0x1C400] =	vst v63  }
0xfb: {  	_ =	swait.ge [sflag:s10], $0x4000  }
0xfc: {  	[sflag:s10] =	ssyncset.done $0x0  }
0xfd: {  	[sflag:s10] =	ssyncadd.s32 $0xFFFFC000  }
0xfe: {  	_ =	swait.ge [sflag:s19], $0x2000  }
0xff: {  	[sflag:s19] =	ssyncset.done $0x0  }
0x100: {  	[sflag:s19] =	ssyncadd.s32 $0xFFFFE000  }
0x101: {  	p0 =	sne.s32 s6, $0x480;
	_ =	swait.ge [sflag:s19], $0x2000  }
.Ltmp0:
0x102: {  	[sflag:s19] =	ssyncset.done $0x0;
	(pc) =	sbr.rel @p0 .LBB2_2-.Ltmp0, $4  }
0x103: {  	[sflag:s19] =	ssyncadd.s32 $0xFFFFE000  }
0x104: {  	[spmem:s3] =	stream.indirect.scatter.add.f32 [tilespmem:s16], [sflag:$0x3], $0x80, s5, s15, $0xb8;
	[tilespmem:$0x1C400] =	vst v63  }
0x105: {  	_ =	swait.ge [sflag:s10], $0x4000  }
0x106: {  	s6 =	sadd.s32 $0x80, s6;
	s9 =	rddreg [dreg:$0x6];
	[sflag:s10] =	ssyncset.done $0x0  }
0x107: {  	[sflag:s10] =	ssyncadd.s32 $0xFFFFC000;
	s6 =	sadd.s32 s8, s9  }
0x108: {  	[tilespmem:s4], [sflag:$0x3] =	stream.linear.gather [hbm4b:s6+s4], $0x400, $0x38;
	[tilespmem:$0x1C400] =	vst v63  }
0x109: {  	_ =	swait.ge [sflag:s10], $0x400  }
0x10a: {  	s9 =	rddreg [dreg:$0x5];
	[sflag:s10] =	ssyncset.done $0x0  }
0x10b: {  	[sflag:s10] =	ssyncadd.s32 $0xFFFFFC00;
	s6 =	sadd.s32 s8, s9  }
0x10c: {  	[tilespmem:s11], [sflag:$0x3] =	stream.linear.gather [hbm4b:s6+s4], $0x400, $0x38;
	[tilespmem:$0x1C400] =	vst v63  }
0x10d: {  	_ =	swait.ge [sflag:s10], $0x400  }
0x10e: {  	[sflag:s10] =	ssyncset.done $0x0  }
0x10f: {  	[sflag:s10] =	ssyncadd.s32 $0xFFFFFC00  }
0x110: {  	[tilespmem:s13], [sflag:$0x1] =	stream.indirect.gather [hbm4b:s0+s12], $0x80, s4, s12, $0xb8;
	[tilespmem:$0x1C400] =	vst v63  }
0x111: {  	_ = 	snop  }
0x112: {  	[tilespmem:s14], [sflag:$0x1] =	stream.indirect.gather [hbm4b:s0+s12], $0x80, s12, s12, $0xb8;
	[tilespmem:$0x1C400] =	vst v63  }
0x113: {  	_ = 	snop  }
0x114: {  	[tilespmem:s16], [sflag:$0x2] =	stream.indirect.gather [hbm4b:s0+s12], $0x80, s15, s12, $0xb8;
	[tilespmem:$0x1C400] =	vst v63  }
0x115: {  	s7 =	rddreg [dreg:$0x7]  }
0x116: {  	[tilespmem:s17], [sflag:$0x2] =	stream.indirect.gather [hbm4b:s0+s12], $0x80, s7, s12, $0xb8;
	[tilespmem:$0x1C400] =	vst v63  }
0x117: {  	_ =	swait.ge [sflag:s18], $0x2000  }
0x118: {  	[sflag:s18] =	ssyncset.done $0x0  }
0x119: {  	[sflag:s18] =	ssyncadd.s32 $0xFFFFE000  }
0x11a: {  	_ =	swait.ge [sflag:s18], $0x2000  }
0x11b: {  	[sflag:s18] =	ssyncset.done $0x0  }
0x11c: {  	[sflag:s18] =	ssyncadd.s32 $0xFFFFE000  }
0x11d: {  	[spmem:s3] =	stream.indirect.scatter.add.f32 [tilespmem:s13], [sflag:$0x3], $0x80, s11, s15, $0xb8;
	[tilespmem:$0x1C400] =	vst v63  }
0x11e: {  	_ =	swait.ge [sflag:s10], $0x4000  }
0x11f: {  	[sflag:s10] =	ssyncset.done $0x0  }
0x120: {  	s8 =	rddreg [dreg:$0x8];
	[sflag:s10] =	ssyncadd.s32 $0xFFFFC000  }
0x121: {  	[tilespmem:s13], [sflag:$0x1] =	stream.indirect.gather [hbm4b:s0+s12], $0x80, s8, s12, $0xb8;
	[tilespmem:$0x1C400] =	vst v63  }
0x122: {  	s7 =	rddreg [dreg:$0x9]  }
0x123: {  	[tilespmem:s14], [sflag:$0x1] =	stream.indirect.gather [hbm4b:s0+s12], $0x80, s7, s12, $0xb8;
	[tilespmem:$0x1C400] =	vst v63  }
0x124: {  	_ =	swait.ge [sflag:s19], $0x2000  }
0x125: {  	[sflag:s19] =	ssyncset.done $0x0  }
0x126: {  	[sflag:s19] =	ssyncadd.s32 $0xFFFFE000  }
0x127: {  	_ =	swait.ge [sflag:s19], $0x2000  }
0x128: {  	[sflag:s19] =	ssyncset.done $0x0  }
0x129: {  	s9 =	rddreg [dreg:$0xa];
	[sflag:s19] =	ssyncadd.s32 $0xFFFFE000  }
0x12a: {  	[spmem:s3] =	stream.indirect.scatter.add.f32 [tilespmem:s16], [sflag:$0x3], $0x80, s9, s15, $0xb8;
	[tilespmem:$0x1C400] =	vst v63  }
0x12b: {  	_ =	swait.ge [sflag:s10], $0x4000  }
0x12c: {  	[sflag:s10] =	ssyncset.done $0x0  }
0x12d: {  	s7 =	rddreg [dreg:$0xb];
	[sflag:s10] =	ssyncadd.s32 $0xFFFFC000  }
0x12e: {  	[tilespmem:s16], [sflag:$0x2] =	stream.indirect.gather [hbm4b:s0+s12], $0x80, s7, s12, $0xb8;
	[tilespmem:$0x1C400] =	vst v63  }
0x12f: {  	s8 =	rddreg [dreg:$0xc]  }
0x130: {  	[tilespmem:s17], [sflag:$0x2] =	stream.indirect.gather [hbm4b:s0+s12], $0x80, s8, s12, $0xb8;
	[tilespmem:$0x1C400] =	vst v63  }
0x131: {  	_ =	swait.ge [sflag:s18], $0x2000  }
0x132: {  	[sflag:s18] =	ssyncset.done $0x0  }
0x133: {  	[sflag:s18] =	ssyncadd.s32 $0xFFFFE000  }
0x134: {  	_ =	swait.ge [sflag:s18], $0x2000  }
0x135: {  	[sflag:s18] =	ssyncset.done $0x0  }
0x136: {  	[sflag:s18] =	ssyncadd.s32 $0xFFFFE000  }
0x137: {  	[spmem:s3] =	stream.indirect.scatter.add.f32 [tilespmem:s13], [sflag:$0x3], $0x80, s20, s15, $0xb8;
	[tilespmem:$0x1C400] =	vst v63  }
0x138: {  	_ =	swait.ge [sflag:s10], $0x4000  }
0x139: {  	[sflag:s10] =	ssyncset.done $0x0  }
0x13a: {  	[sflag:s10] =	ssyncadd.s32 $0xFFFFC000  }
0x13b: {  	[tilespmem:s13], [sflag:$0x1] =	stream.indirect.gather [hbm4b:s0+s12], $0x80, s21, s12, $0xb8;
	[tilespmem:$0x1C400] =	vst v63  }
0x13c: {  	_ = 	snop  }
0x13d: {  	[tilespmem:s14], [sflag:$0x1] =	stream.indirect.gather [hbm4b:s0+s12], $0x80, s22, s12, $0xb8;
	[tilespmem:$0x1C400] =	vst v63  }
0x13e: {  	_ =	swait.ge [sflag:s19], $0x2000  }
0x13f: {  	[sflag:s19] =	ssyncset.done $0x0  }
0x140: {  	[sflag:s19] =	ssyncadd.s32 $0xFFFFE000  }
0x141: {  	_ =	swait.ge [sflag:s19], $0x2000  }
0x142: {  	[sflag:s19] =	ssyncset.done $0x0  }
0x143: {  	[sflag:s19] =	ssyncadd.s32 $0xFFFFE000  }
0x144: {  	[spmem:s3] =	stream.indirect.scatter.add.f32 [tilespmem:s16], [sflag:$0x3], $0x80, s23, s15, $0xb8;
	[tilespmem:$0x1C400] =	vst v63  }
0x145: {  	_ =	swait.ge [sflag:s10], $0x4000  }
0x146: {  	[sflag:s10] =	ssyncset.done $0x0  }
0x147: {  	[sflag:s10] =	ssyncadd.s32 $0xFFFFC000  }
0x148: {  	[tilespmem:s16], [sflag:$0x2] =	stream.indirect.gather [hbm4b:s0+s12], $0x80, s24, s12, $0xb8;
	[tilespmem:$0x1C400] =	vst v63  }
0x149: {  	_ = 	snop  }
0x14a: {  	[tilespmem:s17], [sflag:$0x2] =	stream.indirect.gather [hbm4b:s0+s12], $0x80, s25, s12, $0xb8;
	[tilespmem:$0x1C400] =	vst v63  }
0x14b: {  	_ =	swait.ge [sflag:s18], $0x2000  }
0x14c: {  	[sflag:s18] =	ssyncset.done $0x0  }
0x14d: {  	[sflag:s18] =	ssyncadd.s32 $0xFFFFE000  }
0x14e: {  	_ =	swait.ge [sflag:s18], $0x2000  }
0x14f: {  	[sflag:s18] =	ssyncset.done $0x0  }
0x150: {  	[sflag:s18] =	ssyncadd.s32 $0xFFFFE000  }
0x151: {  	[spmem:s3] =	stream.indirect.scatter.add.f32 [tilespmem:s13], [sflag:$0x3], $0x80, s26, s15, $0xb8;
	[tilespmem:$0x1C400] =	vst v63  }
0x152: {  	_ =	swait.ge [sflag:s10], $0x4000  }
0x153: {  	[sflag:s10] =	ssyncset.done $0x0  }
0x154: {  	[sflag:s10] =	ssyncadd.s32 $0xFFFFC000  }
0x155: {  	[tilespmem:s13], [sflag:$0x1] =	stream.indirect.gather [hbm4b:s0+s12], $0x80, s28, s12, $0xb8;
	[tilespmem:$0x1C400] =	vst v63  }
0x156: {  	_ = 	snop  }
0x157: {  	[tilespmem:s14], [sflag:$0x1] =	stream.indirect.gather [hbm4b:s0+s12], $0x80, s29, s12, $0xb8;
	[tilespmem:$0x1C400] =	vst v63  }
0x158: {  	_ =	swait.ge [sflag:s19], $0x2000  }
0x159: {  	[sflag:s19] =	ssyncset.done $0x0  }
0x15a: {  	[sflag:s19] =	ssyncadd.s32 $0xFFFFE000  }
0x15b: {  	_ =	swait.ge [sflag:s19], $0x2000  }
0x15c: {  	[sflag:s19] =	ssyncset.done $0x0  }
0x15d: {  	[sflag:s19] =	ssyncadd.s32 $0xFFFFE000  }
0x15e: {  	[spmem:s3] =	stream.indirect.scatter.add.f32 [tilespmem:s16], [sflag:$0x3], $0x80, s30, s15, $0xb8;
	[tilespmem:$0x1C400] =	vst v63  }
0x15f: {  	_ =	swait.ge [sflag:s10], $0x4000  }
0x160: {  	[sflag:s10] =	ssyncset.done $0x0  }
0x161: {  	[sflag:s10] =	ssyncadd.s32 $0xFFFFC000  }
0x162: {  	[tilespmem:s16], [sflag:$0x2] =	stream.indirect.gather [hbm4b:s0+s12], $0x80, s31, s12, $0xb8;
	[tilespmem:$0x1C400] =	vst v63  }
0x163: {  	_ = 	snop  }
0x164: {  	[tilespmem:s17], [sflag:$0x2] =	stream.indirect.gather [hbm4b:s0+s12], $0x80, s2, s12, $0xb8;
	[tilespmem:$0x1C400] =	vst v63  }
0x165: {  	_ =	swait.ge [sflag:s18], $0x2000  }
0x166: {  	[sflag:s18] =	ssyncset.done $0x0  }
0x167: {  	[sflag:s18] =	ssyncadd.s32 $0xFFFFE000  }
0x168: {  	_ =	swait.ge [sflag:s18], $0x2000  }
0x169: {  	[sflag:s18] =	ssyncset.done $0x0  }
0x16a: {  	[sflag:s18] =	ssyncadd.s32 $0xFFFFE000  }
0x16b: {  	[spmem:s3] =	stream.indirect.scatter.add.f32 [tilespmem:s13], [sflag:$0x3], $0x80, s1, s15, $0xb8;
	[tilespmem:$0x1C400] =	vst v63  }
0x16c: {  	_ =	swait.ge [sflag:s10], $0x4000  }
0x16d: {  	[sflag:s10] =	ssyncset.done $0x0  }
0x16e: {  	[sflag:s10] =	ssyncadd.s32 $0xFFFFC000  }
0x16f: {  	_ =	swait.ge [sflag:s19], $0x2000  }
0x170: {  	[sflag:s19] =	ssyncset.done $0x0  }
0x171: {  	[sflag:s19] =	ssyncadd.s32 $0xFFFFE000  }
0x172: {  	_ =	swait.ge [sflag:s19], $0x2000  }
0x173: {  	[sflag:s19] =	ssyncset.done $0x0  }
0x174: {  	[sflag:s19] =	ssyncadd.s32 $0xFFFFE000  }
0x175: {  	[spmem:s3] =	stream.indirect.scatter.add.f32 [tilespmem:s16], [sflag:$0x3], $0x80, s5, s15, $0xb8;
	[tilespmem:$0x1C400] =	vst v63  }
0x176: {  	_ =	swait.ge [sflag:s10], $0x4000  }
0x177: {  	[sflag:s10] =	ssyncset.done $0x0  }
0x178: {  	[sflag:s10] =	ssyncadd.s32 $0xFFFFC000  }
0x179: {  	[bflag:$0x0] =	sbarrier.arrive $0xFFFF  }
0x17a: {  	s8 =	rddreg [dreg:$0xe]  }
0x17b: {  	s9 =	rddreg [dreg:$0xf]  }
0x17c: {  	s7 =	rddreg [dreg:$0x11]  }
0x17d: {  	[hbm:s9], [sflag:s8] =	dma.local [spmem:s7], $0x2780  }
0x17e: {  	_ =	swait.ge [sflag:s10], $0x2780  }
0x17f: {  	s6 =	rddreg [dreg:$0x12]  }
0x180: {  	s9 =	sadd.s32 $0x1, s6;
	s6 =	rddreg [dreg:$0x10]  }
0x181: {  	p0 =	sne.s32 s9, s6  }
.Ltmp1:
0x182: {  	_ = 	snop;
	(pc) =	sbr.rel @p0 .LBB2_1-.Ltmp1, $3  }
0x183: {  	_ =	sdelay $0x1  }
0x184: {  	[sflag:s10] =	ssyncset.done $0x0  }
0x185: {  	[sflag:s10] =	ssyncadd.s32 $0xFFFFD880  }
0x186: {  	_ =	sfence.sel $0x180000  }
0x187: {  	[bflag:$0x0] =	sbarrier.arrive $0xFFFF  }
0x188: {  	_ =	strace $0x9000004D  }
0x189: {  	s0 =	stileid.u32;
	[bflag:$0x2] =	sbarrier.arrive $0xFFFF  }
0x18a: {  	p0 =	sne.s32 s0, $0x0;
	s0 =	rddreg [dreg:$0x4]  }
0x18b: {  	s0 =	sadd.s32 @!p0 $0x100000, s0  }
0x18c: {  	[sflag:s0] =	ssyncadd.tile.s32 @!p0 $0x1;
	_ =	shalt  }
.Lfunc_end2:
_tile_overlayer_lowered:
.L_overlay_start_2:
0x18d: {  	(tag) =	ssettag $0x2  }
0x18e: {  	s0 =	rddreg [dreg:$0x0];
	s2 =	stileid.u32  }
0x18f: {  	s1 =	rddreg [dreg:$0x1];
	p0 =	sne.s32 s2, $0x0  }
0x190: {  	s3 =	rddreg [dreg:$0x2];
	[bflag:$0x3] =	sbarrier.arrive $0xFFFF;
	s2 =	simm.s32 @!p0 $0x1C03  }
0x191: {  	[timem:s3], [sflag:s2] =	dma.local @!p0 [hbm:s0], s1  }
0x192: {  	s0 =	simm.s32 @!p0 $0x3  }
0x193: {  	_ =	swait.ge @!p0 [sflag:s0], s1  }
0x194: {  	s1 =	ssub.s32 @!p0 $0x0, s1;
	[sflag:s0] =	ssyncset.done @!p0 $0x0  }
0x195: {  	[sflag:s0] =	ssyncadd.s32 @!p0 s1  }
0x196: {  	[bflag:$0x3] =	sbarrier.arrive $0xFFFF  }
0x197: {  	_ =	shalt  }

// kernel: kernel.8.cloned.1.call-start
scs
__scs_entry_jumppad:
0x0: {  	(pc) =	sbr.rel $0x88, $3  }
0x1: {  	(tag) =	ssettag $0x0;
	lr =	simm.s32 $0x1  }
0x2: {  	[smem:$0x3F7A] =	sst lr;
	_ =	strace $0xD0000000  }
0x3: {  	_ = 	snop  }
0x4: {  	_ = 	snop  }
0x5: {  	_ = 	snop  }
0x6: {  	_ = 	snop  }
0x7: {  	_ = 	snop  }
__scs_overlays_trampoline_lowered:
0x8: {  	[smem:$0x3F89] =	sst s0  }
0x9: {  	[smem:$0x3F8A] =	sst s1  }
0xa: {  	[smem:$0x3F8B] =	sst s2  }
0xb: {  	[smem:$0x3F8C] =	sst s3  }
0xc: {  	[smem:$0x3F8D] =	sst s4  }
0xd: {  	[smem:$0x3F8E] =	sst s5  }
0xe: {  	[smem:$0x3F8F] =	sst s6  }
0xf: {  	[smem:$0x3F90] =	sst s7  }
0x10: {  	[smem:$0x3F91] =	sst s8  }
0x11: {  	[smem:$0x3F92] =	sst s9;
	s0 =	simm.s32 @!p0 $0x0  }
0x12: {  	s1 =	sld [smem:$0x3F78];
	s0 =	simm.s32 @p0 $0x1  }
0x13: {  	[smem:$0x3F93] =	sst s0;
	s0 =	simm.s32 @!p1 $0x0  }
0x14: {  	s2 =	sld [smem:$0x3F77];
	s0 =	simm.s32 @p1 $0x1  }
0x15: {  	[smem:$0x3F94] =	sst s0;
	s0 =	simm.s32 @!p2 $0x0  }
0x16: {  	s3 =	sld [smem:$0x3FDB];
	s0 =	simm.s32 @p2 $0x1  }
0x17: {  	s4 =	simm.s32 $0x1BF5;
	[smem:$0x3F96] =	sst s0  }
0x18: {  	s0 =	sld [smem:$0x3F79];
	_ =	swait.ge [sflag:s4], $0x0  }
0x19: {  	s7 =	sld [smem:$0x3F7A]  }
0x1a: {  	s8 =	sadd.s32 $0xFFFFE003, lr  }
0x1b: {  	s9 =	sadd.s32 $0xFFFFFEF7, lr;
	s5 =	simm.s32 $0xFFFFFFFF;
	p2 =	slt.u32 s8, $0xFFFFF086  }
0x1c: {  	p1 =	slt.u32 s9, $0xF7A;
	s5 =	simm.s32 @!p2 $0x0  }
0x1d: {  	s5 =	simm.s32 @p1 $0x1;
	p0 =	seq.s32 s7, s2  }
0x1e: {  	s7 =	smul.u32 @!p0 $0xF7A, s2;
	p2 =	seq.s32 @!p0 s5, $0x0  }
0x1f: {  	s9 =	smul.u32 $0xF7A, s1;
	s8 =	simm.s32 @!p0 $0x1BF5;
	p2 =	por !p2, p0  }
0x20: {  	[sflag:s8] =	ssyncset.s32 @!p0 $0xFFFFF086;
	s6 =	sadd.s32 @!p0 s3, s7;
	s7 =	simm.s32 @!p0 $0x108  }
0x21: {  	s3 =	sadd.s32 s3, s9;
	s6 =	sadd.s32 @!p0 $0x88, s6;
	s7 =	simm.s32 @p2 $0x1082  }
0x22: {  	[simem:s7], [sflag:s8] =	dma.local @!p0 [hbm:s6], $0xF7A  }
0x23: {  	s9 =	sor.u32 $0xD0000000, s2;
	s6 =	simm.s32 $0x108;
	_ =	swait.ge @!p0 [sflag:s8], $0x0  }
0x24: {  	s3 =	sadd.s32 $0x88, s3;
	s6 =	simm.s32 @!p1 $0x1082;
	[sflag:s4] =	ssyncset.s32 $0xFFFFF086  }
0x25: {  	[simem:s6], [sflag:s4] =	dma.local [hbm:s3], $0xF7A  }
0x26: {  	[smem:$0x3F7A] =	sst s1;
	(tag) =	ssettag s2;
	_ =	strace s9  }
0x27: {  	s1 =	sld [smem:$0x3F8A]  }
0x28: {  	s2 =	sld [smem:$0x3F8B]  }
0x29: {  	s4 =	sld [smem:$0x3F8D]  }
0x2a: {  	p0 =	seq.s32 s5, $0x0;
	s5 =	sld [smem:$0x3F8E]  }
0x2b: {  	s6 =	sld [smem:$0x3F8F]  }
0x2c: {  	s7 =	sld [smem:$0x3F90]  }
0x2d: {  	s3 =	simm.s32 $0x108;
	s8 =	sld [smem:$0x3F91]  }
0x2e: {  	s3 =	simm.s32 @!p0 $0x1082;
	s9 =	sld [smem:$0x3F92]  }
0x2f: {  	lr =	sadd.s32 s0, s3;
	s0 =	sld [smem:$0x3F89]  }
0x30: {  	s3 =	sld [smem:$0x3F8C]  }
0x31: {  	[smem:$0x3F95] =	sst s10  }
0x32: {  	s10 =	sld [smem:$0x3F93];
	_ =	sdelay $0x3  }
0x33: {  	p0 =	seq.s32 s10, $0x1;
	s10 =	sld [smem:$0x3F95];
	_ =	sdelay $0x3  }
0x34: {  	[smem:$0x3F95] =	sst s10  }
0x35: {  	s10 =	sld [smem:$0x3F94];
	_ =	sdelay $0x3  }
0x36: {  	p1 =	seq.s32 s10, $0x1;
	s10 =	sld [smem:$0x3F95];
	_ =	sdelay $0x3  }
0x37: {  	[smem:$0x3F95] =	sst s10  }
0x38: {  	s10 =	sld [smem:$0x3F96]  }
0x39: {  	_ = 	snop;
	(pc) =	sbr.ind lr, $3  }
0x3a: {  	_ = 	snop  }
0x3b: {  	_ = 	snop  }
0x3c: {  	p2 =	seq.s32 s10, $0x1;
	s10 =	sld [smem:$0x3F95]  }
0x3d: {  	_ =	shalt  }
0x3e: {  	_ =	shalt  }
0x3f: {  	_ =	shalt  }
0x40: {  	_ =	shalt  }
0x41: {  	_ =	shalt  }
0x42: {  	_ =	shalt  }
0x43: {  	_ =	shalt  }
0x44: {  	_ =	shalt  }
0x45: {  	_ =	shalt  }
0x46: {  	_ =	shalt  }
0x47: {  	_ =	shalt  }
0x48: {  	_ =	shalt  }
0x49: {  	_ =	shalt  }
0x4a: {  	_ =	shalt  }
0x4b: {  	_ =	shalt  }
0x4c: {  	_ =	shalt  }
0x4d: {  	_ =	shalt  }
0x4e: {  	_ =	shalt  }
0x4f: {  	_ =	shalt  }
0x50: {  	_ =	shalt  }
0x51: {  	_ =	shalt  }
0x52: {  	_ =	shalt  }
0x53: {  	_ =	shalt  }
0x54: {  	_ =	shalt  }
0x55: {  	_ =	shalt  }
0x56: {  	_ =	shalt  }
0x57: {  	_ =	shalt  }
0x58: {  	_ =	shalt  }
0x59: {  	_ =	shalt  }
0x5a: {  	_ =	shalt  }
0x5b: {  	_ =	shalt  }
0x5c: {  	_ =	shalt  }
0x5d: {  	_ =	shalt  }
0x5e: {  	_ =	shalt  }
0x5f: {  	_ =	shalt  }
0x60: {  	_ =	shalt  }
0x61: {  	_ =	shalt  }
0x62: {  	_ =	shalt  }
0x63: {  	_ =	shalt  }
0x64: {  	_ =	shalt  }
0x65: {  	_ =	shalt  }
0x66: {  	_ =	shalt  }
0x67: {  	_ =	shalt  }
0x68: {  	_ =	shalt  }
0x69: {  	_ =	shalt  }
0x6a: {  	_ =	shalt  }
0x6b: {  	_ =	shalt  }
0x6c: {  	_ =	shalt  }
0x6d: {  	_ =	shalt  }
0x6e: {  	_ =	shalt  }
0x6f: {  	_ =	shalt  }
0x70: {  	_ =	shalt  }
0x71: {  	_ =	shalt  }
0x72: {  	_ =	shalt  }
0x73: {  	_ =	shalt  }
0x74: {  	_ =	shalt  }
0x75: {  	_ =	shalt  }
0x76: {  	_ =	shalt  }
0x77: {  	_ =	shalt  }
0x78: {  	_ =	shalt  }
0x79: {  	_ =	shalt  }
0x7a: {  	_ =	shalt  }
0x7b: {  	_ =	shalt  }
0x7c: {  	_ =	shalt  }
0x7d: {  	_ =	shalt  }
0x7e: {  	_ =	shalt  }
0x7f: {  	_ =	shalt  }
0x80: {  	_ =	shalt  }
0x81: {  	_ =	shalt  }
0x82: {  	_ =	shalt  }
0x83: {  	_ =	shalt  }
0x84: {  	_ =	shalt  }
0x85: {  	_ =	shalt  }
0x86: {  	_ =	shalt  }
0x87: {  	_ =	shalt  }
.Lfunc_end0:
.L_simem_size_0:
called_computation_lowered:
.L_overlay_start_0:
0x88: {  	s2 =	sld [smem:$0x3FD9]  }
0x89: {  	s3 =	sld [smem:$0x3FFE];
	_ =	sdelay $0x1  }
0x8a: {  	s1 =	srdreg.scid  }
0x8b: {  	s0 =	sand.u32 $0x1, s1  }
0x8c: {  	s14 =	sshll.u32 s0, $0xA;
	s2 =	sadd.s32 s3, s2  }
0x8d: {  	s2 =	sadd.s32 s2, s14  }
0x8e: {  	[smem:$0x3FA1] =	sst s2  }
0x8f: {  	_ = 	snop  }
0x90: {  	s2 =	sld [smem:$0x3FD0];
	_ =	sdelay $0x2  }
0x91: {  	s15 =	simm.s32 $0xB;
	s4 =	simm.s32 $0x10  }
0x92: {  	[smem:s4], [sflag:s15] =	dma.local [hbm:s2], $0x1  }
0x93: {  	_ =	swait.eq [sflag:s15], $0x1  }
0x94: {  	[sflag:s15] =	ssyncset.done $0x0  }
0x95: {  	s16 =	sld [smem:$0x10];
	[sflag:s15] =	ssyncadd.s32 $0xFFFFFFFF  }
0x96: {  	s17 =	sld [smem:$0x14];
	(tm) =	ssettm $0x1  }
0x97: {  	s18 =	sld [smem:$0x3FFB];
	_ =	sdelay $0x3  }
0x98: {  	_ =	strace s18  }
0x99: {  	s4 =	sld [smem:$0x3FFC];
	_ =	sdelay $0x3  }
0x9a: {  	_ =	strace s4  }
0x9b: {  	s4 =	sld [smem:$0x3FFD];
	_ =	sdelay $0x3  }
0x9c: {  	_ =	strace s4  }
0x9d: {  	_ =	strace $0x8FFFFFFF  }
0x9e: {  	s19 =	sld [smem:$0x3FDB];
	_ =	sdelay $0x1  }
0x9f: {  	s5 =	simm.s32 $_scs_section_size  }
0xa0: {  	s6 =	simm.s32 $_size__tile_overlayer_lowered;
	s7 =	simm.s32 $_tile_overlayer_lowered  }
0xa1: {  	s22 =	simm.s32 $0x1BFF;
	s21 =	sshll.u32 s7, $0x1;
	s4 =	sadd.s32 s5, s19  }
0xa2: {  	s8 =	simm.s32 $0x0;
	s20 =	sshll.u32 s6, $0x1;
	s6 =	sadd.s32 s21, s4  }
0xa3: {  	[timem:s8], [sflag:s22] =	dma.local [hbm:s6], s20  }
0xa4: {  	_ =	swait.ge [sflag:s22], s20  }
0xa5: {  	s5 =	ssub.s32 $0x0, s20;
	[sflag:s22] =	ssyncset.done $0x0  }
0xa6: {  	[sflag:s22] =	ssyncadd.s32 s5;
	_ =	sdelay $0x1  }
0xa7: {  	s23 =	simm.s32 $0x1B8B  }
0xa8: {  	_ =	swait.ge [sflag:s23], $0x1  }
0xa9: {  	[sflag:s23] =	ssyncset.done $0x0  }
0xaa: {  	s25 =	simm.s32 $0x1B8E;
	s24 =	sld [smem:$0x3FFE];
	[sflag:s23] =	ssyncadd.s32 $0xFFFFFFFF  }
0xab: {  	s26 =	simm.s32 $execute0_lowered;
	[smem:$0x3FD2] =	sst s25  }
0xac: {  	s6 =	sshll.u32 s26, $0x1;
	_ =	strace $0x80000046;
	[dreg:$0x1] =	wrdreg $0xFFFFFFFF  }
0xad: {  	s28 =	simm.s32 $_size_execute0_lowered;
	s4 =	sadd.s32 s4, s6;
	[dreg:$0x0] =	wrdreg $0x0  }
0xae: {  	s6 =	sshll.u32 s28, $0x1;
	[dreg:$0x2] =	wrdreg s4  }
0xaf: {  	[dreg:$0x3] =	wrdreg s6  }
0xb0: {  	[dreg:$0x4] =	wrdreg $0xC0  }
0xb1: {  	_ =	task [dreg:s8], $0x5FFFF  }
0xb2: {  	[dreg:$0x1] =	wrdreg $0xFFFFFFFF  }
0xb3: {  	[dreg:$0x0] =	wrdreg $0x60  }
0xb4: {  	[dreg:$0x2] =	wrdreg s17  }
0xb5: {  	[dreg:$0x3] =	wrdreg s16  }
0xb6: {  	[dreg:$0x4] =	wrdreg s24  }
0xb7: {  	[dreg:$0x5] =	wrdreg $0x88000  }
0xb8: {  	[dreg:$0x6] =	wrdreg $0x9  }
0xb9: {  	_ =	task.clear_ibuf [dreg:s8], $0x7FFFF;
	_ =	strace $0x90000046  }
0xba: {  	s29 =	simm.s32 $0x9;
	_ =	strace $0x80000048  }
0xbb: {  	_ =	swait.ge [sflag:s29], $0x1  }
0xbc: {  	[sflag:s29] =	ssyncadd.s32 $0xFFFFFFFF  }
0xbd: {  	_ =	strace $0x90000048  }
0xbe: {  	_ =	sfence  }
0xbf: {  	s30 =	sld [smem:$0x0];
	_ =	sdelay $0x2  }
0xc0: {  	s31 =	sshll.u32 s1, $0xD;
	s1 =	sshrl.u32 s1, $0x2  }
0xc1: {  	s3 =	sand.u32 $0x4000, s31;
	s1 =	sadd.s32 s1, s30  }
0xc2: {  	s0 =	sor.u32 s3, s0;
	s1 =	sshll.u32 s1, $0x11  }
0xc3: {  	s0 =	sor.u32 s1, s0  }
0xc4: {  	s0 =	sadd.s32 $0x8F2B, s0  }
0xc5: {  	[sflag:s0] =	ssyncadd.remote.s32 $0x1  }
0xc6: {  	_ =	sfence.sel $0xFFFF  }
0xc7: {  	[dreg:$0x0] =	wrdreg $0xFFFFFFFF;
	(pc) =	sbr.abs _section_cstart, $3  }
0xc8: {  	[dreg:$0x1] =	wrdreg $0xFFFFFFFF  }
0xc9: {  	_ =	task.clear_ibuf [dreg:s8], $0x2FFFF;
	_ =	strace $0x9FFFFFFF  }
0xca: {  	(tm) =	ssettm $0x7FFFFFFF  }
0xcb: {  	_ =	shalt  }
tec
execute0_lowered:
.L_overlay_start_1:
0x0: {  	(tag) =	ssettag $0x1  }
0x1: {  	s0 =	rddreg [dreg:$0x0]  }
0x2: {  	s1 =	rddreg [dreg:$0x1]  }
0x3: {  	s2 =	srdreg.scid;
	s5 =	rddreg [dreg:$0x2]  }
0x4: {  	s12 =	stileid.u32;
	s3 =	rddreg [dreg:$0x3]  }
0x5: {  	s4 =	simm.s32 $0x0;
	s21 =	simm.s32 $0xC0;
	s13 =	simm.s32 $0x800  }
0x6: {  	s22 =	simm.s32 $0x100;
	s14 =	simm.s32 $0x2800;
	s23 =	simm.s32 $0x140  }
0x7: {  	s24 =	simm.s32 $0x480;
	s25 =	simm.s32 $0x180;
	s26 =	simm.s32 $0x1C0  }
0x8: {  	s28 =	simm.s32 $0x300;
	s29 =	simm.s32 $0x340;
	[smem:$0x7FF] =	sst s4  }
0x9: {  	s30 =	simm.s32 $0x680;
	_ =	strace $0x80000047;
	[dreg:$0x7] =	wrdreg s21  }
0xa: {  	s31 =	simm.s32 $0x380;
	s7 =	smul.u32 $0x2800, s12;
	[dreg:$0x8] =	wrdreg s22  }
0xb: {  	s2 =	sand.u32 $0x1, s2;
	s15 =	smul.u32 $0x2780, s12;
	[dreg:$0x9] =	wrdreg s23  }
0xc: {  	s10 =	smul.u32 $0x4F000, s12;
	s19 =	sshll.u32 s12, $0x6;
	[dreg:$0xa] =	wrdreg s24  }
0xd: {  	s12 =	simm.s32 $0x40;
	s6 =	smul.u32 $0x28000, s2;
	[dreg:$0xb] =	wrdreg s25  }
0xe: {  	s8 =	smul.u32 $0x27800, s2;
	s2 =	ssub.s32 $0x2, s2;
	[dreg:$0xc] =	wrdreg s26  }
0xf: {  	s21 =	simm.s32 $0x200;
	s22 =	simm.s32 $0x240;
	s23 =	simm.s32 $0x580  }
0x10: {  	s24 =	simm.s32 $0x280;
	s25 =	simm.s32 $0x2C0;
	s26 =	simm.s32 $0x600  }
0x11: {  	s11 =	sadd.s32 s15, s5;
	s16 =	sshrl.u32 s2, $0x1;
	s17 =	sshrl.u32 s10, $0x2  }
0x12: {  	s10 =	simm.s32 $0x3;
	s6 =	sadd.s32 s7, s6;
	s7 =	sadd.s32 s15, s8  }
0x13: {  	s2 =	ssub.s32 s2, s16;
	s18 =	sadd.s32 $0x10E00, s11;
	s8 =	sor.u32 $0x1C03, s19  }
0x14: {  	s11 =	simm.s32 $0x400;
	s15 =	simm.s32 $0x80;
	s16 =	simm.s32 $0x4800  }
0x15: {  	s19 =	simm.s32 $0x2;
	s6 =	sshrl.u32 s6, $0x3;
	[dreg:$0xd] =	wrdreg s18  }
0x16: {  	s2 =	smax.u32 s2, $0x1;
	s18 =	simm.s32 $0x1;
	[dreg:$0xe] =	wrdreg s8  }
0x17: {  	s9 =	sadd.s32 s6, s5;
	s5 =	sadd.s32 s7, s5;
	s7 =	sadd.s32 s17, s3  }
0x18: {  	[dreg:$0x10] =	wrdreg s2;
	s1 =	sadd.s32 s6, s1;
	s17 =	simm.s32 $0x6800  }
0x19: {  	s2 =	simm.s32 $0x3C0;
	s5 =	sadd.s32 $0x38600, s5;
	[dreg:$0x6] =	wrdreg s1  }
0x1a: {  	s20 =	sadd.s32 $0x6E00, s9;
	s7 =	sshrl.u32 s7, $0x3;
	[dreg:$0xf] =	wrdreg s5  }
0x1b: {  	s1 =	simm.s32 $0x700;
	s9 =	simm.s32 $0x0;
	[dreg:$0x5] =	wrdreg s20  }
0x1c: {  	s20 =	simm.s32 $0x500;
	s5 =	simm.s32 $0x780;
	[dreg:$0x11] =	wrdreg s7  }
.LBB2_1:
0x1d: {  	[dreg:$0x12] =	wrdreg s9  }
0x1e: {  	s6 =	rddreg [dreg:$0xd]  }
0x1f: {  	[spmem:s7], [sflag:s8] =	dma.local [hbm:s6], $0x2780  }
0x20: {  	_ =	swait.ge [sflag:s10], $0x2780  }
0x21: {  	[sflag:s10] =	ssyncset.done $0x0  }
0x22: {  	[sflag:s10] =	ssyncadd.s32 $0xFFFFD880  }
0x23: {  	[bflag:$0x0] =	sbarrier.arrive $0xFFFF  }
0x24: {  	s8 =	rddreg [dreg:$0x6]  }
0x25: {  	s6 =	sadd.s32 $0x0, s8  }
0x26: {  	[tilespmem:s4], [sflag:$0x3] =	stream.linear.gather [hbm4b:s6+s4], $0x400, $0x38;
	[tilespmem:$0x1C400] =	vst v63  }
0x27: {  	_ =	swait.ge [sflag:s10], $0x400  }
0x28: {  	s9 =	rddreg [dreg:$0x5];
	[sflag:s10] =	ssyncset.done $0x0  }
0x29: {  	[sflag:s10] =	ssyncadd.s32 $0xFFFFFC00;
	s6 =	sadd.s32 $0x0, s9  }
0x2a: {  	[tilespmem:s11], [sflag:$0x3] =	stream.linear.gather [hbm4b:s6+s4], $0x400, $0x38;
	[tilespmem:$0x1C400] =	vst v63  }
0x2b: {  	_ =	swait.ge [sflag:s10], $0x400  }
0x2c: {  	[sflag:s10] =	ssyncset.done $0x0  }
0x2d: {  	[sflag:s10] =	ssyncadd.s32 $0xFFFFFC00  }
0x2e: {  	[tilespmem:s13], [sflag:$0x1] =	stream.indirect.gather [hbm4b:s0+s12], $0x80, s4, s12, $0xb8;
	[tilespmem:$0x1C400] =	vst v63  }
0x2f: {  	_ = 	snop  }
0x30: {  	[tilespmem:s14], [sflag:$0x1] =	stream.indirect.gather [hbm4b:s0+s12], $0x80, s12, s12, $0xb8;
	[tilespmem:$0x1C400] =	vst v63  }
0x31: {  	_ = 	snop  }
0x32: {  	[tilespmem:s16], [sflag:$0x2] =	stream.indirect.gather [hbm4b:s0+s12], $0x80, s15, s12, $0xb8;
	[tilespmem:$0x1C400] =	vst v63  }
0x33: {  	s7 =	rddreg [dreg:$0x7]  }
0x34: {  	[tilespmem:s17], [sflag:$0x2] =	stream.indirect.gather [hbm4b:s0+s12], $0x80, s7, s12, $0xb8;
	[tilespmem:$0x1C400] =	vst v63  }
0x35: {  	_ =	swait.ge [sflag:s18], $0x2000  }
0x36: {  	[sflag:s18] =	ssyncset.done $0x0  }
0x37: {  	[sflag:s18] =	ssyncadd.s32 $0xFFFFE000  }
0x38: {  	_ =	swait.ge [sflag:s18], $0x2000  }
0x39: {  	[sflag:s18] =	ssyncset.done $0x0  }
0x3a: {  	[sflag:s18] =	ssyncadd.s32 $0xFFFFE000  }
0x3b: {  	[spmem:s3] =	stream.indirect.scatter.add.f32 [tilespmem:s13], [sflag:$0x3], $0x80, s11, s15, $0xb8;
	[tilespmem:$0x1C400] =	vst v63  }
0x3c: {  	_ =	swait.ge [sflag:s10], $0x4000  }
0x3d: {  	[sflag:s10] =	ssyncset.done $0x0  }
0x3e: {  	s8 =	rddreg [dreg:$0x8];
	[sflag:s10] =	ssyncadd.s32 $0xFFFFC000  }
0x3f: {  	[tilespmem:s13], [sflag:$0x1] =	stream.indirect.gather [hbm4b:s0+s12], $0x80, s8, s12, $0xb8;
	[tilespmem:$0x1C400] =	vst v63  }
0x40: {  	s9 =	rddreg [dreg:$0x9]  }
0x41: {  	[tilespmem:s14], [sflag:$0x1] =	stream.indirect.gather [hbm4b:s0+s12], $0x80, s9, s12, $0xb8;
	[tilespmem:$0x1C400] =	vst v63  }
0x42: {  	_ =	swait.ge [sflag:s19], $0x2000  }
0x43: {  	[sflag:s19] =	ssyncset.done $0x0  }
0x44: {  	[sflag:s19] =	ssyncadd.s32 $0xFFFFE000  }
0x45: {  	_ =	swait.ge [sflag:s19], $0x2000  }
0x46: {  	[sflag:s19] =	ssyncset.done $0x0  }
0x47: {  	s7 =	rddreg [dreg:$0xa];
	[sflag:s19] =	ssyncadd.s32 $0xFFFFE000  }
0x48: {  	[spmem:s3] =	stream.indirect.scatter.add.f32 [tilespmem:s16], [sflag:$0x3], $0x80, s7, s15, $0xb8;
	[tilespmem:$0x1C400] =	vst v63  }
0x49: {  	_ =	swait.ge [sflag:s10], $0x4000  }
0x4a: {  	[sflag:s10] =	ssyncset.done $0x0  }
0x4b: {  	s8 =	rddreg [dreg:$0xb];
	[sflag:s10] =	ssyncadd.s32 $0xFFFFC000  }
0x4c: {  	[tilespmem:s16], [sflag:$0x2] =	stream.indirect.gather [hbm4b:s0+s12], $0x80, s8, s12, $0xb8;
	[tilespmem:$0x1C400] =	vst v63  }
0x4d: {  	s9 =	rddreg [dreg:$0xc]  }
0x4e: {  	[tilespmem:s17], [sflag:$0x2] =	stream.indirect.gather [hbm4b:s0+s12], $0x80, s9, s12, $0xb8;
	[tilespmem:$0x1C400] =	vst v63  }
0x4f: {  	_ =	swait.ge [sflag:s18], $0x2000  }
0x50: {  	[sflag:s18] =	ssyncset.done $0x0  }
0x51: {  	[sflag:s18] =	ssyncadd.s32 $0xFFFFE000  }
0x52: {  	_ =	swait.ge [sflag:s18], $0x2000  }
0x53: {  	[sflag:s18] =	ssyncset.done $0x0  }
0x54: {  	[sflag:s18] =	ssyncadd.s32 $0xFFFFE000  }
0x55: {  	[spmem:s3] =	stream.indirect.scatter.add.f32 [tilespmem:s13], [sflag:$0x3], $0x80, s20, s15, $0xb8;
	[tilespmem:$0x1C400] =	vst v63  }
0x56: {  	_ =	swait.ge [sflag:s10], $0x4000  }
0x57: {  	[sflag:s10] =	ssyncset.done $0x0  }
0x58: {  	[sflag:s10] =	ssyncadd.s32 $0xFFFFC000  }
0x59: {  	[tilespmem:s13], [sflag:$0x1] =	stream.indirect.gather [hbm4b:s0+s12], $0x80, s21, s12, $0xb8;
	[tilespmem:$0x1C400] =	vst v63  }
0x5a: {  	_ = 	snop  }
0x5b: {  	[tilespmem:s14], [sflag:$0x1] =	stream.indirect.gather [hbm4b:s0+s12], $0x80, s22, s12, $0xb8;
	[tilespmem:$0x1C400] =	vst v63  }
0x5c: {  	_ =	swait.ge [sflag:s19], $0x2000  }
0x5d: {  	[sflag:s19] =	ssyncset.done $0x0  }
0x5e: {  	[sflag:s19] =	ssyncadd.s32 $0xFFFFE000  }
0x5f: {  	_ =	swait.ge [sflag:s19], $0x2000  }
0x60: {  	[sflag:s19] =	ssyncset.done $0x0  }
0x61: {  	[sflag:s19] =	ssyncadd.s32 $0xFFFFE000  }
0x62: {  	[spmem:s3] =	stream.indirect.scatter.add.f32 [tilespmem:s16], [sflag:$0x3], $0x80, s23, s15, $0xb8;
	[tilespmem:$0x1C400] =	vst v63  }
0x63: {  	_ =	swait.ge [sflag:s10], $0x4000  }
0x64: {  	[sflag:s10] =	ssyncset.done $0x0  }
0x65: {  	[sflag:s10] =	ssyncadd.s32 $0xFFFFC000  }
0x66: {  	[tilespmem:s16], [sflag:$0x2] =	stream.indirect.gather [hbm4b:s0+s12], $0x80, s24, s12, $0xb8;
	[tilespmem:$0x1C400] =	vst v63  }
0x67: {  	_ = 	snop  }
0x68: {  	[tilespmem:s17], [sflag:$0x2] =	stream.indirect.gather [hbm4b:s0+s12], $0x80, s25, s12, $0xb8;
	[tilespmem:$0x1C400] =	vst v63  }
0x69: {  	_ =	swait.ge [sflag:s18], $0x2000  }
0x6a: {  	[sflag:s18] =	ssyncset.done $0x0  }
0x6b: {  	[sflag:s18] =	ssyncadd.s32 $0xFFFFE000  }
0x6c: {  	_ =	swait.ge [sflag:s18], $0x2000  }
0x6d: {  	[sflag:s18] =	ssyncset.done $0x0  }
0x6e: {  	[sflag:s18] =	ssyncadd.s32 $0xFFFFE000  }
0x6f: {  	[spmem:s3] =	stream.indirect.scatter.add.f32 [tilespmem:s13], [sflag:$0x3], $0x80, s26, s15, $0xb8;
	[tilespmem:$0x1C400] =	vst v63  }
0x70: {  	_ =	swait.ge [sflag:s10], $0x4000  }
0x71: {  	[sflag:s10] =	ssyncset.done $0x0  }
0x72: {  	[sflag:s10] =	ssyncadd.s32 $0xFFFFC000  }
0x73: {  	[tilespmem:s13], [sflag:$0x1] =	stream.indirect.gather [hbm4b:s0+s12], $0x80, s28, s12, $0xb8;
	[tilespmem:$0x1C400] =	vst v63  }
0x74: {  	_ = 	snop  }
0x75: {  	[tilespmem:s14], [sflag:$0x1] =	stream.indirect.gather [hbm4b:s0+s12], $0x80, s29, s12, $0xb8;
	[tilespmem:$0x1C400] =	vst v63  }
0x76: {  	_ =	swait.ge [sflag:s19], $0x2000  }
0x77: {  	[sflag:s19] =	ssyncset.done $0x0  }
0x78: {  	[sflag:s19] =	ssyncadd.s32 $0xFFFFE000  }
0x79: {  	_ =	swait.ge [sflag:s19], $0x2000  }
0x7a: {  	[sflag:s19] =	ssyncset.done $0x0  }
0x7b: {  	[sflag:s19] =	ssyncadd.s32 $0xFFFFE000  }
0x7c: {  	[spmem:s3] =	stream.indirect.scatter.add.f32 [tilespmem:s16], [sflag:$0x3], $0x80, s30, s15, $0xb8;
	[tilespmem:$0x1C400] =	vst v63  }
0x7d: {  	_ =	swait.ge [sflag:s10], $0x4000  }
0x7e: {  	[sflag:s10] =	ssyncset.done $0x0  }
0x7f: {  	[sflag:s10] =	ssyncadd.s32 $0xFFFFC000  }
0x80: {  	[tilespmem:s16], [sflag:$0x2] =	stream.indirect.gather [hbm4b:s0+s12], $0x80, s31, s12, $0xb8;
	[tilespmem:$0x1C400] =	vst v63  }
0x81: {  	_ = 	snop  }
0x82: {  	[tilespmem:s17], [sflag:$0x2] =	stream.indirect.gather [hbm4b:s0+s12], $0x80, s2, s12, $0xb8;
	[tilespmem:$0x1C400] =	vst v63  }
0x83: {  	_ =	swait.ge [sflag:s18], $0x2000  }
0x84: {  	[sflag:s18] =	ssyncset.done $0x0  }
0x85: {  	[sflag:s18] =	ssyncadd.s32 $0xFFFFE000  }
0x86: {  	_ =	swait.ge [sflag:s18], $0x2000  }
0x87: {  	[sflag:s18] =	ssyncset.done $0x0  }
0x88: {  	[sflag:s18] =	ssyncadd.s32 $0xFFFFE000  }
0x89: {  	[spmem:s3] =	stream.indirect.scatter.add.f32 [tilespmem:s13], [sflag:$0x3], $0x80, s1, s15, $0xb8;
	[tilespmem:$0x1C400] =	vst v63  }
0x8a: {  	_ =	swait.ge [sflag:s10], $0x4000  }
0x8b: {  	[sflag:s10] =	ssyncset.done $0x0  }
0x8c: {  	[sflag:s10] =	ssyncadd.s32 $0xFFFFC000  }
0x8d: {  	_ =	swait.ge [sflag:s19], $0x2000  }
0x8e: {  	[sflag:s19] =	ssyncset.done $0x0  }
0x8f: {  	[sflag:s19] =	ssyncadd.s32 $0xFFFFE000  }
0x90: {  	_ =	swait.ge [sflag:s19], $0x2000  }
0x91: {  	[sflag:s19] =	ssyncset.done $0x0  }
0x92: {  	[sflag:s19] =	ssyncadd.s32 $0xFFFFE000  }
0x93: {  	[spmem:s3] =	stream.indirect.scatter.add.f32 [tilespmem:s16], [sflag:$0x3], $0x80, s5, s15, $0xb8;
	[tilespmem:$0x1C400] =	vst v63  }
0x94: {  	s6 =	simm.s32 $0x100;
	_ =	swait.ge [sflag:s10], $0x4000  }
0x95: {  	s8 =	simm.s32 $0x80;
	s9 =	rddreg [dreg:$0x6];
	[sflag:s10] =	ssyncset.done $0x0  }
.LBB2_2:
0x96: {  	[sflag:s10] =	ssyncadd.s32 $0xFFFFC000;
	s9 =	sadd.s32 s8, s9  }
0x97: {  	[tilespmem:s4], [sflag:$0x3] =	stream.linear.gather [hbm4b:s9+s4], $0x400, $0x38;
	[tilespmem:$0x1C400] =	vst v63  }
0x98: {  	_ =	swait.ge [sflag:s10], $0x400  }
0x99: {  	s9 =	rddreg [dreg:$0x5];
	[sflag:s10] =	ssyncset.done $0x0  }
0x9a: {  	[sflag:s10] =	ssyncadd.s32 $0xFFFFFC00;
	s9 =	sadd.s32 s8, s9  }
0x9b: {  	[tilespmem:s11], [sflag:$0x3] =	stream.linear.gather [hbm4b:s9+s4], $0x400, $0x38;
	[tilespmem:$0x1C400] =	vst v63  }
0x9c: {  	_ =	swait.ge [sflag:s10], $0x400  }
0x9d: {  	[sflag:s10] =	ssyncset.done $0x0  }
0x9e: {  	[sflag:s10] =	ssyncadd.s32 $0xFFFFFC00  }
0x9f: {  	[tilespmem:s13], [sflag:$0x1] =	stream.indirect.gather [hbm4b:s0+s12], $0x80, s4, s12, $0xb8;
	[tilespmem:$0x1C400] =	vst v63  }
0xa0: {  	_ = 	snop  }
0xa1: {  	[tilespmem:s14], [sflag:$0x1] =	stream.indirect.gather [hbm4b:s0+s12], $0x80, s12, s12, $0xb8;
	[tilespmem:$0x1C400] =	vst v63  }
0xa2: {  	_ = 	snop  }
0xa3: {  	[tilespmem:s16], [sflag:$0x2] =	stream.indirect.gather [hbm4b:s0+s12], $0x80, s15, s12, $0xb8;
	[tilespmem:$0x1C400] =	vst v63  }
0xa4: {  	s9 =	rddreg [dreg:$0x7]  }
0xa5: {  	[tilespmem:s17], [sflag:$0x2] =	stream.indirect.gather [hbm4b:s0+s12], $0x80, s9, s12, $0xb8;
	[tilespmem:$0x1C400] =	vst v63  }
0xa6: {  	_ =	swait.ge [sflag:s18], $0x2000  }
0xa7: {  	[sflag:s18] =	ssyncset.done $0x0  }
0xa8: {  	[sflag:s18] =	ssyncadd.s32 $0xFFFFE000  }
0xa9: {  	_ =	swait.ge [sflag:s18], $0x2000  }
0xaa: {  	[sflag:s18] =	ssyncset.done $0x0  }
0xab: {  	[sflag:s18] =	ssyncadd.s32 $0xFFFFE000  }
0xac: {  	[spmem:s3] =	stream.indirect.scatter.add.f32 [tilespmem:s13], [sflag:$0x3], $0x80, s11, s15, $0xb8;
	[tilespmem:$0x1C400] =	vst v63  }
0xad: {  	_ =	swait.ge [sflag:s10], $0x4000  }
0xae: {  	s7 =	smov.u32 s6;
	[sflag:s10] =	ssyncset.done $0x0  }
0xaf: {  	s8 =	smov.u32 s7;
	s7 =	rddreg [dreg:$0x8];
	[sflag:s10] =	ssyncadd.s32 $0xFFFFC000  }
0xb0: {  	[tilespmem:s13], [sflag:$0x1] =	stream.indirect.gather [hbm4b:s0+s12], $0x80, s7, s12, $0xb8;
	[tilespmem:$0x1C400] =	vst v63  }
0xb1: {  	s9 =	rddreg [dreg:$0x9]  }
0xb2: {  	[tilespmem:s14], [sflag:$0x1] =	stream.indirect.gather [hbm4b:s0+s12], $0x80, s9, s12, $0xb8;
	[tilespmem:$0x1C400] =	vst v63  }
0xb3: {  	_ =	swait.ge [sflag:s19], $0x2000  }
0xb4: {  	[sflag:s19] =	ssyncset.done $0x0  }
0xb5: {  	[sflag:s19] =	ssyncadd.s32 $0xFFFFE000  }
0xb6: {  	_ =	swait.ge [sflag:s19], $0x2000  }
0xb7: {  	[sflag:s19] =	ssyncset.done $0x0  }
0xb8: {  	s9 =	rddreg [dreg:$0xa];
	[sflag:s19] =	ssyncadd.s32 $0xFFFFE000  }
0xb9: {  	[spmem:s3] =	stream.indirect.scatter.add.f32 [tilespmem:s16], [sflag:$0x3], $0x80, s9, s15, $0xb8;
	[tilespmem:$0x1C400] =	vst v63  }
0xba: {  	_ =	swait.ge [sflag:s10], $0x4000  }
0xbb: {  	[sflag:s10] =	ssyncset.done $0x0  }
0xbc: {  	s7 =	rddreg [dreg:$0xb];
	[sflag:s10] =	ssyncadd.s32 $0xFFFFC000  }
0xbd: {  	[tilespmem:s16], [sflag:$0x2] =	stream.indirect.gather [hbm4b:s0+s12], $0x80, s7, s12, $0xb8;
	[tilespmem:$0x1C400] =	vst v63  }
0xbe: {  	s9 =	rddreg [dreg:$0xc]  }
0xbf: {  	[tilespmem:s17], [sflag:$0x2] =	stream.indirect.gather [hbm4b:s0+s12], $0x80, s9, s12, $0xb8;
	[tilespmem:$0x1C400] =	vst v63  }
0xc0: {  	_ =	swait.ge [sflag:s18], $0x2000  }
0xc1: {  	[sflag:s18] =	ssyncset.done $0x0  }
0xc2: {  	[sflag:s18] =	ssyncadd.s32 $0xFFFFE000  }
0xc3: {  	_ =	swait.ge [sflag:s18], $0x2000  }
0xc4: {  	[sflag:s18] =	ssyncset.done $0x0  }
0xc5: {  	[sflag:s18] =	ssyncadd.s32 $0xFFFFE000  }
0xc6: {  	[spmem:s3] =	stream.indirect.scatter.add.f32 [tilespmem:s13], [sflag:$0x3], $0x80, s20, s15, $0xb8;
	[tilespmem:$0x1C400] =	vst v63  }
0xc7: {  	_ =	swait.ge [sflag:s10], $0x4000  }
0xc8: {  	[sflag:s10] =	ssyncset.done $0x0  }
0xc9: {  	[sflag:s10] =	ssyncadd.s32 $0xFFFFC000  }
0xca: {  	[tilespmem:s13], [sflag:$0x1] =	stream.indirect.gather [hbm4b:s0+s12], $0x80, s21, s12, $0xb8;
	[tilespmem:$0x1C400] =	vst v63  }
0xcb: {  	_ = 	snop  }
0xcc: {  	[tilespmem:s14], [sflag:$0x1] =	stream.indirect.gather [hbm4b:s0+s12], $0x80, s22, s12, $0xb8;
	[tilespmem:$0x1C400] =	vst v63  }
0xcd: {  	_ =	swait.ge [sflag:s19], $0x2000  }
0xce: {  	[sflag:s19] =	ssyncset.done $0x0  }
0xcf: {  	[sflag:s19] =	ssyncadd.s32 $0xFFFFE000  }
0xd0: {  	_ =	swait.ge [sflag:s19], $0x2000  }
0xd1: {  	[sflag:s19] =	ssyncset.done $0x0  }
0xd2: {  	[sflag:s19] =	ssyncadd.s32 $0xFFFFE000  }
0xd3: {  	[spmem:s3] =	stream.indirect.scatter.add.f32 [tilespmem:s16], [sflag:$0x3], $0x80, s23, s15, $0xb8;
	[tilespmem:$0x1C400] =	vst v63  }
0xd4: {  	_ =	swait.ge [sflag:s10], $0x4000  }
0xd5: {  	[sflag:s10] =	ssyncset.done $0x0  }
0xd6: {  	[sflag:s10] =	ssyncadd.s32 $0xFFFFC000  }
0xd7: {  	[tilespmem:s16], [sflag:$0x2] =	stream.indirect.gather [hbm4b:s0+s12], $0x80, s24, s12, $0xb8;
	[tilespmem:$0x1C400] =	vst v63  }
0xd8: {  	_ = 	snop  }
0xd9: {  	[tilespmem:s17], [sflag:$0x2] =	stream.indirect.gather [hbm4b:s0+s12], $0x80, s25, s12, $0xb8;
	[tilespmem:$0x1C400] =	vst v63  }
0xda: {  	_ =	swait.ge [sflag:s18], $0x2000  }
0xdb: {  	[sflag:s18] =	ssyncset.done $0x0  }
0xdc: {  	[sflag:s18] =	ssyncadd.s32 $0xFFFFE000  }
0xdd: {  	_ =	swait.ge [sflag:s18], $0x2000  }
0xde: {  	[sflag:s18] =	ssyncset.done $0x0  }
0xdf: {  	[sflag:s18] =	ssyncadd.s32 $0xFFFFE000  }
0xe0: {  	[spmem:s3] =	stream.indirect.scatter.add.f32 [tilespmem:s13], [sflag:$0x3], $0x80, s26, s15, $0xb8;
	[tilespmem:$0x1C400] =	vst v63  }
0xe1: {  	_ =	swait.ge [sflag:s10], $0x4000  }
0xe2: {  	[sflag:s10] =	ssyncset.done $0x0  }
0xe3: {  	[sflag:s10] =	ssyncadd.s32 $0xFFFFC000  }
0xe4: {  	[tilespmem:s13], [sflag:$0x1] =	stream.indirect.gather [hbm4b:s0+s12], $0x80, s28, s12, $0xb8;
	[tilespmem:$0x1C400] =	vst v63  }
0xe5: {  	_ = 	snop  }
0xe6: {  	[tilespmem:s14], [sflag:$0x1] =	stream.indirect.gather [hbm4b:s0+s12], $0x80, s29, s12, $0xb8;
	[tilespmem:$0x1C400] =	vst v63  }
0xe7: {  	_ =	swait.ge [sflag:s19], $0x2000  }
0xe8: {  	[sflag:s19] =	ssyncset.done $0x0  }
0xe9: {  	[sflag:s19] =	ssyncadd.s32 $0xFFFFE000  }
0xea: {  	_ =	swait.ge [sflag:s19], $0x2000  }
0xeb: {  	[sflag:s19] =	ssyncset.done $0x0  }
0xec: {  	[sflag:s19] =	ssyncadd.s32 $0xFFFFE000  }
0xed: {  	[spmem:s3] =	stream.indirect.scatter.add.f32 [tilespmem:s16], [sflag:$0x3], $0x80, s30, s15, $0xb8;
	[tilespmem:$0x1C400] =	vst v63  }
0xee: {  	_ =	swait.ge [sflag:s10], $0x4000  }
0xef: {  	[sflag:s10] =	ssyncset.done $0x0  }
0xf0: {  	[sflag:s10] =	ssyncadd.s32 $0xFFFFC000  }
0xf1: {  	[tilespmem:s16], [sflag:$0x2] =	stream.indirect.gather [hbm4b:s0+s12], $0x80, s31, s12, $0xb8;
	[tilespmem:$0x1C400] =	vst v63  }
0xf2: {  	_ = 	snop  }
0xf3: {  	[tilespmem:s17], [sflag:$0x2] =	stream.indirect.gather [hbm4b:s0+s12], $0x80, s2, s12, $0xb8;
	[tilespmem:$0x1C400] =	vst v63  }
0xf4: {  	_ =	swait.ge [sflag:s18], $0x2000  }
0xf5: {  	[sflag:s18] =	ssyncset.done $0x0  }
0xf6: {  	[sflag:s18] =	ssyncadd.s32 $0xFFFFE000  }
0xf7: {  	_ =	swait.ge [sflag:s18], $0x2000  }
0xf8: {  	[sflag:s18] =	ssyncset.done $0x0  }
0xf9: {  	[sflag:s18] =	ssyncadd.s32 $0xFFFFE000  }
0xfa: {  	[spmem:s3] =	stream.indirect.scatter.add.f32 [tilespmem:s13], [sflag:$0x3], $0x80, s1, s15, $0xb8;
	[tilespmem:$0x1C400] =	vst v63  }
0xfb: {  	_ =	swait.ge [sflag:s10], $0x4000  }
0xfc: {  	[sflag:s10] =	ssyncset.done $0x0  }
0xfd: {  	[sflag:s10] =	ssyncadd.s32 $0xFFFFC000  }
0xfe: {  	_ =	swait.ge [sflag:s19], $0x2000  }
0xff: {  	[sflag:s19] =	ssyncset.done $0x0  }
0x100: {  	[sflag:s19] =	ssyncadd.s32 $0xFFFFE000  }
0x101: {  	p0 =	sne.s32 s6, $0x480;
	_ =	swait.ge [sflag:s19], $0x2000  }
.Ltmp0:
0x102: {  	[sflag:s19] =	ssyncset.done $0x0;
	(pc) =	sbr.rel @p0 .LBB2_2-.Ltmp0, $4  }
0x103: {  	[sflag:s19] =	ssyncadd.s32 $0xFFFFE000  }
0x104: {  	[spmem:s3] =	stream.indirect.scatter.add.f32 [tilespmem:s16], [sflag:$0x3], $0x80, s5, s15, $0xb8;
	[tilespmem:$0x1C400] =	vst v63  }
0x105: {  	_ =	swait.ge [sflag:s10], $0x4000  }
0x106: {  	s6 =	sadd.s32 $0x80, s6;
	s9 =	rddreg [dreg:$0x6];
	[sflag:s10] =	ssyncset.done $0x0  }
0x107: {  	[sflag:s10] =	ssyncadd.s32 $0xFFFFC000;
	s6 =	sadd.s32 s8, s9  }
0x108: {  	[tilespmem:s4], [sflag:$0x3] =	stream.linear.gather [hbm4b:s6+s4], $0x400, $0x38;
	[tilespmem:$0x1C400] =	vst v63  }
0x109: {  	_ =	swait.ge [sflag:s10], $0x400  }
0x10a: {  	s9 =	rddreg [dreg:$0x5];
	[sflag:s10] =	ssyncset.done $0x0  }
0x10b: {  	[sflag:s10] =	ssyncadd.s32 $0xFFFFFC00;
	s6 =	sadd.s32 s8, s9  }
0x10c: {  	[tilespmem:s11], [sflag:$0x3] =	stream.linear.gather [hbm4b:s6+s4], $0x400, $0x38;
	[tilespmem:$0x1C400] =	vst v63  }
0x10d: {  	_ =	swait.ge [sflag:s10], $0x400  }
0x10e: {  	[sflag:s10] =	ssyncset.done $0x0  }
0x10f: {  	[sflag:s10] =	ssyncadd.s32 $0xFFFFFC00  }
0x110: {  	[tilespmem:s13], [sflag:$0x1] =	stream.indirect.gather [hbm4b:s0+s12], $0x80, s4, s12, $0xb8;
	[tilespmem:$0x1C400] =	vst v63  }
0x111: {  	_ = 	snop  }
0x112: {  	[tilespmem:s14], [sflag:$0x1] =	stream.indirect.gather [hbm4b:s0+s12], $0x80, s12, s12, $0xb8;
	[tilespmem:$0x1C400] =	vst v63  }
0x113: {  	_ = 	snop  }
0x114: {  	[tilespmem:s16], [sflag:$0x2] =	stream.indirect.gather [hbm4b:s0+s12], $0x80, s15, s12, $0xb8;
	[tilespmem:$0x1C400] =	vst v63  }
0x115: {  	s7 =	rddreg [dreg:$0x7]  }
0x116: {  	[tilespmem:s17], [sflag:$0x2] =	stream.indirect.gather [hbm4b:s0+s12], $0x80, s7, s12, $0xb8;
	[tilespmem:$0x1C400] =	vst v63  }
0x117: {  	_ =	swait.ge [sflag:s18], $0x2000  }
0x118: {  	[sflag:s18] =	ssyncset.done $0x0  }
0x119: {  	[sflag:s18] =	ssyncadd.s32 $0xFFFFE000  }
0x11a: {  	_ =	swait.ge [sflag:s18], $0x2000  }
0x11b: {  	[sflag:s18] =	ssyncset.done $0x0  }
0x11c: {  	[sflag:s18] =	ssyncadd.s32 $0xFFFFE000  }
0x11d: {  	[spmem:s3] =	stream.indirect.scatter.add.f32 [tilespmem:s13], [sflag:$0x3], $0x80, s11, s15, $0xb8;
	[tilespmem:$0x1C400] =	vst v63  }
0x11e: {  	_ =	swait.ge [sflag:s10], $0x4000  }
0x11f: {  	[sflag:s10] =	ssyncset.done $0x0  }
0x120: {  	s8 =	rddreg [dreg:$0x8];
	[sflag:s10] =	ssyncadd.s32 $0xFFFFC000  }
0x121: {  	[tilespmem:s13], [sflag:$0x1] =	stream.indirect.gather [hbm4b:s0+s12], $0x80, s8, s12, $0xb8;
	[tilespmem:$0x1C400] =	vst v63  }
0x122: {  	s7 =	rddreg [dreg:$0x9]  }
0x123: {  	[tilespmem:s14], [sflag:$0x1] =	stream.indirect.gather [hbm4b:s0+s12], $0x80, s7, s12, $0xb8;
	[tilespmem:$0x1C400] =	vst v63  }
0x124: {  	_ =	swait.ge [sflag:s19], $0x2000  }
0x125: {  	[sflag:s19] =	ssyncset.done $0x0  }
0x126: {  	[sflag:s19] =	ssyncadd.s32 $0xFFFFE000  }
0x127: {  	_ =	swait.ge [sflag:s19], $0x2000  }
0x128: {  	[sflag:s19] =	ssyncset.done $0x0  }
0x129: {  	s9 =	rddreg [dreg:$0xa];
	[sflag:s19] =	ssyncadd.s32 $0xFFFFE000  }
0x12a: {  	[spmem:s3] =	stream.indirect.scatter.add.f32 [tilespmem:s16], [sflag:$0x3], $0x80, s9, s15, $0xb8;
	[tilespmem:$0x1C400] =	vst v63  }
0x12b: {  	_ =	swait.ge [sflag:s10], $0x4000  }
0x12c: {  	[sflag:s10] =	ssyncset.done $0x0  }
0x12d: {  	s7 =	rddreg [dreg:$0xb];
	[sflag:s10] =	ssyncadd.s32 $0xFFFFC000  }
0x12e: {  	[tilespmem:s16], [sflag:$0x2] =	stream.indirect.gather [hbm4b:s0+s12], $0x80, s7, s12, $0xb8;
	[tilespmem:$0x1C400] =	vst v63  }
0x12f: {  	s8 =	rddreg [dreg:$0xc]  }
0x130: {  	[tilespmem:s17], [sflag:$0x2] =	stream.indirect.gather [hbm4b:s0+s12], $0x80, s8, s12, $0xb8;
	[tilespmem:$0x1C400] =	vst v63  }
0x131: {  	_ =	swait.ge [sflag:s18], $0x2000  }
0x132: {  	[sflag:s18] =	ssyncset.done $0x0  }
0x133: {  	[sflag:s18] =	ssyncadd.s32 $0xFFFFE000  }
0x134: {  	_ =	swait.ge [sflag:s18], $0x2000  }
0x135: {  	[sflag:s18] =	ssyncset.done $0x0  }
0x136: {  	[sflag:s18] =	ssyncadd.s32 $0xFFFFE000  }
0x137: {  	[spmem:s3] =	stream.indirect.scatter.add.f32 [tilespmem:s13], [sflag:$0x3], $0x80, s20, s15, $0xb8;
	[tilespmem:$0x1C400] =	vst v63  }
0x138: {  	_ =	swait.ge [sflag:s10], $0x4000  }
0x139: {  	[sflag:s10] =	ssyncset.done $0x0  }
0x13a: {  	[sflag:s10] =	ssyncadd.s32 $0xFFFFC000  }
0x13b: {  	[tilespmem:s13], [sflag:$0x1] =	stream.indirect.gather [hbm4b:s0+s12], $0x80, s21, s12, $0xb8;
	[tilespmem:$0x1C400] =	vst v63  }
0x13c: {  	_ = 	snop  }
0x13d: {  	[tilespmem:s14], [sflag:$0x1] =	stream.indirect.gather [hbm4b:s0+s12], $0x80, s22, s12, $0xb8;
	[tilespmem:$0x1C400] =	vst v63  }
0x13e: {  	_ =	swait.ge [sflag:s19], $0x2000  }
0x13f: {  	[sflag:s19] =	ssyncset.done $0x0  }
0x140: {  	[sflag:s19] =	ssyncadd.s32 $0xFFFFE000  }
0x141: {  	_ =	swait.ge [sflag:s19], $0x2000  }
0x142: {  	[sflag:s19] =	ssyncset.done $0x0  }
0x143: {  	[sflag:s19] =	ssyncadd.s32 $0xFFFFE000  }
0x144: {  	[spmem:s3] =	stream.indirect.scatter.add.f32 [tilespmem:s16], [sflag:$0x3], $0x80, s23, s15, $0xb8;
	[tilespmem:$0x1C400] =	vst v63  }
0x145: {  	_ =	swait.ge [sflag:s10], $0x4000  }
0x146: {  	[sflag:s10] =	ssyncset.done $0x0  }
0x147: {  	[sflag:s10] =	ssyncadd.s32 $0xFFFFC000  }
0x148: {  	[tilespmem:s16], [sflag:$0x2] =	stream.indirect.gather [hbm4b:s0+s12], $0x80, s24, s12, $0xb8;
	[tilespmem:$0x1C400] =	vst v63  }
0x149: {  	_ = 	snop  }
0x14a: {  	[tilespmem:s17], [sflag:$0x2] =	stream.indirect.gather [hbm4b:s0+s12], $0x80, s25, s12, $0xb8;
	[tilespmem:$0x1C400] =	vst v63  }
0x14b: {  	_ =	swait.ge [sflag:s18], $0x2000  }
0x14c: {  	[sflag:s18] =	ssyncset.done $0x0  }
0x14d: {  	[sflag:s18] =	ssyncadd.s32 $0xFFFFE000  }
0x14e: {  	_ =	swait.ge [sflag:s18], $0x2000  }
0x14f: {  	[sflag:s18] =	ssyncset.done $0x0  }
0x150: {  	[sflag:s18] =	ssyncadd.s32 $0xFFFFE000  }
0x151: {  	[spmem:s3] =	stream.indirect.scatter.add.f32 [tilespmem:s13], [sflag:$0x3], $0x80, s26, s15, $0xb8;
	[tilespmem:$0x1C400] =	vst v63  }
0x152: {  	_ =	swait.ge [sflag:s10], $0x4000  }
0x153: {  	[sflag:s10] =	ssyncset.done $0x0  }
0x154: {  	[sflag:s10] =	ssyncadd.s32 $0xFFFFC000  }
0x155: {  	[tilespmem:s13], [sflag:$0x1] =	stream.indirect.gather [hbm4b:s0+s12], $0x80, s28, s12, $0xb8;
	[tilespmem:$0x1C400] =	vst v63  }
0x156: {  	_ = 	snop  }
0x157: {  	[tilespmem:s14], [sflag:$0x1] =	stream.indirect.gather [hbm4b:s0+s12], $0x80, s29, s12, $0xb8;
	[tilespmem:$0x1C400] =	vst v63  }
0x158: {  	_ =	swait.ge [sflag:s19], $0x2000  }
0x159: {  	[sflag:s19] =	ssyncset.done $0x0  }
0x15a: {  	[sflag:s19] =	ssyncadd.s32 $0xFFFFE000  }
0x15b: {  	_ =	swait.ge [sflag:s19], $0x2000  }
0x15c: {  	[sflag:s19] =	ssyncset.done $0x0  }
0x15d: {  	[sflag:s19] =	ssyncadd.s32 $0xFFFFE000  }
0x15e: {  	[spmem:s3] =	stream.indirect.scatter.add.f32 [tilespmem:s16], [sflag:$0x3], $0x80, s30, s15, $0xb8;
	[tilespmem:$0x1C400] =	vst v63  }
0x15f: {  	_ =	swait.ge [sflag:s10], $0x4000  }
0x160: {  	[sflag:s10] =	ssyncset.done $0x0  }
0x161: {  	[sflag:s10] =	ssyncadd.s32 $0xFFFFC000  }
0x162: {  	[tilespmem:s16], [sflag:$0x2] =	stream.indirect.gather [hbm4b:s0+s12], $0x80, s31, s12, $0xb8;
	[tilespmem:$0x1C400] =	vst v63  }
0x163: {  	_ = 	snop  }
0x164: {  	[tilespmem:s17], [sflag:$0x2] =	stream.indirect.gather [hbm4b:s0+s12], $0x80, s2, s12, $0xb8;
	[tilespmem:$0x1C400] =	vst v63  }
0x165: {  	_ =	swait.ge [sflag:s18], $0x2000  }
0x166: {  	[sflag:s18] =	ssyncset.done $0x0  }
0x167: {  	[sflag:s18] =	ssyncadd.s32 $0xFFFFE000  }
0x168: {  	_ =	swait.ge [sflag:s18], $0x2000  }
0x169: {  	[sflag:s18] =	ssyncset.done $0x0  }
0x16a: {  	[sflag:s18] =	ssyncadd.s32 $0xFFFFE000  }
0x16b: {  	[spmem:s3] =	stream.indirect.scatter.add.f32 [tilespmem:s13], [sflag:$0x3], $0x80, s1, s15, $0xb8;
	[tilespmem:$0x1C400] =	vst v63  }
0x16c: {  	_ =	swait.ge [sflag:s10], $0x4000  }
0x16d: {  	[sflag:s10] =	ssyncset.done $0x0  }
0x16e: {  	[sflag:s10] =	ssyncadd.s32 $0xFFFFC000  }
0x16f: {  	_ =	swait.ge [sflag:s19], $0x2000  }
0x170: {  	[sflag:s19] =	ssyncset.done $0x0  }
0x171: {  	[sflag:s19] =	ssyncadd.s32 $0xFFFFE000  }
0x172: {  	_ =	swait.ge [sflag:s19], $0x2000  }
0x173: {  	[sflag:s19] =	ssyncset.done $0x0  }
0x174: {  	[sflag:s19] =	ssyncadd.s32 $0xFFFFE000  }
0x175: {  	[spmem:s3] =	stream.indirect.scatter.add.f32 [tilespmem:s16], [sflag:$0x3], $0x80, s5, s15, $0xb8;
	[tilespmem:$0x1C400] =	vst v63  }
0x176: {  	_ =	swait.ge [sflag:s10], $0x4000  }
0x177: {  	[sflag:s10] =	ssyncset.done $0x0  }
0x178: {  	[sflag:s10] =	ssyncadd.s32 $0xFFFFC000  }
0x179: {  	[bflag:$0x0] =	sbarrier.arrive $0xFFFF  }
0x17a: {  	s8 =	rddreg [dreg:$0xe]  }
0x17b: {  	s9 =	rddreg [dreg:$0xf]  }
0x17c: {  	s7 =	rddreg [dreg:$0x11]  }
0x17d: {  	[hbm:s9], [sflag:s8] =	dma.local [spmem:s7], $0x2780  }
0x17e: {  	_ =	swait.ge [sflag:s10], $0x2780  }
0x17f: {  	s6 =	rddreg [dreg:$0x12]  }
0x180: {  	s9 =	sadd.s32 $0x1, s6;
	s6 =	rddreg [dreg:$0x10]  }
0x181: {  	p0 =	sne.s32 s9, s6  }
.Ltmp1:
0x182: {  	_ = 	snop;
	(pc) =	sbr.rel @p0 .LBB2_1-.Ltmp1, $3  }
0x183: {  	_ =	sdelay $0x1  }
0x184: {  	[sflag:s10] =	ssyncset.done $0x0  }
0x185: {  	[sflag:s10] =	ssyncadd.s32 $0xFFFFD880  }
0x186: {  	_ =	sfence.sel $0x180000  }
0x187: {  	[bflag:$0x0] =	sbarrier.arrive $0xFFFF  }
0x188: {  	_ =	strace $0x90000047  }
0x189: {  	s0 =	stileid.u32;
	[bflag:$0x2] =	sbarrier.arrive $0xFFFF  }
0x18a: {  	p0 =	sne.s32 s0, $0x0;
	s0 =	rddreg [dreg:$0x4]  }
0x18b: {  	s0 =	sadd.s32 @!p0 $0x100000, s0  }
0x18c: {  	[sflag:s0] =	ssyncadd.tile.s32 @!p0 $0x1;
	_ =	shalt  }
.Lfunc_end2:
_tile_overlayer_lowered:
.L_overlay_start_2:
0x18d: {  	(tag) =	ssettag $0x2  }
0x18e: {  	s0 =	rddreg [dreg:$0x0];
	s2 =	stileid.u32  }
0x18f: {  	s1 =	rddreg [dreg:$0x1];
	p0 =	sne.s32 s2, $0x0  }
0x190: {  	s3 =	rddreg [dreg:$0x2];
	[bflag:$0x3] =	sbarrier.arrive $0xFFFF;
	s2 =	simm.s32 @!p0 $0x1C03  }
0x191: {  	[timem:s3], [sflag:s2] =	dma.local @!p0 [hbm:s0], s1  }
0x192: {  	s0 =	simm.s32 @!p0 $0x3  }
0x193: {  	_ =	swait.ge @!p0 [sflag:s0], s1  }
0x194: {  	s1 =	ssub.s32 @!p0 $0x0, s1;
	[sflag:s0] =	ssyncset.done @!p0 $0x0  }
0x195: {  	[sflag:s0] =	ssyncadd.s32 @!p0 s1  }
0x196: {  	[bflag:$0x3] =	sbarrier.arrive $0xFFFF  }
0x197: {  	_ =	shalt  }

</sc_bundles>
